<compile_context>
chip_gen: v7x
topology: tpu7x:2x2x1
jax: 0.10.2.dev20260603
libtpu: 0.0.44.dev20260713+nightly
codegen_flags: <defaults>
</compile_context>

<pallas_src>
import functools

import numpy as np
import jax
import jax.numpy as jnp
from jax import lax
from jax.experimental import pallas as pl
from jax.experimental.pallas import tpu as pltpu
from jax.experimental.pallas import tpu_sc as plsc

N_EVENTS = 8
N_VIEWS = 8
NF = N_EVENTS * N_VIEWS
P = NF - 1
T_TOK = NF * P // 2
C = 256
PATCH_DIM = 768
NH = 8
DH = C // NH
MLP = 1024
LF = 5 + P
LG = N_VIEWS * LF
VPAD = 4096
CAMROW = 2 * T_TOK
GB = NF * LF
RB = 2048


def _sc_gather_rows(table, idx, b_per_w):
    B = idx.shape[0]
    D = table.shape[1]
    info = plsc.get_sparse_core_info()
    nc = info.num_cores

    mesh = plsc.VectorSubcoreMesh(core_axis_name="c", subcore_axis_name="s",
                                  num_cores=nc)

    @functools.partial(
        pl.kernel, mesh=mesh,
        out_type=jax.ShapeDtypeStruct((B, D), jnp.float32),
        scratch_types=[
            pltpu.VMEM((b_per_w,), jnp.int32),
            pltpu.VMEM((b_per_w, D), jnp.float32),
            pltpu.SemaphoreType.DMA,
        ],
    )
    def k(table_hbm, idx_hbm, out_hbm, idx_v, rows_v, sem):
        wid = lax.axis_index("s") * nc + lax.axis_index("c")
        base = wid * b_per_w
        pltpu.sync_copy(idx_hbm.at[pl.ds(base, b_per_w)], idx_v)
        pltpu.async_copy(table_hbm.at[idx_v], rows_v, sem).wait()
        pltpu.sync_copy(rows_v, out_hbm.at[pl.ds(base, b_per_w)])

    return k(table, idx)


def _tok_body(pat_ref, crd_ref, wt_ref, bt_ref, wp_ref, bp_ref, cam_ref,
              reg_ref, o_ref):
    tok = jnp.dot(pat_ref[...], wt_ref[...], preferred_element_type=jnp.float32)
    pe = jnp.dot(crd_ref[...], wp_ref[...], preferred_element_type=jnp.float32)
    o_ref[:T_TOK] = tok + bt_ref[...] + pe + bp_ref[...]
    o_ref[T_TOK:] = jnp.broadcast_to(bp_ref[...], (VPAD - T_TOK, C))
    spec = jnp.concatenate(
        [cam_ref[...], reg_ref[...],
         jnp.broadcast_to(bp_ref[...], (3, C))], axis=0)
    o_ref[CAMROW:CAMROW + 8] = spec


def _tokenize(all_patches, all_coords, params):
    return pl.pallas_call(
        _tok_body,
        out_shape=jax.ShapeDtypeStruct((VPAD, C), jnp.float32),
    )(all_patches, all_coords,
      params["tok"]["W"], params["tok"]["b"].reshape(1, C),
      params["pos"]["W"], params["pos"]["b"].reshape(1, C),
      params["camera_token"], params["register_tokens"])


def _sub_block(x, f8, ln1g, ln1b, wqkv, bqkv, wproj, bproj,
               ln2g, ln2b, w1, b1, w2, b2):
    bf = jnp.bfloat16
    mu = jnp.mean(x, axis=-1, keepdims=True)
    var = jnp.mean(jnp.square(x - mu), axis=-1, keepdims=True)
    h = ((x - mu) * lax.rsqrt(var + 1e-6) * ln1g + ln1b).astype(bf)
    qkv = jnp.dot(h, wqkv, preferred_element_type=jnp.float32) + bqkv
    scale = 1.0 / np.sqrt(DH)
    q_b = (qkv[:, :C] * scale).astype(bf)
    kv_b = qkv[:, C:].astype(bf)
    outs = []
    pos8 = jnp.full((LG, 1), 8.0, dtype=bf)
    for hd in range(NH):
        q = q_b[:, hd * DH:(hd + 1) * DH]
        kk = kv_b[:, hd * DH:(hd + 1) * DH]
        v = kv_b[:, C + hd * DH:C + (hd + 1) * DH]
        if f8 is not None:
            q = jnp.concatenate([q, f8, pos8], axis=-1)
            kk = jnp.concatenate([kk, f8, -pos8], axis=-1)
        s = lax.dot_general(q, kk, (((1,), (1,)), ((), ())),
                            preferred_element_type=jnp.float32)
        e = jnp.exp(s).astype(bf)
        v_aug = jnp.concatenate(
            [v, jnp.ones((LG, 1), dtype=bf)], axis=-1)
        ov = jnp.dot(e, v_aug, preferred_element_type=jnp.float32)
        outs.append(ov[:, :DH] * lax.reciprocal(ov[:, DH:DH + 1]))
    o = jnp.concatenate(outs, axis=-1).astype(bf)
    x1 = x + jnp.dot(o, wproj, preferred_element_type=jnp.float32) + bproj
    mu2 = jnp.mean(x1, axis=-1, keepdims=True)
    var2 = jnp.mean(jnp.square(x1 - mu2), axis=-1, keepdims=True)
    h2 = ((x1 - mu2) * lax.rsqrt(var2 + 1e-6) * ln2g + ln2b).astype(bf)
    m = jnp.maximum(
        jnp.dot(h2, w1, preferred_element_type=jnp.float32) + b1, 0.0).astype(bf)
    return x1 + jnp.dot(m, w2, preferred_element_type=jnp.float32) + b2


def _mega_body(x_ref, f8_ref, *refs):
    prm_refs, o_ref, d_ref = refs[:-2], refs[-2], refs[-1]
    wd1, bd1, wd2, bd2 = (r[...] for r in prm_refs[48:52])
    x = x_ref[0]
    f8 = f8_ref[...]
    for i in range(4):
        prms = [r[...] for r in prm_refs[12 * i:12 * (i + 1)]]
        x = _sub_block(x, f8 if i % 2 == 0 else None, *prms)
    o_ref[0] = x
    hd = jnp.maximum(
        jnp.dot(x, wd1, preferred_element_type=jnp.float32) + bd1, 0.0)
    d = jnp.dot(hd, wd2, preferred_element_type=jnp.float32) + bd2
    d_ref[0] = jnp.broadcast_to(d, (LG, 128))


def _sub_params(p):
    bf = jnp.bfloat16
    return [p["ln1_g"].reshape(1, C), p["ln1_b"].reshape(1, C),
            p["qkv"]["W"].astype(bf), p["qkv"]["b"].reshape(1, 3 * C),
            p["proj"]["W"].astype(bf), p["proj"]["b"].reshape(1, C),
            p["ln2_g"].reshape(1, C), p["ln2_b"].reshape(1, C),
            p["fc1"]["W"].astype(bf), p["fc1"]["b"].reshape(1, MLP),
            p["fc2"]["W"].astype(bf), p["fc2"]["b"].reshape(1, C)]


def _transformer(x, blocks, dp):
    bf = jnp.bfloat16
    fid = jnp.arange(LG, dtype=jnp.int32) // LF
    f8 = 8.0 * jax.nn.one_hot(fid, N_VIEWS, dtype=jnp.float32)
    f8 = f8.astype(bf)
    prm = []
    for blk in blocks:
        prm += _sub_params(blk["frame"])
        prm += _sub_params(blk["global"])
    prm += [dp["fc1"]["W"], dp["fc1"]["b"].reshape(1, C),
            dp["fc2"]["W"], dp["fc2"]["b"].reshape(1, 1)]
    wspecs = [pl.BlockSpec(w.shape, functools.partial(
        (lambda n, b: (0,) * n), w.ndim)) for w in prm]
    return pl.pallas_call(
        _mega_body,
        grid=(N_EVENTS,),
        in_specs=([pl.BlockSpec((1, LG, C), lambda b: (b, 0, 0)),
                   pl.BlockSpec((LG, N_VIEWS), lambda b: (0, 0))] + wspecs),
        out_specs=[pl.BlockSpec((1, LG, C), lambda b: (b, 0, 0)),
                   pl.BlockSpec((1, LG, 128), lambda b: (b, 0, 0))],
        out_shape=[jax.ShapeDtypeStruct((N_EVENTS, LG, C), jnp.float32),
                   jax.ShapeDtypeStruct((N_EVENTS, LG, 128), jnp.float32)],
    )(x, f8, *prm)


def kernel(patch_counts, all_coords, all_patches, params):
    flat_counts = patch_counts.reshape(-1).astype(jnp.int32)
    starts = jnp.concatenate(
        [jnp.zeros((1,), jnp.int32), jnp.cumsum(flat_counts)[:-1]])

    slot = jnp.arange(LF, dtype=jnp.int32)
    p_of = slot[None, :] - 5
    fidx = jnp.arange(NF, dtype=jnp.int32)[:, None]
    real = p_of < flat_counts[:, None]
    dummy = (T_TOK + P * fidx - starts[:, None]
             + p_of - flat_counts[:, None])
    body = jnp.where(real, starts[:, None] + p_of, dummy)
    idx = jnp.where(slot[None, :] < 5, CAMROW + slot[None, :],
                    body).astype(jnp.int32).reshape(-1)

    table = _tokenize(all_patches, all_coords, params)
    x0 = _sc_gather_rows(table, idx, GB // 32)

    x, d16 = _transformer(x0.reshape(N_EVENTS, LG, C),
                          params["blocks"], params["depth"])

    mask63 = slot[None, :P] < flat_counts[:, None]
    q = jnp.nonzero(mask63.reshape(-1), size=T_TOK)[0].astype(jnp.int32)
    ridx = q + 5 * (q // P) + 5
    ridx = jnp.concatenate(
        [ridx, jnp.zeros((RB - T_TOK,), jnp.int32)])
    rows = _sc_gather_rows(d16.reshape(NF * LF, 128), ridx, RB // 32)

    depth = rows[:T_TOK, :1]
    agg = x.reshape(N_EVENTS, N_VIEWS, LF, C)
    return (depth, agg)

# --- scband reference (transcript-rebuilt; emitter-appended) ---
"""Pipeline reference for scband-vggt-38156489458369 (READ-ONLY COPY).

The authoritative reference and input builder live on the scoring server;
editing this copy changes nothing except your own understanding.
"""

import jax, jax.numpy as jnp
import numpy as np

EMBED_DIM = 256
PATCH_DIM = 768
COORD_DIM = 2
N_EVENTS = 8
N_VIEWS = 8
N_HEADS = 8
N_BLOCKS = 2
MLP_DIM = 1024
PATCH_START_IDX = 5  # 1 camera token + 4 register tokens


def _linear_params(key, din, dout):
    return {"W": (jax.random.normal(key, (din, dout), dtype=jnp.float32) / np.sqrt(din)),
            "b": jnp.zeros((dout,), dtype=jnp.float32)}


def _attn_block_params(key, dim):
    ks = jax.random.split(key, 4)
    return {
        "ln1_g": jnp.ones((dim,), jnp.float32), "ln1_b": jnp.zeros((dim,), jnp.float32),
        "qkv": _linear_params(ks[0], dim, 3 * dim),
        "proj": _linear_params(ks[1], dim, dim),
        "ln2_g": jnp.ones((dim,), jnp.float32), "ln2_b": jnp.zeros((dim,), jnp.float32),
        "fc1": _linear_params(ks[2], dim, MLP_DIM),
        "fc2": _linear_params(ks[3], MLP_DIM, dim),
    }


def _make_params(key):
    ks = jax.random.split(key, 4 + 2 * N_BLOCKS)
    params = {
        "tok": _linear_params(ks[0], PATCH_DIM, EMBED_DIM),
        "pos": _linear_params(ks[1], COORD_DIM, EMBED_DIM),
        "camera_token": jax.random.normal(ks[2], (1, EMBED_DIM), dtype=jnp.float32) * 0.02,
        "register_tokens": jax.random.normal(ks[3], (4, EMBED_DIM), dtype=jnp.float32) * 0.02,
    }
    blocks = []
    for i in range(N_BLOCKS):
        blocks.append({"frame": _attn_block_params(ks[4 + 2 * i], EMBED_DIM),
                       "global": _attn_block_params(ks[5 + 2 * i], EMBED_DIM)})
    params["blocks"] = blocks
    kd1, kd2 = jax.random.split(jax.random.fold_in(key, 999))
    params["depth"] = {"fc1": _linear_params(kd1, EMBED_DIM, EMBED_DIM),
                       "fc2": _linear_params(kd2, EMBED_DIM, 1)}
    return params


def _layernorm(x, g, b):
    m = jnp.mean(x, axis=-1, keepdims=True)
    v = jnp.var(x, axis=-1, keepdims=True)
    return (x - m) / jnp.sqrt(v + 1e-6) * g + b


def _attn_block(x, p):
    B, L, C = x.shape
    h = _layernorm(x, p["ln1_g"], p["ln1_b"])
    qkv = h @ p["qkv"]["W"] + p["qkv"]["b"]
    q, k, v = jnp.split(qkv, 3, axis=-1)
    dh = C // N_HEADS
    def heads(t):
        return t.reshape(B, L, N_HEADS, dh).transpose(0, 2, 1, 3)
    q, k, v = heads(q), heads(k), heads(v)
    att = jax.nn.softmax((q @ k.transpose(0, 1, 3, 2)) / np.sqrt(dh), axis=-1)
    o = (att @ v).transpose(0, 2, 1, 3).reshape(B, L, C)
    x = x + (o @ p["proj"]["W"] + p["proj"]["b"])
    h2 = _layernorm(x, p["ln2_g"], p["ln2_b"])
    x = x + (jax.nn.relu(h2 @ p["fc1"]["W"] + p["fc1"]["b"]) @ p["fc2"]["W"] + p["fc2"]["b"])
    return x


def _unflatten_tokens(counts, x):
    # counts: (N,S) ints; x: (T, *C) -> (N, S, P, *C) zero-padded, faithful to torch version
    N, S = counts.shape
    flat_counts = counts.reshape(-1)
    P = N * S - 1
    starts = jnp.concatenate(
        [jnp.zeros((1,), flat_counts.dtype), jnp.cumsum(flat_counts)[:-1]])
    p = jnp.arange(P)
    idx = starts[:, None] + p[None, :]
    mask = p[None, :] < flat_counts[:, None]
    idx = jnp.clip(idx, 0, x.shape[0] - 1)
    g = jnp.take(x, idx.reshape(-1), axis=0)
    g = g.reshape(N * S, P, *x.shape[1:])
    m = mask.reshape(N * S, P, *([1] * (x.ndim - 1)))
    g = jnp.where(m, g, jnp.zeros((), x.dtype))
    return g.reshape(N, S, P, *x.shape[1:])


def _reflatten_index(counts, P):
    N, S = counts.shape
    flat_counts = counts.reshape(-1)
    T = (N * S) * (N * S - 1) // 2
    p = jnp.arange(P)
    mask = p[None, :] < flat_counts[:, None]
    return jnp.nonzero(mask.reshape(-1), size=T)[0]


def _forward(patch_counts, all_coords, all_patches, params):
    # tokenizer: patch pixels -> embed_dim tokens
    all_tokens = all_patches @ params["tok"]["W"] + params["tok"]["b"]
    pos = _unflatten_tokens(patch_counts, all_coords)     # (N,S,P,2)
    tokens = _unflatten_tokens(patch_counts, all_tokens)  # (N,S,P,C)
    N, S, P, C = tokens.shape
    pos_emb = pos @ params["pos"]["W"] + params["pos"]["b"]
    x = tokens + pos_emb
    cam = jnp.broadcast_to(params["camera_token"][None, None], (N, S, 1, C))
    reg = jnp.broadcast_to(params["register_tokens"][None, None], (N, S, 4, C))
    x = jnp.concatenate([cam, reg, x], axis=2)  # (N,S,5+P,C)
    L = x.shape[2]
    agg_list = []
    for blk in params["blocks"]:
        xf = _attn_block(x.reshape(N * S, L, C), blk["frame"])   # frame-wise attention
        xg = _attn_block(xf.reshape(N, S * L, C), blk["global"])  # global attention
        x = xg.reshape(N, S, L, C)
        agg_list.append(x)
    last = agg_list[-1][:, :, PATCH_START_IDX:, :]  # (N,S,P,C)
    idx = _reflatten_index(patch_counts, P)
    last_tokens = jnp.take(last.reshape(N * S * P, C), idx, axis=0)  # (T,C)
    dh = params["depth"]
    depth = jax.nn.relu(last_tokens @ dh["fc1"]["W"] + dh["fc1"]["b"]) @ dh["fc2"]["W"] + dh["fc2"]["b"]
    return depth, agg_list


def setup_inputs(seed: int = 0):
    key = jax.random.key(seed)
    k1, k2, k3 = jax.random.split(key, 3)
    patch_counts = jnp.arange(N_EVENTS * N_VIEWS, dtype=jnp.int32).reshape(N_EVENTS, N_VIEWS)
    T = int(np.sum(np.arange(N_EVENTS * N_VIEWS)))  # 2016
    all_coords = jax.random.uniform(k1, (T, COORD_DIM), dtype=jnp.float32)
    all_patches = jax.random.normal(k2, (T, PATCH_DIM), dtype=jnp.float32)
    params = _make_params(k3)
    return {"patch_counts": patch_counts, "all_coords": all_coords,
            "all_patches": all_patches, "params": params}


def reference(patch_counts, all_coords, all_patches, params):
    depth, agg_list = _forward(patch_counts, all_coords, all_patches, params)
    # predictions['depth'] plus last aggregated token tensor
    return (depth, agg_list[-1])

if __name__ == "__main__":
    import jax
    _d = setup_inputs()
    print(jax.jit(kernel)(*tuple(_d.values())))

</pallas_src>

<mosaic_0001>
#map = affine_map<(d0, d1) -> (0, 0)>
#map1 = affine_map<(d0, d1) -> (0)>
module attributes {stable_mosaic.version = 14 : i64} {
  func.func @k(%arg0: i32, %arg1: i32, %arg2: memref<4096x256xf32, #tpu.memory_space<hbm>>, %arg3: memref<4352xi32, #tpu.memory_space<hbm>>, %arg4: memref<4352x256xf32, #tpu.memory_space<hbm>>, %arg5: memref<136xi32, #tpu.memory_space<vmem>>, %arg6: memref<136x256xf32, #tpu.memory_space<vmem>>, %arg7: memref<!tpu.dma_semaphore, #tpu.memory_space<semaphore_mem>>) attributes {dimension_semantics = [#tpu.dimension_semantics<core_parallel>, #tpu.dimension_semantics<subcore_parallel>], iteration_bounds = array<i64: 2, 16>, scalar_prefetch = 0 : i64, scratch_operands = 3 : i64, tpu.core_type = #tpu.core_type<sc_vector_subcore>, window_params = [{transform_indices = #map}, {transform_indices = #map1}, {transform_indices = #map}]} {
    %mul3A = arith.constant 2 : i32
    %mul3A_0 = arith.muli %arg1, %mul3A : i32
    %add3A = arith.addi %mul3A_0, %arg0 : i32
    %mul3A_1 = arith.constant 136 : i32
    %mul3A_2 = arith.muli %add3A, %mul3A_1 : i32
    "tpu.region"() ({
      %run_scoped3A = tpu.sem_alloc : memref<!tpu.dma_semaphore, #tpu.memory_space<semaphore_mem>>
      %dma_start3A_7 = tpu.memref_slice %arg3[%mul3A_2] : memref<4352xi32, #tpu.memory_space<hbm>> -> memref<136xi32, #tpu.memory_space<hbm>>
      %dma_start3A_8 = tpu.memref_slice %arg3[%mul3A_2] : memref<4352xi32, #tpu.memory_space<hbm>> -> memref<136xi32, #tpu.memory_space<hbm>>
      tpu.enqueue_dma source(%dma_start3A_8 : memref<136xi32, #tpu.memory_space<hbm>>) target(%arg5 : memref<136xi32, #tpu.memory_space<vmem>>) target_semaphore(%run_scoped3A : memref<!tpu.dma_semaphore, #tpu.memory_space<semaphore_mem>>)
      %dma_wait3A_9 = tpu.memref_slice %arg3[%mul3A_2] : memref<4352xi32, #tpu.memory_space<hbm>> -> memref<136xi32, #tpu.memory_space<hbm>>
      %dma_wait3A_10 = tpu.memref_slice %arg3[%mul3A_2] : memref<4352xi32, #tpu.memory_space<hbm>> -> memref<136xi32, #tpu.memory_space<hbm>>
      tpu.wait_dma2 semaphore(%run_scoped3A : memref<!tpu.dma_semaphore, #tpu.memory_space<semaphore_mem>>) src(%dma_wait3A_10 : memref<136xi32, #tpu.memory_space<hbm>>) dst(%arg5 : memref<136xi32, #tpu.memory_space<vmem>>)
      tpu.yield
    }) : () -> ()
    %dma_start3A = arith.constant 0 : i32
    %dma_start3A_3 = arith.constant 0 : i32
    %dma_start3A_4 = tpu.memref_slice %arg2[%dma_start3A, %dma_start3A_3] : memref<4096x256xf32, #tpu.memory_space<hbm>> -> memref<4096x256xf32, #tpu.memory_space<hbm>>
    tpu.enqueue_indirect_dma source(%dma_start3A_4 : memref<4096x256xf32, #tpu.memory_space<hbm>>) target(%arg6 : memref<136x256xf32, #tpu.memory_space<vmem>>) offsets(%arg5 : memref<136xi32, #tpu.memory_space<vmem>>) semaphore(%arg7 : memref<!tpu.dma_semaphore, #tpu.memory_space<semaphore_mem>>)
    %dma_wait3A = arith.constant 0 : i32
    %dma_wait3A_5 = arith.constant 0 : i32
    %dma_wait3A_6 = tpu.memref_slice %arg2[%dma_wait3A, %dma_wait3A_5] : memref<4096x256xf32, #tpu.memory_space<hbm>> -> memref<4096x256xf32, #tpu.memory_space<hbm>>
    tpu.wait_indirect_dma semaphore(%arg7 : memref<!tpu.dma_semaphore, #tpu.memory_space<semaphore_mem>>) src(%dma_wait3A_6 : memref<4096x256xf32, #tpu.memory_space<hbm>>) dst(%arg6 : memref<136x256xf32, #tpu.memory_space<vmem>>)
    "tpu.region"() ({
      %run_scoped3A = tpu.sem_alloc : memref<!tpu.dma_semaphore, #tpu.memory_space<semaphore_mem>>
      %dma_start3A_7 = arith.constant 0 : i32
      %dma_start3A_8 = tpu.memref_slice %arg4[%mul3A_2, %dma_start3A_7] : memref<4352x256xf32, #tpu.memory_space<hbm>> -> memref<136x256xf32, #tpu.memory_space<hbm>>
      %dma_start3A_9 = arith.constant 0 : i32
      %dma_start3A_10 = tpu.memref_slice %arg4[%mul3A_2, %dma_start3A_9] : memref<4352x256xf32, #tpu.memory_space<hbm>> -> memref<136x256xf32, #tpu.memory_space<hbm>>
      tpu.enqueue_dma source(%arg6 : memref<136x256xf32, #tpu.memory_space<vmem>>) target(%dma_start3A_10 : memref<136x256xf32, #tpu.memory_space<hbm>>) target_semaphore(%run_scoped3A : memref<!tpu.dma_semaphore, #tpu.memory_space<semaphore_mem>>)
      %dma_wait3A_11 = arith.constant 0 : i32
      %dma_wait3A_12 = tpu.memref_slice %arg4[%mul3A_2, %dma_wait3A_11] : memref<4352x256xf32, #tpu.memory_space<hbm>> -> memref<136x256xf32, #tpu.memory_space<hbm>>
      %dma_wait3A_13 = arith.constant 0 : i32
      %dma_wait3A_14 = tpu.memref_slice %arg4[%mul3A_2, %dma_wait3A_13] : memref<4352x256xf32, #tpu.memory_space<hbm>> -> memref<136x256xf32, #tpu.memory_space<hbm>>
      tpu.wait_dma2 semaphore(%run_scoped3A : memref<!tpu.dma_semaphore, #tpu.memory_space<semaphore_mem>>) src(%arg6 : memref<136x256xf32, #tpu.memory_space<vmem>>) dst(%dma_wait3A_14 : memref<136x256xf32, #tpu.memory_space<hbm>>)
      tpu.yield
    }) : () -> ()
    return
  }
}

#map = affine_map<(d0, d1) -> (0, 0)>
#map1 = affine_map<(d0, d1) -> (0)>
module attributes {stable_mosaic.version = 14 : i64} {
  func.func @k(%arg0: i32, %arg1: i32, %arg2: memref<4352x128xf32, #tpu.memory_space<hbm>>, %arg3: memref<2048xi32, #tpu.memory_space<hbm>>, %arg4: memref<2048x128xf32, #tpu.memory_space<hbm>>, %arg5: memref<64xi32, #tpu.memory_space<vmem>>, %arg6: memref<64x128xf32, #tpu.memory_space<vmem>>, %arg7: memref<!tpu.dma_semaphore, #tpu.memory_space<semaphore_mem>>) attributes {dimension_semantics = [#tpu.dimension_semantics<core_parallel>, #tpu.dimension_semantics<subcore_parallel>], iteration_bounds = array<i64: 2, 16>, scalar_prefetch = 0 : i64, scratch_operands = 3 : i64, tpu.core_type = #tpu.core_type<sc_vector_subcore>, window_params = [{transform_indices = #map}, {transform_indices = #map1}, {transform_indices = #map}]} {
    %mul3A = arith.constant 2 : i32
    %mul3A_0 = arith.muli %arg1, %mul3A : i32
    %add3A = arith.addi %mul3A_0, %arg0 : i32
    %mul3A_1 = arith.constant 64 : i32
    %mul3A_2 = arith.muli %add3A, %mul3A_1 : i32
    "tpu.region"() ({
      %run_scoped3A = tpu.sem_alloc : memref<!tpu.dma_semaphore, #tpu.memory_space<semaphore_mem>>
      %dma_start3A_7 = tpu.memref_slice %arg3[%mul3A_2] : memref<2048xi32, #tpu.memory_space<hbm>> -> memref<64xi32, #tpu.memory_space<hbm>>
      %dma_start3A_8 = tpu.memref_slice %arg3[%mul3A_2] : memref<2048xi32, #tpu.memory_space<hbm>> -> memref<64xi32, #tpu.memory_space<hbm>>
      tpu.enqueue_dma source(%dma_start3A_8 : memref<64xi32, #tpu.memory_space<hbm>>) target(%arg5 : memref<64xi32, #tpu.memory_space<vmem>>) target_semaphore(%run_scoped3A : memref<!tpu.dma_semaphore, #tpu.memory_space<semaphore_mem>>)
      %dma_wait3A_9 = tpu.memref_slice %arg3[%mul3A_2] : memref<2048xi32, #tpu.memory_space<hbm>> -> memref<64xi32, #tpu.memory_space<hbm>>
      %dma_wait3A_10 = tpu.memref_slice %arg3[%mul3A_2] : memref<2048xi32, #tpu.memory_space<hbm>> -> memref<64xi32, #tpu.memory_space<hbm>>
      tpu.wait_dma2 semaphore(%run_scoped3A : memref<!tpu.dma_semaphore, #tpu.memory_space<semaphore_mem>>) src(%dma_wait3A_10 : memref<64xi32, #tpu.memory_space<hbm>>) dst(%arg5 : memref<64xi32, #tpu.memory_space<vmem>>)
      tpu.yield
    }) : () -> ()
    %dma_start3A = arith.constant 0 : i32
    %dma_start3A_3 = arith.constant 0 : i32
    %dma_start3A_4 = tpu.memref_slice %arg2[%dma_start3A, %dma_start3A_3] : memref<4352x128xf32, #tpu.memory_space<hbm>> -> memref<4352x128xf32, #tpu.memory_space<hbm>>
    tpu.enqueue_indirect_dma source(%dma_start3A_4 : memref<4352x128xf32, #tpu.memory_space<hbm>>) target(%arg6 : memref<64x128xf32, #tpu.memory_space<vmem>>) offsets(%arg5 : memref<64xi32, #tpu.memory_space<vmem>>) semaphore(%arg7 : memref<!tpu.dma_semaphore, #tpu.memory_space<semaphore_mem>>)
    %dma_wait3A = arith.constant 0 : i32
    %dma_wait3A_5 = arith.constant 0 : i32
    %dma_wait3A_6 = tpu.memref_slice %arg2[%dma_wait3A, %dma_wait3A_5] : memref<4352x128xf32, #tpu.memory_space<hbm>> -> memref<4352x128xf32, #tpu.memory_space<hbm>>
    tpu.wait_indirect_dma semaphore(%arg7 : memref<!tpu.dma_semaphore, #tpu.memory_space<semaphore_mem>>) src(%dma_wait3A_6 : memref<4352x128xf32, #tpu.memory_space<hbm>>) dst(%arg6 : memref<64x128xf32, #tpu.memory_space<vmem>>)
    "tpu.region"() ({
      %run_scoped3A = tpu.sem_alloc : memref<!tpu.dma_semaphore, #tpu.memory_space<semaphore_mem>>
      %dma_start3A_7 = arith.constant 0 : i32
      %dma_start3A_8 = tpu.memref_slice %arg4[%mul3A_2, %dma_start3A_7] : memref<2048x128xf32, #tpu.memory_space<hbm>> -> memref<64x128xf32, #tpu.memory_space<hbm>>
      %dma_start3A_9 = arith.constant 0 : i32
      %dma_start3A_10 = tpu.memref_slice %arg4[%mul3A_2, %dma_start3A_9] : memref<2048x128xf32, #tpu.memory_space<hbm>> -> memref<64x128xf32, #tpu.memory_space<hbm>>
      tpu.enqueue_dma source(%arg6 : memref<64x128xf32, #tpu.memory_space<vmem>>) target(%dma_start3A_10 : memref<64x128xf32, #tpu.memory_space<hbm>>) target_semaphore(%run_scoped3A : memref<!tpu.dma_semaphore, #tpu.memory_space<semaphore_mem>>)
      %dma_wait3A_11 = arith.constant 0 : i32
      %dma_wait3A_12 = tpu.memref_slice %arg4[%mul3A_2, %dma_wait3A_11] : memref<2048x128xf32, #tpu.memory_space<hbm>> -> memref<64x128xf32, #tpu.memory_space<hbm>>
      %dma_wait3A_13 = arith.constant 0 : i32
      %dma_wait3A_14 = tpu.memref_slice %arg4[%mul3A_2, %dma_wait3A_13] : memref<2048x128xf32, #tpu.memory_space<hbm>> -> memref<64x128xf32, #tpu.memory_space<hbm>>
      tpu.wait_dma2 semaphore(%run_scoped3A : memref<!tpu.dma_semaphore, #tpu.memory_space<semaphore_mem>>) src(%arg6 : memref<64x128xf32, #tpu.memory_space<vmem>>) dst(%dma_wait3A_14 : memref<64x128xf32, #tpu.memory_space<hbm>>)
      tpu.yield
    }) : () -> ()
    return
  }
}

module attributes {stable_mosaic.version = 14 : i64} {
  func.func @_tok_body(%arg0: memref<2016x768xf32, #tpu.memory_space<vmem>>, %arg1: memref<2016x2xf32, #tpu.memory_space<vmem>>, %arg2: memref<768x256xf32, #tpu.memory_space<vmem>>, %arg3: memref<1x256xf32, #tpu.memory_space<vmem>>, %arg4: memref<2x256xf32, #tpu.memory_space<vmem>>, %arg5: memref<1x256xf32, #tpu.memory_space<vmem>>, %arg6: memref<1x256xf32, #tpu.memory_space<vmem>>, %arg7: memref<4x256xf32, #tpu.memory_space<vmem>>, %arg8: memref<4096x256xf32, #tpu.memory_space<vmem>>) attributes {dimension_semantics = [], scalar_prefetch = 0 : i64, scratch_operands = 0 : i64, tpu.core_type = #tpu.core_type<tc>} {
    %get3A = arith.constant 0 : index
    %get3A_0 = arith.constant 0 : index
    %get3A_1 = vector.load %arg0[%get3A, %get3A_0] : memref<2016x768xf32, #tpu.memory_space<vmem>>, vector<2016x768xf32>
    %get3A_2 = arith.constant 0 : index
    %get3A_3 = arith.constant 0 : index
    %get3A_4 = vector.load %arg2[%get3A_2, %get3A_3] : memref<768x256xf32, #tpu.memory_space<vmem>>, vector<768x256xf32>
    %dot_general3A = arith.constant dense<0.000000e+00> : vector<2016x256xf32>
    %dot_general3A_5 = tpu.matmul %get3A_1, %get3A_4, %dot_general3A {dimension_numbers = #tpu.dot_dimension_numbers<[1], [0], [0], [1], [0, 0, 1, 1], [], []>, transpose_lhs_hint = false} : vector<2016x768xf32>, vector<768x256xf32>, vector<2016x256xf32> -> vector<2016x256xf32>
    %get3A_6 = arith.constant 0 : index
    %get3A_7 = arith.constant 0 : index
    %get3A_8 = vector.load %arg1[%get3A_6, %get3A_7] : memref<2016x2xf32, #tpu.memory_space<vmem>>, vector<2016x2xf32>
    %get3A_9 = arith.constant 0 : index
    %get3A_10 = arith.constant 0 : index
    %get3A_11 = vector.load %arg4[%get3A_9, %get3A_10] : memref<2x256xf32, #tpu.memory_space<vmem>>, vector<2x256xf32>
    %dot_general3A_12 = arith.constant dense<0.000000e+00> : vector<2016x256xf32>
    %dot_general3A_13 = tpu.matmul %get3A_8, %get3A_11, %dot_general3A_12 {dimension_numbers = #tpu.dot_dimension_numbers<[1], [0], [0], [1], [0, 0, 1, 1], [], []>, transpose_lhs_hint = false} : vector<2016x2xf32>, vector<2x256xf32>, vector<2016x256xf32> -> vector<2016x256xf32>
    %get3A_14 = arith.constant 0 : index
    %get3A_15 = arith.constant 0 : index
    %get3A_16 = vector.load %arg3[%get3A_14, %get3A_15] : memref<1x256xf32, #tpu.memory_space<vmem>>, vector<1x256xf32>
    %add3A = vector.broadcast %get3A_16 : vector<1x256xf32> to vector<2016x256xf32>
    %add3A_17 = arith.addf %dot_general3A_5, %add3A : vector<2016x256xf32>
    %add3A_18 = arith.addf %add3A_17, %dot_general3A_13 : vector<2016x256xf32>
    %get3A_19 = arith.constant 0 : index
    %get3A_20 = arith.constant 0 : index
    %get3A_21 = vector.load %arg5[%get3A_19, %get3A_20] : memref<1x256xf32, #tpu.memory_space<vmem>>, vector<1x256xf32>
    %add3A_22 = vector.broadcast %get3A_21 : vector<1x256xf32> to vector<2016x256xf32>
    %add3A_23 = arith.addf %add3A_18, %add3A_22 : vector<2016x256xf32>
    %swap3A = arith.constant 0 : index
    %swap3A_24 = arith.constant 0 : index
    %swap3A_25 = vector.load %arg8[%swap3A, %swap3A_24] : memref<4096x256xf32, #tpu.memory_space<vmem>>, vector<2016x256xf32>
    tpu.vector_store %arg8[%swap3A, %swap3A_24], %add3A_23 {strides = array<i32>} : memref<4096x256xf32, #tpu.memory_space<vmem>>, vector<2016x256xf32>,
    %get3A_26 = arith.constant 0 : index
    %get3A_27 = arith.constant 0 : index
    %get3A_28 = vector.load %arg5[%get3A_26, %get3A_27] : memref<1x256xf32, #tpu.memory_space<vmem>>, vector<1x256xf32>
    %broadcast_in_dim3A = vector.shape_cast %get3A_28 : vector<1x256xf32> to vector<1x256xf32>
    %broadcast_in_dim3A_29 = vector.broadcast %broadcast_in_dim3A : vector<1x256xf32> to vector<2080x256xf32>
    %swap3A_30 = arith.constant 2016 : index
    %swap3A_31 = arith.constant 0 : index
    %swap3A_32 = vector.load %arg8[%swap3A_30, %swap3A_31] : memref<4096x256xf32, #tpu.memory_space<vmem>>, vector<2080x256xf32>
    tpu.vector_store %arg8[%swap3A_30, %swap3A_31], %broadcast_in_dim3A_29 {strides = array<i32>} : memref<4096x256xf32, #tpu.memory_space<vmem>>, vector<2080x256xf32>,
    %get3A_33 = arith.constant 0 : index
    %get3A_34 = arith.constant 0 : index
    %get3A_35 = vector.load %arg6[%get3A_33, %get3A_34] : memref<1x256xf32, #tpu.memory_space<vmem>>, vector<1x256xf32>
    %get3A_36 = arith.constant 0 : index
    %get3A_37 = arith.constant 0 : index
    %get3A_38 = vector.load %arg7[%get3A_36, %get3A_37] : memref<4x256xf32, #tpu.memory_space<vmem>>, vector<4x256xf32>
    %get3A_39 = arith.constant 0 : index
    %get3A_40 = arith.constant 0 : index
    %get3A_41 = vector.load %arg5[%get3A_39, %get3A_40] : memref<1x256xf32, #tpu.memory_space<vmem>>, vector<1x256xf32>
    %broadcast_in_dim3A_42 = vector.shape_cast %get3A_41 : vector<1x256xf32> to vector<1x256xf32>
    %broadcast_in_dim3A_43 = vector.broadcast %broadcast_in_dim3A_42 : vector<1x256xf32> to vector<3x256xf32>
    %concatenate3A = tpu.concatenate %get3A_35, %get3A_38, %broadcast_in_dim3A_43 in 0 : vector<1x256xf32>, vector<4x256xf32>, vector<3x256xf32> -> vector<8x256xf32>
    %swap3A_44 = arith.constant 4032 : index
    %swap3A_45 = arith.constant 0 : index
    %swap3A_46 = vector.load %arg8[%swap3A_44, %swap3A_45] : memref<4096x256xf32, #tpu.memory_space<vmem>>, vector<8x256xf32>
    tpu.vector_store %arg8[%swap3A_44, %swap3A_45], %concatenate3A {strides = array<i32>} : memref<4096x256xf32, #tpu.memory_space<vmem>>, vector<8x256xf32>,
    return
  }
}

module attributes {stable_mosaic.version = 14 : i64} {
  func.func @_mega_body(%arg0: i32, %arg1: memref<1x544x256xf32, #tpu.memory_space<vmem>>, %arg2: memref<544x8xbf16, #tpu.memory_space<vmem>>, %arg3: memref<1x256xf32, #tpu.memory_space<vmem>>, %arg4: memref<1x256xf32, #tpu.memory_space<vmem>>, %arg5: memref<256x768xbf16, #tpu.memory_space<vmem>>, %arg6: memref<1x768xf32, #tpu.memory_space<vmem>>, %arg7: memref<256x256xbf16, #tpu.memory_space<vmem>>, %arg8: memref<1x256xf32, #tpu.memory_space<vmem>>, %arg9: memref<1x256xf32, #tpu.memory_space<vmem>>, %arg10: memref<1x256xf32, #tpu.memory_space<vmem>>, %arg11: memref<256x1024xbf16, #tpu.memory_space<vmem>>, %arg12: memref<1x1024xf32, #tpu.memory_space<vmem>>, %arg13: memref<1024x256xbf16, #tpu.memory_space<vmem>>, %arg14: memref<1x256xf32, #tpu.memory_space<vmem>>, %arg15: memref<1x256xf32, #tpu.memory_space<vmem>>, %arg16: memref<1x256xf32, #tpu.memory_space<vmem>>, %arg17: memref<256x768xbf16, #tpu.memory_space<vmem>>, %arg18: memref<1x768xf32, #tpu.memory_space<vmem>>, %arg19: memref<256x256xbf16, #tpu.memory_space<vmem>>, %arg20: memref<1x256xf32, #tpu.memory_space<vmem>>, %arg21: memref<1x256xf32, #tpu.memory_space<vmem>>, %arg22: memref<1x256xf32, #tpu.memory_space<vmem>>, %arg23: memref<256x1024xbf16, #tpu.memory_space<vmem>>, %arg24: memref<1x1024xf32, #tpu.memory_space<vmem>>, %arg25: memref<1024x256xbf16, #tpu.memory_space<vmem>>, %arg26: memref<1x256xf32, #tpu.memory_space<vmem>>, %arg27: memref<1x256xf32, #tpu.memory_space<vmem>>, %arg28: memref<1x256xf32, #tpu.memory_space<vmem>>, %arg29: memref<256x768xbf16, #tpu.memory_space<vmem>>, %arg30: memref<1x768xf32, #tpu.memory_space<vmem>>, %arg31: memref<256x256xbf16, #tpu.memory_space<vmem>>, %arg32: memref<1x256xf32, #tpu.memory_space<vmem>>, %arg33: memref<1x256xf32, #tpu.memory_space<vmem>>, %arg34: memref<1x256xf32, #tpu.memory_space<vmem>>, %arg35: memref<256x1024xbf16, #tpu.memory_space<vmem>>, %arg36: memref<1x1024xf32, #tpu.memory_space<vmem>>, %arg37: memref<1024x256xbf16, #tpu.memory_space<vmem>>, %arg38: memref<1x256xf32, #tpu.memory_space<vmem>>, %arg39: memref<1x256xf32, #tpu.memory_space<vmem>>, %arg40: memref<1x256xf32, #tpu.memory_space<vmem>>, %arg41: memref<256x768xbf16, #tpu.memory_space<vmem>>, %arg42: memref<1x768xf32, #tpu.memory_space<vmem>>, %arg43: memref<256x256xbf16, #tpu.memory_space<vmem>>, %arg44: memref<1x256xf32, #tpu.memory_space<vmem>>, %arg45: memref<1x256xf32, #tpu.memory_space<vmem>>, %arg46: memref<1x256xf32, #tpu.memory_space<vmem>>, %arg47: memref<256x1024xbf16, #tpu.memory_space<vmem>>, %arg48: memref<1x1024xf32, #tpu.memory_space<vmem>>, %arg49: memref<1024x256xbf16, #tpu.memory_space<vmem>>, %arg50: memref<1x256xf32, #tpu.memory_space<vmem>>, %arg51: memref<256x256xf32, #tpu.memory_space<vmem>>, %arg52: memref<1x256xf32, #tpu.memory_space<vmem>>, %arg53: memref<256x1xf32, #tpu.memory_space<vmem>>, %arg54: memref<1x1xf32, #tpu.memory_space<vmem>>, %arg55: memref<1x544x256xf32, #tpu.memory_space<vmem>>, %arg56: memref<1x544x128xf32, #tpu.memory_space<vmem>>) attributes {dimension_semantics = [#tpu.dimension_semantics<arbitrary>], iteration_bounds = array<i64: 8>, scalar_prefetch = 0 : i64, scratch_operands = 0 : i64, tpu.core_type = #tpu.core_type<tc>, window_params = [{transform_indices = @transform_0, window_bounds = array<i64: 1, 544, 256>}, {pipeline_mode = #tpu.pipeline_mode<synchronous>, transform_indices = @transform_1, window_bounds = array<i64: 544, 8>}, {pipeline_mode = #tpu.pipeline_mode<synchronous>, transform_indices = @transform_2, window_bounds = array<i64: 1, 256>}, {pipeline_mode = #tpu.pipeline_mode<synchronous>, transform_indices = @transform_3, window_bounds = array<i64: 1, 256>}, {pipeline_mode = #tpu.pipeline_mode<synchronous>, transform_indices = @transform_4, window_bounds = array<i64: 256, 768>}, {pipeline_mode = #tpu.pipeline_mode<synchronous>, transform_indices = @transform_5, window_bounds = array<i64: 1, 768>}, {pipeline_mode = #tpu.pipeline_mode<synchronous>, transform_indices = @transform_6, window_bounds = array<i64: 256, 256>}, {pipeline_mode = #tpu.pipeline_mode<synchronous>, transform_indices = @transform_7, window_bounds = array<i64: 1, 256>}, {pipeline_mode = #tpu.pipeline_mode<synchronous>, transform_indices = @transform_8, window_bounds = array<i64: 1, 256>}, {pipeline_mode = #tpu.pipeline_mode<synchronous>, transform_indices = @transform_9, window_bounds = array<i64: 1, 256>}, {pipeline_mode = #tpu.pipeline_mode<synchronous>, transform_indices = @transform_10, window_bounds = array<i64: 256, 1024>}, {pipeline_mode = #tpu.pipeline_mode<synchronous>, transform_indices = @transform_11, window_bounds = array<i64: 1, 1024>}, {pipeline_mode = #tpu.pipeline_mode<synchronous>, transform_indices = @transform_12, window_bounds = array<i64: 1024, 256>}, {pipeline_mode = #tpu.pipeline_mode<synchronous>, transform_indices = @transform_13, window_bounds = array<i64: 1, 256>}, {pipeline_mode = #tpu.pipeline_mode<synchronous>, transform_indices = @transform_14, window_bounds = array<i64: 1, 256>}, {pipeline_mode = #tpu.pipeline_mode<synchronous>, transform_indices = @transform_15, window_bounds = array<i64: 1, 256>}, {pipeline_mode = #tpu.pipeline_mode<synchronous>, transform_indices = @transform_16, window_bounds = array<i64: 256, 768>}, {pipeline_mode = #tpu.pipeline_mode<synchronous>, transform_indices = @transform_17, window_bounds = array<i64: 1, 768>}, {pipeline_mode = #tpu.pipeline_mode<synchronous>, transform_indices = @transform_18, window_bounds = array<i64: 256, 256>}, {pipeline_mode = #tpu.pipeline_mode<synchronous>, transform_indices = @transform_19, window_bounds = array<i64: 1, 256>}, {pipeline_mode = #tpu.pipeline_mode<synchronous>, transform_indices = @transform_20, window_bounds = array<i64: 1, 256>}, {pipeline_mode = #tpu.pipeline_mode<synchronous>, transform_indices = @transform_21, window_bounds = array<i64: 1, 256>}, {pipeline_mode = #tpu.pipeline_mode<synchronous>, transform_indices = @transform_22, window_bounds = array<i64: 256, 1024>}, {pipeline_mode = #tpu.pipeline_mode<synchronous>, transform_indices = @transform_23, window_bounds = array<i64: 1, 1024>}, {pipeline_mode = #tpu.pipeline_mode<synchronous>, transform_indices = @transform_24, window_bounds = array<i64: 1024, 256>}, {pipeline_mode = #tpu.pipeline_mode<synchronous>, transform_indices = @transform_25, window_bounds = array<i64: 1, 256>}, {pipeline_mode = #tpu.pipeline_mode<synchronous>, transform_indices = @transform_26, window_bounds = array<i64: 1, 256>}, {pipeline_mode = #tpu.pipeline_mode<synchronous>, transform_indices = @transform_27, window_bounds = array<i64: 1, 256>}, {pipeline_mode = #tpu.pipeline_mode<synchronous>, transform_indices = @transform_28, window_bounds = array<i64: 256, 768>}, {pipeline_mode = #tpu.pipeline_mode<synchronous>, transform_indices = @transform_29, window_bounds = array<i64: 1, 768>}, {pipeline_mode = #tpu.pipeline_mode<synchronous>, transform_indices = @transform_30, window_bounds = array<i64: 256, 256>}, {pipeline_mode = #tpu.pipeline_mode<synchronous>, transform_indices = @transform_31, window_bounds = array<i64: 1, 256>}, {pipeline_mode = #tpu.pipeline_mode<synchronous>, transform_indices = @transform_32, window_bounds = array<i64: 1, 256>}, {pipeline_mode = #tpu.pipeline_mode<synchronous>, transform_indices = @transform_33, window_bounds = array<i64: 1, 256>}, {pipeline_mode = #tpu.pipeline_mode<synchronous>, transform_indices = @transform_34, window_bounds = array<i64: 256, 1024>}, {pipeline_mode = #tpu.pipeline_mode<synchronous>, transform_indices = @transform_35, window_bounds = array<i64: 1, 1024>}, {pipeline_mode = #tpu.pipeline_mode<synchronous>, transform_indices = @transform_36, window_bounds = array<i64: 1024, 256>}, {pipeline_mode = #tpu.pipeline_mode<synchronous>, transform_indices = @transform_37, window_bounds = array<i64: 1, 256>}, {pipeline_mode = #tpu.pipeline_mode<synchronous>, transform_indices = @transform_38, window_bounds = array<i64: 1, 256>}, {pipeline_mode = #tpu.pipeline_mode<synchronous>, transform_indices = @transform_39, window_bounds = array<i64: 1, 256>}, {pipeline_mode = #tpu.pipeline_mode<synchronous>, transform_indices = @transform_40, window_bounds = array<i64: 256, 768>}, {pipeline_mode = #tpu.pipeline_mode<synchronous>, transform_indices = @transform_41, window_bounds = array<i64: 1, 768>}, {pipeline_mode = #tpu.pipeline_mode<synchronous>, transform_indices = @transform_42, window_bounds = array<i64: 256, 256>}, {pipeline_mode = #tpu.pipeline_mode<synchronous>, transform_indices = @transform_43, window_bounds = array<i64: 1, 256>}, {pipeline_mode = #tpu.pipeline_mode<synchronous>, transform_indices = @transform_44, window_bounds = array<i64: 1, 256>}, {pipeline_mode = #tpu.pipeline_mode<synchronous>, transform_indices = @transform_45, window_bounds = array<i64: 1, 256>}, {pipeline_mode = #tpu.pipeline_mode<synchronous>, transform_indices = @transform_46, window_bounds = array<i64: 256, 1024>}, {pipeline_mode = #tpu.pipeline_mode<synchronous>, transform_indices = @transform_47, window_bounds = array<i64: 1, 1024>}, {pipeline_mode = #tpu.pipeline_mode<synchronous>, transform_indices = @transform_48, window_bounds = array<i64: 1024, 256>}, {pipeline_mode = #tpu.pipeline_mode<synchronous>, transform_indices = @transform_49, window_bounds = array<i64: 1, 256>}, {pipeline_mode = #tpu.pipeline_mode<synchronous>, transform_indices = @transform_50, window_bounds = array<i64: 256, 256>}, {pipeline_mode = #tpu.pipeline_mode<synchronous>, transform_indices = @transform_51, window_bounds = array<i64: 1, 256>}, {pipeline_mode = #tpu.pipeline_mode<synchronous>, transform_indices = @transform_52, window_bounds = array<i64: 256, 1>}, {pipeline_mode = #tpu.pipeline_mode<synchronous>, transform_indices = @transform_53, window_bounds = array<i64: 1, 1>}, {transform_indices = @transform_54, window_bounds = array<i64: 1, 544, 256>}, {transform_indices = @transform_55, window_bounds = array<i64: 1, 544, 128>}]} {
    %get3A = arith.constant 0 : index
    %get3A_0 = arith.constant 0 : index
    %get3A_1 = vector.load %arg51[%get3A, %get3A_0] : memref<256x256xf32, #tpu.memory_space<vmem>>, vector<256x256xf32>
    %get3A_2 = arith.constant 0 : index
    %get3A_3 = arith.constant 0 : index
    %get3A_4 = vector.load %arg52[%get3A_2, %get3A_3] : memref<1x256xf32, #tpu.memory_space<vmem>>, vector<1x256xf32>
    %get3A_5 = arith.constant 0 : index
    %get3A_6 = arith.constant 0 : index
    %get3A_7 = vector.load %arg53[%get3A_5, %get3A_6] : memref<256x1xf32, #tpu.memory_space<vmem>>, vector<256x1xf32>
    %get3A_8 = arith.constant 0 : index
    %get3A_9 = arith.constant 0 : index
    %get3A_10 = vector.load %arg54[%get3A_8, %get3A_9] : memref<1x1xf32, #tpu.memory_space<vmem>>, vector<1x1xf32>
    %get3A_11 = arith.constant 0 : index
    %get3A_12 = arith.constant 0 : index
    %get3A_13 = arith.constant 0 : index
    %get3A_14 = vector.load %arg1[%get3A_11, %get3A_12, %get3A_13] : memref<1x544x256xf32, #tpu.memory_space<vmem>>, vector<1x544x256xf32>
    %get3A_15 = vector.shape_cast %get3A_14 : vector<1x544x256xf32> to vector<544x256xf32>
    %get3A_16 = arith.constant 0 : index
    %get3A_17 = arith.constant 0 : index
    %get3A_18 = vector.load %arg2[%get3A_16, %get3A_17] : memref<544x8xbf16, #tpu.memory_space<vmem>>, vector<544x8xbf16>
    %get3A_19 = arith.constant 0 : index
    %get3A_20 = arith.constant 0 : index
    %get3A_21 = vector.load %arg3[%get3A_19, %get3A_20] : memref<1x256xf32, #tpu.memory_space<vmem>>, vector<1x256xf32>
    %get3A_22 = arith.constant 0 : index
    %get3A_23 = arith.constant 0 : index
    %get3A_24 = vector.load %arg4[%get3A_22, %get3A_23] : memref<1x256xf32, #tpu.memory_space<vmem>>, vector<1x256xf32>
    %get3A_25 = arith.constant 0 : index
    %get3A_26 = arith.constant 0 : index
    %get3A_27 = vector.load %arg5[%get3A_25, %get3A_26] : memref<256x768xbf16, #tpu.memory_space<vmem>>, vector<256x768xbf16>
    %get3A_28 = arith.constant 0 : index
    %get3A_29 = arith.constant 0 : index
    %get3A_30 = vector.load %arg6[%get3A_28, %get3A_29] : memref<1x768xf32, #tpu.memory_space<vmem>>, vector<1x768xf32>
    %get3A_31 = arith.constant 0 : index
    %get3A_32 = arith.constant 0 : index
    %get3A_33 = vector.load %arg7[%get3A_31, %get3A_32] : memref<256x256xbf16, #tpu.memory_space<vmem>>, vector<256x256xbf16>
    %get3A_34 = arith.constant 0 : index
    %get3A_35 = arith.constant 0 : index
    %get3A_36 = vector.load %arg8[%get3A_34, %get3A_35] : memref<1x256xf32, #tpu.memory_space<vmem>>, vector<1x256xf32>
    %get3A_37 = arith.constant 0 : index
    %get3A_38 = arith.constant 0 : index
    %get3A_39 = vector.load %arg9[%get3A_37, %get3A_38] : memref<1x256xf32, #tpu.memory_space<vmem>>, vector<1x256xf32>
    %get3A_40 = arith.constant 0 : index
    %get3A_41 = arith.constant 0 : index
    %get3A_42 = vector.load %arg10[%get3A_40, %get3A_41] : memref<1x256xf32, #tpu.memory_space<vmem>>, vector<1x256xf32>
    %get3A_43 = arith.constant 0 : index
    %get3A_44 = arith.constant 0 : index
    %get3A_45 = vector.load %arg11[%get3A_43, %get3A_44] : memref<256x1024xbf16, #tpu.memory_space<vmem>>, vector<256x1024xbf16>
    %get3A_46 = arith.constant 0 : index
    %get3A_47 = arith.constant 0 : index
    %get3A_48 = vector.load %arg12[%get3A_46, %get3A_47] : memref<1x1024xf32, #tpu.memory_space<vmem>>, vector<1x1024xf32>
    %get3A_49 = arith.constant 0 : index
    %get3A_50 = arith.constant 0 : index
    %get3A_51 = vector.load %arg13[%get3A_49, %get3A_50] : memref<1024x256xbf16, #tpu.memory_space<vmem>>, vector<1024x256xbf16>
    %get3A_52 = arith.constant 0 : index
    %get3A_53 = arith.constant 0 : index
    %get3A_54 = vector.load %arg14[%get3A_52, %get3A_53] : memref<1x256xf32, #tpu.memory_space<vmem>>, vector<1x256xf32>
    %reduce_sum3A = arith.constant dense<0.000000e+00> : vector<544xf32>
    %reduce_sum3A_55 = vector.multi_reduction <add>, %get3A_15, %reduce_sum3A [1] : vector<544x256xf32> to vector<544xf32>
    %broadcast_in_dim3A = vector.shape_cast %reduce_sum3A_55 : vector<544xf32> to vector<544x1xf32>
    %div3A = arith.constant 2.560000e+02 : f32
    %div3A_56 = vector.broadcast %div3A : f32 to vector<544x1xf32>
    %div3A_57 = arith.divf %broadcast_in_dim3A, %div3A_56 : vector<544x1xf32>
    %sub3A = vector.broadcast %div3A_57 : vector<544x1xf32> to vector<544x256xf32>
    %sub3A_58 = arith.subf %get3A_15, %sub3A : vector<544x256xf32>
    %square3A = arith.mulf %sub3A_58, %sub3A_58 : vector<544x256xf32>
    %reduce_sum3A_59 = arith.constant dense<0.000000e+00> : vector<544xf32>
    %reduce_sum3A_60 = vector.multi_reduction <add>, %square3A, %reduce_sum3A_59 [1] : vector<544x256xf32> to vector<544xf32>
    %broadcast_in_dim3A_61 = vector.shape_cast %reduce_sum3A_60 : vector<544xf32> to vector<544x1xf32>
    %div3A_62 = arith.constant 2.560000e+02 : f32
    %div3A_63 = vector.broadcast %div3A_62 : f32 to vector<544x1xf32>
    %div3A_64 = arith.divf %broadcast_in_dim3A_61, %div3A_63 : vector<544x1xf32>
    %sub3A_65 = vector.broadcast %div3A_57 : vector<544x1xf32> to vector<544x256xf32>
    %sub3A_66 = arith.subf %get3A_15, %sub3A_65 : vector<544x256xf32>
    %add3A = arith.constant 9.99999997E-7 : f32
    %add3A_67 = vector.broadcast %add3A : f32 to vector<544x1xf32>
    %add3A_68 = arith.addf %div3A_64, %add3A_67 : vector<544x1xf32>
    %rsqrt3A = math.rsqrt %add3A_68 : vector<544x1xf32>
    %mul3A = vector.broadcast %rsqrt3A : vector<544x1xf32> to vector<544x256xf32>
    %mul3A_69 = arith.mulf %sub3A_66, %mul3A : vector<544x256xf32>
    %mul3A_70 = vector.broadcast %get3A_21 : vector<1x256xf32> to vector<544x256xf32>
    %mul3A_71 = arith.mulf %mul3A_69, %mul3A_70 : vector<544x256xf32>
    %add3A_72 = vector.broadcast %get3A_24 : vector<1x256xf32> to vector<544x256xf32>
    %add3A_73 = arith.addf %mul3A_71, %add3A_72 : vector<544x256xf32>
    %convert_element_type3A = arith.truncf %add3A_73 : vector<544x256xf32> to vector<544x256xbf16>
    %dot_general3A = arith.constant dense<0.000000e+00> : vector<544x768xf32>
    %dot_general3A_74 = tpu.matmul %convert_element_type3A, %get3A_27, %dot_general3A {dimension_numbers = #tpu.dot_dimension_numbers<[1], [0], [0], [1], [0, 0, 1, 1], [], []>, transpose_lhs_hint = false} : vector<544x256xbf16>, vector<256x768xbf16>, vector<544x768xf32> -> vector<544x768xf32>
    %add3A_75 = vector.broadcast %get3A_30 : vector<1x768xf32> to vector<544x768xf32>
    %add3A_76 = arith.addf %dot_general3A_74, %add3A_75 : vector<544x768xf32>
    %slice3A = vector.extract_strided_slice %add3A_76 {offsets = [0, 0], sizes = [544, 256], strides = [1, 1]} : vector<544x768xf32> to vector<544x256xf32>
    %mul3A_77 = arith.constant 0.176776692 : f32
    %mul3A_78 = vector.broadcast %mul3A_77 : f32 to vector<544x256xf32>
    %mul3A_79 = arith.mulf %slice3A, %mul3A_78 : vector<544x256xf32>
    %convert_element_type3A_80 = arith.truncf %mul3A_79 : vector<544x256xf32> to vector<544x256xbf16>
    %slice3A_81 = vector.extract_strided_slice %add3A_76 {offsets = [0, 256], sizes = [544, 512], strides = [1, 1]} : vector<544x768xf32> to vector<544x512xf32>
    %convert_element_type3A_82 = arith.truncf %slice3A_81 : vector<544x512xf32> to vector<544x512xbf16>
    %broadcast_in_dim3A_83 = arith.constant 8.000000e+00 : bf16
    %broadcast_in_dim3A_84 = vector.broadcast %broadcast_in_dim3A_83 : bf16 to vector<544x1xbf16>
    %slice3A_85 = vector.extract_strided_slice %convert_element_type3A_80 {offsets = [0, 0], sizes = [544, 32], strides = [1, 1]} : vector<544x256xbf16> to vector<544x32xbf16>
    %slice3A_86 = vector.extract_strided_slice %convert_element_type3A_82 {offsets = [0, 0], sizes = [544, 32], strides = [1, 1]} : vector<544x512xbf16> to vector<544x32xbf16>
    %slice3A_87 = vector.extract_strided_slice %convert_element_type3A_82 {offsets = [0, 256], sizes = [544, 32], strides = [1, 1]} : vector<544x512xbf16> to vector<544x32xbf16>
    %concatenate3A = tpu.concatenate %slice3A_85, %get3A_18, %broadcast_in_dim3A_84 in 1 : vector<544x32xbf16>, vector<544x8xbf16>, vector<544x1xbf16> -> vector<544x41xbf16>
    %neg3A = arith.constant 0.000000e+00 : bf16
    %neg3A_88 = vector.broadcast %neg3A : bf16 to vector<544x1xbf16>
    %neg3A_89 = arith.subf %neg3A_88, %broadcast_in_dim3A_84 : vector<544x1xbf16>
    %concatenate3A_90 = tpu.concatenate %slice3A_86, %get3A_18, %neg3A_89 in 1 : vector<544x32xbf16>, vector<544x8xbf16>, vector<544x1xbf16> -> vector<544x41xbf16>
    %dot_general3A_91 = arith.constant dense<0.000000e+00> : vector<544x544xf32>
    %dot_general3A_92 = tpu.matmul %concatenate3A, %concatenate3A_90, %dot_general3A_91 {dimension_numbers = #tpu.dot_dimension_numbers<[1], [1], [0], [0], [0, 0, 1, 0], [], []>, transpose_lhs_hint = false} : vector<544x41xbf16>, vector<544x41xbf16>, vector<544x544xf32> -> vector<544x544xf32>
    %exp3A = math.exp %dot_general3A_92 : vector<544x544xf32>
    %convert_element_type3A_93 = arith.truncf %exp3A : vector<544x544xf32> to vector<544x544xbf16>
    %broadcast_in_dim3A_94 = arith.constant 1.000000e+00 : bf16
    %broadcast_in_dim3A_95 = vector.broadcast %broadcast_in_dim3A_94 : bf16 to vector<544x1xbf16>
    %concatenate3A_96 = tpu.concatenate %slice3A_87, %broadcast_in_dim3A_95 in 1 : vector<544x32xbf16>, vector<544x1xbf16> -> vector<544x33xbf16>
    %dot_general3A_97 = arith.constant dense<0.000000e+00> : vector<544x33xf32>
    %dot_general3A_98 = tpu.matmul %convert_element_type3A_93, %concatenate3A_96, %dot_general3A_97 {dimension_numbers = #tpu.dot_dimension_numbers<[1], [0], [0], [1], [0, 0, 1, 1], [], []>, transpose_lhs_hint = false} : vector<544x544xbf16>, vector<544x33xbf16>, vector<544x33xf32> -> vector<544x33xf32>
    %slice3A_99 = vector.extract_strided_slice %dot_general3A_98 {offsets = [0, 0], sizes = [544, 32], strides = [1, 1]} : vector<544x33xf32> to vector<544x32xf32>
    %slice3A_100 = vector.extract_strided_slice %dot_general3A_98 {offsets = [0, 32], sizes = [544, 1], strides = [1, 1]} : vector<544x33xf32> to vector<544x1xf32>
    %integer_pow3A = arith.constant 1.000000e+00 : f32
    %integer_pow3A_101 = vector.broadcast %integer_pow3A : f32 to vector<544x1xf32>
    %integer_pow3A_102 = arith.divf %integer_pow3A_101, %slice3A_100 : vector<544x1xf32>
    %mul3A_103 = vector.broadcast %integer_pow3A_102 : vector<544x1xf32> to vector<544x32xf32>
    %mul3A_104 = arith.mulf %slice3A_99, %mul3A_103 : vector<544x32xf32>
    %slice3A_105 = vector.extract_strided_slice %convert_element_type3A_80 {offsets = [0, 32], sizes = [544, 32], strides = [1, 1]} : vector<544x256xbf16> to vector<544x32xbf16>
    %slice3A_106 = vector.extract_strided_slice %convert_element_type3A_82 {offsets = [0, 32], sizes = [544, 32], strides = [1, 1]} : vector<544x512xbf16> to vector<544x32xbf16>
    %slice3A_107 = vector.extract_strided_slice %convert_element_type3A_82 {offsets = [0, 288], sizes = [544, 32], strides = [1, 1]} : vector<544x512xbf16> to vector<544x32xbf16>
    %concatenate3A_108 = tpu.concatenate %slice3A_105, %get3A_18, %broadcast_in_dim3A_84 in 1 : vector<544x32xbf16>, vector<544x8xbf16>, vector<544x1xbf16> -> vector<544x41xbf16>
    %neg3A_109 = arith.constant 0.000000e+00 : bf16
    %neg3A_110 = vector.broadcast %neg3A_109 : bf16 to vector<544x1xbf16>
    %neg3A_111 = arith.subf %neg3A_110, %broadcast_in_dim3A_84 : vector<544x1xbf16>
    %concatenate3A_112 = tpu.concatenate %slice3A_106, %get3A_18, %neg3A_111 in 1 : vector<544x32xbf16>, vector<544x8xbf16>, vector<544x1xbf16> -> vector<544x41xbf16>
    %dot_general3A_113 = arith.constant dense<0.000000e+00> : vector<544x544xf32>
    %dot_general3A_114 = tpu.matmul %concatenate3A_108, %concatenate3A_112, %dot_general3A_113 {dimension_numbers = #tpu.dot_dimension_numbers<[1], [1], [0], [0], [0, 0, 1, 0], [], []>, transpose_lhs_hint = false} : vector<544x41xbf16>, vector<544x41xbf16>, vector<544x544xf32> -> vector<544x544xf32>
    %exp3A_115 = math.exp %dot_general3A_114 : vector<544x544xf32>
    %convert_element_type3A_116 = arith.truncf %exp3A_115 : vector<544x544xf32> to vector<544x544xbf16>
    %broadcast_in_dim3A_117 = arith.constant 1.000000e+00 : bf16
    %broadcast_in_dim3A_118 = vector.broadcast %broadcast_in_dim3A_117 : bf16 to vector<544x1xbf16>
    %concatenate3A_119 = tpu.concatenate %slice3A_107, %broadcast_in_dim3A_118 in 1 : vector<544x32xbf16>, vector<544x1xbf16> -> vector<544x33xbf16>
    %dot_general3A_120 = arith.constant dense<0.000000e+00> : vector<544x33xf32>
    %dot_general3A_121 = tpu.matmul %convert_element_type3A_116, %concatenate3A_119, %dot_general3A_120 {dimension_numbers = #tpu.dot_dimension_numbers<[1], [0], [0], [1], [0, 0, 1, 1], [], []>, transpose_lhs_hint = false} : vector<544x544xbf16>, vector<544x33xbf16>, vector<544x33xf32> -> vector<544x33xf32>
    %slice3A_122 = vector.extract_strided_slice %dot_general3A_121 {offsets = [0, 0], sizes = [544, 32], strides = [1, 1]} : vector<544x33xf32> to vector<544x32xf32>
    %slice3A_123 = vector.extract_strided_slice %dot_general3A_121 {offsets = [0, 32], sizes = [544, 1], strides = [1, 1]} : vector<544x33xf32> to vector<544x1xf32>
    %integer_pow3A_124 = arith.constant 1.000000e+00 : f32
    %integer_pow3A_125 = vector.broadcast %integer_pow3A_124 : f32 to vector<544x1xf32>
    %integer_pow3A_126 = arith.divf %integer_pow3A_125, %slice3A_123 : vector<544x1xf32>
    %mul3A_127 = vector.broadcast %integer_pow3A_126 : vector<544x1xf32> to vector<544x32xf32>
    %mul3A_128 = arith.mulf %slice3A_122, %mul3A_127 : vector<544x32xf32>
    %slice3A_129 = vector.extract_strided_slice %convert_element_type3A_80 {offsets = [0, 64], sizes = [544, 32], strides = [1, 1]} : vector<544x256xbf16> to vector<544x32xbf16>
    %slice3A_130 = vector.extract_strided_slice %convert_element_type3A_82 {offsets = [0, 64], sizes = [544, 32], strides = [1, 1]} : vector<544x512xbf16> to vector<544x32xbf16>
    %slice3A_131 = vector.extract_strided_slice %convert_element_type3A_82 {offsets = [0, 320], sizes = [544, 32], strides = [1, 1]} : vector<544x512xbf16> to vector<544x32xbf16>
    %concatenate3A_132 = tpu.concatenate %slice3A_129, %get3A_18, %broadcast_in_dim3A_84 in 1 : vector<544x32xbf16>, vector<544x8xbf16>, vector<544x1xbf16> -> vector<544x41xbf16>
    %neg3A_133 = arith.constant 0.000000e+00 : bf16
    %neg3A_134 = vector.broadcast %neg3A_133 : bf16 to vector<544x1xbf16>
    %neg3A_135 = arith.subf %neg3A_134, %broadcast_in_dim3A_84 : vector<544x1xbf16>
    %concatenate3A_136 = tpu.concatenate %slice3A_130, %get3A_18, %neg3A_135 in 1 : vector<544x32xbf16>, vector<544x8xbf16>, vector<544x1xbf16> -> vector<544x41xbf16>
    %dot_general3A_137 = arith.constant dense<0.000000e+00> : vector<544x544xf32>
    %dot_general3A_138 = tpu.matmul %concatenate3A_132, %concatenate3A_136, %dot_general3A_137 {dimension_numbers = #tpu.dot_dimension_numbers<[1], [1], [0], [0], [0, 0, 1, 0], [], []>, transpose_lhs_hint = false} : vector<544x41xbf16>, vector<544x41xbf16>, vector<544x544xf32> -> vector<544x544xf32>
    %exp3A_139 = math.exp %dot_general3A_138 : vector<544x544xf32>
    %convert_element_type3A_140 = arith.truncf %exp3A_139 : vector<544x544xf32> to vector<544x544xbf16>
    %broadcast_in_dim3A_141 = arith.constant 1.000000e+00 : bf16
    %broadcast_in_dim3A_142 = vector.broadcast %broadcast_in_dim3A_141 : bf16 to vector<544x1xbf16>
    %concatenate3A_143 = tpu.concatenate %slice3A_131, %broadcast_in_dim3A_142 in 1 : vector<544x32xbf16>, vector<544x1xbf16> -> vector<544x33xbf16>
    %dot_general3A_144 = arith.constant dense<0.000000e+00> : vector<544x33xf32>
    %dot_general3A_145 = tpu.matmul %convert_element_type3A_140, %concatenate3A_143, %dot_general3A_144 {dimension_numbers = #tpu.dot_dimension_numbers<[1], [0], [0], [1], [0, 0, 1, 1], [], []>, transpose_lhs_hint = false} : vector<544x544xbf16>, vector<544x33xbf16>, vector<544x33xf32> -> vector<544x33xf32>
    %slice3A_146 = vector.extract_strided_slice %dot_general3A_145 {offsets = [0, 0], sizes = [544, 32], strides = [1, 1]} : vector<544x33xf32> to vector<544x32xf32>
    %slice3A_147 = vector.extract_strided_slice %dot_general3A_145 {offsets = [0, 32], sizes = [544, 1], strides = [1, 1]} : vector<544x33xf32> to vector<544x1xf32>
    %integer_pow3A_148 = arith.constant 1.000000e+00 : f32
    %integer_pow3A_149 = vector.broadcast %integer_pow3A_148 : f32 to vector<544x1xf32>
    %integer_pow3A_150 = arith.divf %integer_pow3A_149, %slice3A_147 : vector<544x1xf32>
    %mul3A_151 = vector.broadcast %integer_pow3A_150 : vector<544x1xf32> to vector<544x32xf32>
    %mul3A_152 = arith.mulf %slice3A_146, %mul3A_151 : vector<544x32xf32>
    %slice3A_153 = vector.extract_strided_slice %convert_element_type3A_80 {offsets = [0, 96], sizes = [544, 32], strides = [1, 1]} : vector<544x256xbf16> to vector<544x32xbf16>
    %slice3A_154 = vector.extract_strided_slice %convert_element_type3A_82 {offsets = [0, 96], sizes = [544, 32], strides = [1, 1]} : vector<544x512xbf16> to vector<544x32xbf16>
    %slice3A_155 = vector.extract_strided_slice %convert_element_type3A_82 {offsets = [0, 352], sizes = [544, 32], strides = [1, 1]} : vector<544x512xbf16> to vector<544x32xbf16>
    %concatenate3A_156 = tpu.concatenate %slice3A_153, %get3A_18, %broadcast_in_dim3A_84 in 1 : vector<544x32xbf16>, vector<544x8xbf16>, vector<544x1xbf16> -> vector<544x41xbf16>
    %neg3A_157 = arith.constant 0.000000e+00 : bf16
    %neg3A_158 = vector.broadcast %neg3A_157 : bf16 to vector<544x1xbf16>
    %neg3A_159 = arith.subf %neg3A_158, %broadcast_in_dim3A_84 : vector<544x1xbf16>
    %concatenate3A_160 = tpu.concatenate %slice3A_154, %get3A_18, %neg3A_159 in 1 : vector<544x32xbf16>, vector<544x8xbf16>, vector<544x1xbf16> -> vector<544x41xbf16>
    %dot_general3A_161 = arith.constant dense<0.000000e+00> : vector<544x544xf32>
    %dot_general3A_162 = tpu.matmul %concatenate3A_156, %concatenate3A_160, %dot_general3A_161 {dimension_numbers = #tpu.dot_dimension_numbers<[1], [1], [0], [0], [0, 0, 1, 0], [], []>, transpose_lhs_hint = false} : vector<544x41xbf16>, vector<544x41xbf16>, vector<544x544xf32> -> vector<544x544xf32>
    %exp3A_163 = math.exp %dot_general3A_162 : vector<544x544xf32>
    %convert_element_type3A_164 = arith.truncf %exp3A_163 : vector<544x544xf32> to vector<544x544xbf16>
    %broadcast_in_dim3A_165 = arith.constant 1.000000e+00 : bf16
    %broadcast_in_dim3A_166 = vector.broadcast %broadcast_in_dim3A_165 : bf16 to vector<544x1xbf16>
    %concatenate3A_167 = tpu.concatenate %slice3A_155, %broadcast_in_dim3A_166 in 1 : vector<544x32xbf16>, vector<544x1xbf16> -> vector<544x33xbf16>
    %dot_general3A_168 = arith.constant dense<0.000000e+00> : vector<544x33xf32>
    %dot_general3A_169 = tpu.matmul %convert_element_type3A_164, %concatenate3A_167, %dot_general3A_168 {dimension_numbers = #tpu.dot_dimension_numbers<[1], [0], [0], [1], [0, 0, 1, 1], [], []>, transpose_lhs_hint = false} : vector<544x544xbf16>, vector<544x33xbf16>, vector<544x33xf32> -> vector<544x33xf32>
    %slice3A_170 = vector.extract_strided_slice %dot_general3A_169 {offsets = [0, 0], sizes = [544, 32], strides = [1, 1]} : vector<544x33xf32> to vector<544x32xf32>
    %slice3A_171 = vector.extract_strided_slice %dot_general3A_169 {offsets = [0, 32], sizes = [544, 1], strides = [1, 1]} : vector<544x33xf32> to vector<544x1xf32>
    %integer_pow3A_172 = arith.constant 1.000000e+00 : f32
    %integer_pow3A_173 = vector.broadcast %integer_pow3A_172 : f32 to vector<544x1xf32>
    %integer_pow3A_174 = arith.divf %integer_pow3A_173, %slice3A_171 : vector<544x1xf32>
    %mul3A_175 = vector.broadcast %integer_pow3A_174 : vector<544x1xf32> to vector<544x32xf32>
    %mul3A_176 = arith.mulf %slice3A_170, %mul3A_175 : vector<544x32xf32>
    %slice3A_177 = vector.extract_strided_slice %convert_element_type3A_80 {offsets = [0, 128], sizes = [544, 32], strides = [1, 1]} : vector<544x256xbf16> to vector<544x32xbf16>
    %slice3A_178 = vector.extract_strided_slice %convert_element_type3A_82 {offsets = [0, 128], sizes = [544, 32], strides = [1, 1]} : vector<544x512xbf16> to vector<544x32xbf16>
    %slice3A_179 = vector.extract_strided_slice %convert_element_type3A_82 {offsets = [0, 384], sizes = [544, 32], strides = [1, 1]} : vector<544x512xbf16> to vector<544x32xbf16>
    %concatenate3A_180 = tpu.concatenate %slice3A_177, %get3A_18, %broadcast_in_dim3A_84 in 1 : vector<544x32xbf16>, vector<544x8xbf16>, vector<544x1xbf16> -> vector<544x41xbf16>
    %neg3A_181 = arith.constant 0.000000e+00 : bf16
    %neg3A_182 = vector.broadcast %neg3A_181 : bf16 to vector<544x1xbf16>
    %neg3A_183 = arith.subf %neg3A_182, %broadcast_in_dim3A_84 : vector<544x1xbf16>
    %concatenate3A_184 = tpu.concatenate %slice3A_178, %get3A_18, %neg3A_183 in 1 : vector<544x32xbf16>, vector<544x8xbf16>, vector<544x1xbf16> -> vector<544x41xbf16>
    %dot_general3A_185 = arith.constant dense<0.000000e+00> : vector<544x544xf32>
    %dot_general3A_186 = tpu.matmul %concatenate3A_180, %concatenate3A_184, %dot_general3A_185 {dimension_numbers = #tpu.dot_dimension_numbers<[1], [1], [0], [0], [0, 0, 1, 0], [], []>, transpose_lhs_hint = false} : vector<544x41xbf16>, vector<544x41xbf16>, vector<544x544xf32> -> vector<544x544xf32>
    %exp3A_187 = math.exp %dot_general3A_186 : vector<544x544xf32>
    %convert_element_type3A_188 = arith.truncf %exp3A_187 : vector<544x544xf32> to vector<544x544xbf16>
    %broadcast_in_dim3A_189 = arith.constant 1.000000e+00 : bf16
    %broadcast_in_dim3A_190 = vector.broadcast %broadcast_in_dim3A_189 : bf16 to vector<544x1xbf16>
    %concatenate3A_191 = tpu.concatenate %slice3A_179, %broadcast_in_dim3A_190 in 1 : vector<544x32xbf16>, vector<544x1xbf16> -> vector<544x33xbf16>
    %dot_general3A_192 = arith.constant dense<0.000000e+00> : vector<544x33xf32>
    %dot_general3A_193 = tpu.matmul %convert_element_type3A_188, %concatenate3A_191, %dot_general3A_192 {dimension_numbers = #tpu.dot_dimension_numbers<[1], [0], [0], [1], [0, 0, 1, 1], [], []>, transpose_lhs_hint = false} : vector<544x544xbf16>, vector<544x33xbf16>, vector<544x33xf32> -> vector<544x33xf32>
    %slice3A_194 = vector.extract_strided_slice %dot_general3A_193 {offsets = [0, 0], sizes = [544, 32], strides = [1, 1]} : vector<544x33xf32> to vector<544x32xf32>
    %slice3A_195 = vector.extract_strided_slice %dot_general3A_193 {offsets = [0, 32], sizes = [544, 1], strides = [1, 1]} : vector<544x33xf32> to vector<544x1xf32>
    %integer_pow3A_196 = arith.constant 1.000000e+00 : f32
    %integer_pow3A_197 = vector.broadcast %integer_pow3A_196 : f32 to vector<544x1xf32>
    %integer_pow3A_198 = arith.divf %integer_pow3A_197, %slice3A_195 : vector<544x1xf32>
    %mul3A_199 = vector.broadcast %integer_pow3A_198 : vector<544x1xf32> to vector<544x32xf32>
    %mul3A_200 = arith.mulf %slice3A_194, %mul3A_199 : vector<544x32xf32>
    %slice3A_201 = vector.extract_strided_slice %convert_element_type3A_80 {offsets = [0, 160], sizes = [544, 32], strides = [1, 1]} : vector<544x256xbf16> to vector<544x32xbf16>
    %slice3A_202 = vector.extract_strided_slice %convert_element_type3A_82 {offsets = [0, 160], sizes = [544, 32], strides = [1, 1]} : vector<544x512xbf16> to vector<544x32xbf16>
    %slice3A_203 = vector.extract_strided_slice %convert_element_type3A_82 {offsets = [0, 416], sizes = [544, 32], strides = [1, 1]} : vector<544x512xbf16> to vector<544x32xbf16>
    %concatenate3A_204 = tpu.concatenate %slice3A_201, %get3A_18, %broadcast_in_dim3A_84 in 1 : vector<544x32xbf16>, vector<544x8xbf16>, vector<544x1xbf16> -> vector<544x41xbf16>
    %neg3A_205 = arith.constant 0.000000e+00 : bf16
    %neg3A_206 = vector.broadcast %neg3A_205 : bf16 to vector<544x1xbf16>
    %neg3A_207 = arith.subf %neg3A_206, %broadcast_in_dim3A_84 : vector<544x1xbf16>
    %concatenate3A_208 = tpu.concatenate %slice3A_202, %get3A_18, %neg3A_207 in 1 : vector<544x32xbf16>, vector<544x8xbf16>, vector<544x1xbf16> -> vector<544x41xbf16>
    %dot_general3A_209 = arith.constant dense<0.000000e+00> : vector<544x544xf32>
    %dot_general3A_210 = tpu.matmul %concatenate3A_204, %concatenate3A_208, %dot_general3A_209 {dimension_numbers = #tpu.dot_dimension_numbers<[1], [1], [0], [0], [0, 0, 1, 0], [], []>, transpose_lhs_hint = false} : vector<544x41xbf16>, vector<544x41xbf16>, vector<544x544xf32> -> vector<544x544xf32>
    %exp3A_211 = math.exp %dot_general3A_210 : vector<544x544xf32>
    %convert_element_type3A_212 = arith.truncf %exp3A_211 : vector<544x544xf32> to vector<544x544xbf16>
    %broadcast_in_dim3A_213 = arith.constant 1.000000e+00 : bf16
    %broadcast_in_dim3A_214 = vector.broadcast %broadcast_in_dim3A_213 : bf16 to vector<544x1xbf16>
    %concatenate3A_215 = tpu.concatenate %slice3A_203, %broadcast_in_dim3A_214 in 1 : vector<544x32xbf16>, vector<544x1xbf16> -> vector<544x33xbf16>
    %dot_general3A_216 = arith.constant dense<0.000000e+00> : vector<544x33xf32>
    %dot_general3A_217 = tpu.matmul %convert_element_type3A_212, %concatenate3A_215, %dot_general3A_216 {dimension_numbers = #tpu.dot_dimension_numbers<[1], [0], [0], [1], [0, 0, 1, 1], [], []>, transpose_lhs_hint = false} : vector<544x544xbf16>, vector<544x33xbf16>, vector<544x33xf32> -> vector<544x33xf32>
    %slice3A_218 = vector.extract_strided_slice %dot_general3A_217 {offsets = [0, 0], sizes = [544, 32], strides = [1, 1]} : vector<544x33xf32> to vector<544x32xf32>
    %slice3A_219 = vector.extract_strided_slice %dot_general3A_217 {offsets = [0, 32], sizes = [544, 1], strides = [1, 1]} : vector<544x33xf32> to vector<544x1xf32>
    %integer_pow3A_220 = arith.constant 1.000000e+00 : f32
    %integer_pow3A_221 = vector.broadcast %integer_pow3A_220 : f32 to vector<544x1xf32>
    %integer_pow3A_222 = arith.divf %integer_pow3A_221, %slice3A_219 : vector<544x1xf32>
    %mul3A_223 = vector.broadcast %integer_pow3A_222 : vector<544x1xf32> to vector<544x32xf32>
    %mul3A_224 = arith.mulf %slice3A_218, %mul3A_223 : vector<544x32xf32>
    %slice3A_225 = vector.extract_strided_slice %convert_element_type3A_80 {offsets = [0, 192], sizes = [544, 32], strides = [1, 1]} : vector<544x256xbf16> to vector<544x32xbf16>
    %slice3A_226 = vector.extract_strided_slice %convert_element_type3A_82 {offsets = [0, 192], sizes = [544, 32], strides = [1, 1]} : vector<544x512xbf16> to vector<544x32xbf16>
    %slice3A_227 = vector.extract_strided_slice %convert_element_type3A_82 {offsets = [0, 448], sizes = [544, 32], strides = [1, 1]} : vector<544x512xbf16> to vector<544x32xbf16>
    %concatenate3A_228 = tpu.concatenate %slice3A_225, %get3A_18, %broadcast_in_dim3A_84 in 1 : vector<544x32xbf16>, vector<544x8xbf16>, vector<544x1xbf16> -> vector<544x41xbf16>
    %neg3A_229 = arith.constant 0.000000e+00 : bf16
    %neg3A_230 = vector.broadcast %neg3A_229 : bf16 to vector<544x1xbf16>
    %neg3A_231 = arith.subf %neg3A_230, %broadcast_in_dim3A_84 : vector<544x1xbf16>
    %concatenate3A_232 = tpu.concatenate %slice3A_226, %get3A_18, %neg3A_231 in 1 : vector<544x32xbf16>, vector<544x8xbf16>, vector<544x1xbf16> -> vector<544x41xbf16>
    %dot_general3A_233 = arith.constant dense<0.000000e+00> : vector<544x544xf32>
    %dot_general3A_234 = tpu.matmul %concatenate3A_228, %concatenate3A_232, %dot_general3A_233 {dimension_numbers = #tpu.dot_dimension_numbers<[1], [1], [0], [0], [0, 0, 1, 0], [], []>, transpose_lhs_hint = false} : vector<544x41xbf16>, vector<544x41xbf16>, vector<544x544xf32> -> vector<544x544xf32>
    %exp3A_235 = math.exp %dot_general3A_234 : vector<544x544xf32>
    %convert_element_type3A_236 = arith.truncf %exp3A_235 : vector<544x544xf32> to vector<544x544xbf16>
    %broadcast_in_dim3A_237 = arith.constant 1.000000e+00 : bf16
    %broadcast_in_dim3A_238 = vector.broadcast %broadcast_in_dim3A_237 : bf16 to vector<544x1xbf16>
    %concatenate3A_239 = tpu.concatenate %slice3A_227, %broadcast_in_dim3A_238 in 1 : vector<544x32xbf16>, vector<544x1xbf16> -> vector<544x33xbf16>
    %dot_general3A_240 = arith.constant dense<0.000000e+00> : vector<544x33xf32>
    %dot_general3A_241 = tpu.matmul %convert_element_type3A_236, %concatenate3A_239, %dot_general3A_240 {dimension_numbers = #tpu.dot_dimension_numbers<[1], [0], [0], [1], [0, 0, 1, 1], [], []>, transpose_lhs_hint = false} : vector<544x544xbf16>, vector<544x33xbf16>, vector<544x33xf32> -> vector<544x33xf32>
    %slice3A_242 = vector.extract_strided_slice %dot_general3A_241 {offsets = [0, 0], sizes = [544, 32], strides = [1, 1]} : vector<544x33xf32> to vector<544x32xf32>
    %slice3A_243 = vector.extract_strided_slice %dot_general3A_241 {offsets = [0, 32], sizes = [544, 1], strides = [1, 1]} : vector<544x33xf32> to vector<544x1xf32>
    %integer_pow3A_244 = arith.constant 1.000000e+00 : f32
    %integer_pow3A_245 = vector.broadcast %integer_pow3A_244 : f32 to vector<544x1xf32>
    %integer_pow3A_246 = arith.divf %integer_pow3A_245, %slice3A_243 : vector<544x1xf32>
    %mul3A_247 = vector.broadcast %integer_pow3A_246 : vector<544x1xf32> to vector<544x32xf32>
    %mul3A_248 = arith.mulf %slice3A_242, %mul3A_247 : vector<544x32xf32>
    %slice3A_249 = vector.extract_strided_slice %convert_element_type3A_80 {offsets = [0, 224], sizes = [544, 32], strides = [1, 1]} : vector<544x256xbf16> to vector<544x32xbf16>
    %slice3A_250 = vector.extract_strided_slice %convert_element_type3A_82 {offsets = [0, 224], sizes = [544, 32], strides = [1, 1]} : vector<544x512xbf16> to vector<544x32xbf16>
    %slice3A_251 = vector.extract_strided_slice %convert_element_type3A_82 {offsets = [0, 480], sizes = [544, 32], strides = [1, 1]} : vector<544x512xbf16> to vector<544x32xbf16>
    %concatenate3A_252 = tpu.concatenate %slice3A_249, %get3A_18, %broadcast_in_dim3A_84 in 1 : vector<544x32xbf16>, vector<544x8xbf16>, vector<544x1xbf16> -> vector<544x41xbf16>
    %neg3A_253 = arith.constant 0.000000e+00 : bf16
    %neg3A_254 = vector.broadcast %neg3A_253 : bf16 to vector<544x1xbf16>
    %neg3A_255 = arith.subf %neg3A_254, %broadcast_in_dim3A_84 : vector<544x1xbf16>
    %concatenate3A_256 = tpu.concatenate %slice3A_250, %get3A_18, %neg3A_255 in 1 : vector<544x32xbf16>, vector<544x8xbf16>, vector<544x1xbf16> -> vector<544x41xbf16>
    %dot_general3A_257 = arith.constant dense<0.000000e+00> : vector<544x544xf32>
    %dot_general3A_258 = tpu.matmul %concatenate3A_252, %concatenate3A_256, %dot_general3A_257 {dimension_numbers = #tpu.dot_dimension_numbers<[1], [1], [0], [0], [0, 0, 1, 0], [], []>, transpose_lhs_hint = false} : vector<544x41xbf16>, vector<544x41xbf16>, vector<544x544xf32> -> vector<544x544xf32>
    %exp3A_259 = math.exp %dot_general3A_258 : vector<544x544xf32>
    %convert_element_type3A_260 = arith.truncf %exp3A_259 : vector<544x544xf32> to vector<544x544xbf16>
    %broadcast_in_dim3A_261 = arith.constant 1.000000e+00 : bf16
    %broadcast_in_dim3A_262 = vector.broadcast %broadcast_in_dim3A_261 : bf16 to vector<544x1xbf16>
    %concatenate3A_263 = tpu.concatenate %slice3A_251, %broadcast_in_dim3A_262 in 1 : vector<544x32xbf16>, vector<544x1xbf16> -> vector<544x33xbf16>
    %dot_general3A_264 = arith.constant dense<0.000000e+00> : vector<544x33xf32>
    %dot_general3A_265 = tpu.matmul %convert_element_type3A_260, %concatenate3A_263, %dot_general3A_264 {dimension_numbers = #tpu.dot_dimension_numbers<[1], [0], [0], [1], [0, 0, 1, 1], [], []>, transpose_lhs_hint = false} : vector<544x544xbf16>, vector<544x33xbf16>, vector<544x33xf32> -> vector<544x33xf32>
    %slice3A_266 = vector.extract_strided_slice %dot_general3A_265 {offsets = [0, 0], sizes = [544, 32], strides = [1, 1]} : vector<544x33xf32> to vector<544x32xf32>
    %slice3A_267 = vector.extract_strided_slice %dot_general3A_265 {offsets = [0, 32], sizes = [544, 1], strides = [1, 1]} : vector<544x33xf32> to vector<544x1xf32>
    %integer_pow3A_268 = arith.constant 1.000000e+00 : f32
    %integer_pow3A_269 = vector.broadcast %integer_pow3A_268 : f32 to vector<544x1xf32>
    %integer_pow3A_270 = arith.divf %integer_pow3A_269, %slice3A_267 : vector<544x1xf32>
    %mul3A_271 = vector.broadcast %integer_pow3A_270 : vector<544x1xf32> to vector<544x32xf32>
    %mul3A_272 = arith.mulf %slice3A_266, %mul3A_271 : vector<544x32xf32>
    %concatenate3A_273 = tpu.concatenate %mul3A_104, %mul3A_128, %mul3A_152, %mul3A_176, %mul3A_200, %mul3A_224, %mul3A_248, %mul3A_272 in 1 : vector<544x32xf32>, vector<544x32xf32>, vector<544x32xf32>, vector<544x32xf32>, vector<544x32xf32>, vector<544x32xf32>, vector<544x32xf32>, vector<544x32xf32> -> vector<544x256xf32>
    %convert_element_type3A_274 = arith.truncf %concatenate3A_273 : vector<544x256xf32> to vector<544x256xbf16>
    %dot_general3A_275 = arith.constant dense<0.000000e+00> : vector<544x256xf32>
    %dot_general3A_276 = tpu.matmul %convert_element_type3A_274, %get3A_33, %dot_general3A_275 {dimension_numbers = #tpu.dot_dimension_numbers<[1], [0], [0], [1], [0, 0, 1, 1], [], []>, transpose_lhs_hint = false} : vector<544x256xbf16>, vector<256x256xbf16>, vector<544x256xf32> -> vector<544x256xf32>
    %add3A_277 = arith.addf %get3A_15, %dot_general3A_276 : vector<544x256xf32>
    %add3A_278 = vector.broadcast %get3A_36 : vector<1x256xf32> to vector<544x256xf32>
    %add3A_279 = arith.addf %add3A_277, %add3A_278 : vector<544x256xf32>
    %reduce_sum3A_280 = arith.constant dense<0.000000e+00> : vector<544xf32>
    %reduce_sum3A_281 = vector.multi_reduction <add>, %add3A_279, %reduce_sum3A_280 [1] : vector<544x256xf32> to vector<544xf32>
    %broadcast_in_dim3A_282 = vector.shape_cast %reduce_sum3A_281 : vector<544xf32> to vector<544x1xf32>
    %div3A_283 = arith.constant 2.560000e+02 : f32
    %div3A_284 = vector.broadcast %div3A_283 : f32 to vector<544x1xf32>
    %div3A_285 = arith.divf %broadcast_in_dim3A_282, %div3A_284 : vector<544x1xf32>
    %sub3A_286 = vector.broadcast %div3A_285 : vector<544x1xf32> to vector<544x256xf32>
    %sub3A_287 = arith.subf %add3A_279, %sub3A_286 : vector<544x256xf32>
    %square3A_288 = arith.mulf %sub3A_287, %sub3A_287 : vector<544x256xf32>
    %reduce_sum3A_289 = arith.constant dense<0.000000e+00> : vector<544xf32>
    %reduce_sum3A_290 = vector.multi_reduction <add>, %square3A_288, %reduce_sum3A_289 [1] : vector<544x256xf32> to vector<544xf32>
    %broadcast_in_dim3A_291 = vector.shape_cast %reduce_sum3A_290 : vector<544xf32> to vector<544x1xf32>
    %div3A_292 = arith.constant 2.560000e+02 : f32
    %div3A_293 = vector.broadcast %div3A_292 : f32 to vector<544x1xf32>
    %div3A_294 = arith.divf %broadcast_in_dim3A_291, %div3A_293 : vector<544x1xf32>
    %sub3A_295 = vector.broadcast %div3A_285 : vector<544x1xf32> to vector<544x256xf32>
    %sub3A_296 = arith.subf %add3A_279, %sub3A_295 : vector<544x256xf32>
    %add3A_297 = arith.constant 9.99999997E-7 : f32
    %add3A_298 = vector.broadcast %add3A_297 : f32 to vector<544x1xf32>
    %add3A_299 = arith.addf %div3A_294, %add3A_298 : vector<544x1xf32>
    %rsqrt3A_300 = math.rsqrt %add3A_299 : vector<544x1xf32>
    %mul3A_301 = vector.broadcast %rsqrt3A_300 : vector<544x1xf32> to vector<544x256xf32>
    %mul3A_302 = arith.mulf %sub3A_296, %mul3A_301 : vector<544x256xf32>
    %mul3A_303 = vector.broadcast %get3A_39 : vector<1x256xf32> to vector<544x256xf32>
    %mul3A_304 = arith.mulf %mul3A_302, %mul3A_303 : vector<544x256xf32>
    %add3A_305 = vector.broadcast %get3A_42 : vector<1x256xf32> to vector<544x256xf32>
    %add3A_306 = arith.addf %mul3A_304, %add3A_305 : vector<544x256xf32>
    %convert_element_type3A_307 = arith.truncf %add3A_306 : vector<544x256xf32> to vector<544x256xbf16>
    %dot_general3A_308 = arith.constant dense<0.000000e+00> : vector<544x1024xf32>
    %dot_general3A_309 = tpu.matmul %convert_element_type3A_307, %get3A_45, %dot_general3A_308 {dimension_numbers = #tpu.dot_dimension_numbers<[1], [0], [0], [1], [0, 0, 1, 1], [], []>, transpose_lhs_hint = false} : vector<544x256xbf16>, vector<256x1024xbf16>, vector<544x1024xf32> -> vector<544x1024xf32>
    %add3A_310 = vector.broadcast %get3A_48 : vector<1x1024xf32> to vector<544x1024xf32>
    %add3A_311 = arith.addf %dot_general3A_309, %add3A_310 : vector<544x1024xf32>
    %max3A = arith.constant 0.000000e+00 : f32
    %max3A_312 = vector.broadcast %max3A : f32 to vector<544x1024xf32>
    %max3A_313 = arith.maximumf %add3A_311, %max3A_312 : vector<544x1024xf32>
    %convert_element_type3A_314 = arith.truncf %max3A_313 : vector<544x1024xf32> to vector<544x1024xbf16>
    %dot_general3A_315 = arith.constant dense<0.000000e+00> : vector<544x256xf32>
    %dot_general3A_316 = tpu.matmul %convert_element_type3A_314, %get3A_51, %dot_general3A_315 {dimension_numbers = #tpu.dot_dimension_numbers<[1], [0], [0], [1], [0, 0, 1, 1], [], []>, transpose_lhs_hint = false} : vector<544x1024xbf16>, vector<1024x256xbf16>, vector<544x256xf32> -> vector<544x256xf32>
    %add3A_317 = arith.addf %add3A_279, %dot_general3A_316 : vector<544x256xf32>
    %add3A_318 = vector.broadcast %get3A_54 : vector<1x256xf32> to vector<544x256xf32>
    %add3A_319 = arith.addf %add3A_317, %add3A_318 : vector<544x256xf32>
    %get3A_320 = arith.constant 0 : index
    %get3A_321 = arith.constant 0 : index
    %get3A_322 = vector.load %arg15[%get3A_320, %get3A_321] : memref<1x256xf32, #tpu.memory_space<vmem>>, vector<1x256xf32>
    %get3A_323 = arith.constant 0 : index
    %get3A_324 = arith.constant 0 : index
    %get3A_325 = vector.load %arg16[%get3A_323, %get3A_324] : memref<1x256xf32, #tpu.memory_space<vmem>>, vector<1x256xf32>
    %get3A_326 = arith.constant 0 : index
    %get3A_327 = arith.constant 0 : index
    %get3A_328 = vector.load %arg17[%get3A_326, %get3A_327] : memref<256x768xbf16, #tpu.memory_space<vmem>>, vector<256x768xbf16>
    %get3A_329 = arith.constant 0 : index
    %get3A_330 = arith.constant 0 : index
    %get3A_331 = vector.load %arg18[%get3A_329, %get3A_330] : memref<1x768xf32, #tpu.memory_space<vmem>>, vector<1x768xf32>
    %get3A_332 = arith.constant 0 : index
    %get3A_333 = arith.constant 0 : index
    %get3A_334 = vector.load %arg19[%get3A_332, %get3A_333] : memref<256x256xbf16, #tpu.memory_space<vmem>>, vector<256x256xbf16>
    %get3A_335 = arith.constant 0 : index
    %get3A_336 = arith.constant 0 : index
    %get3A_337 = vector.load %arg20[%get3A_335, %get3A_336] : memref<1x256xf32, #tpu.memory_space<vmem>>, vector<1x256xf32>
    %get3A_338 = arith.constant 0 : index
    %get3A_339 = arith.constant 0 : index
    %get3A_340 = vector.load %arg21[%get3A_338, %get3A_339] : memref<1x256xf32, #tpu.memory_space<vmem>>, vector<1x256xf32>
    %get3A_341 = arith.constant 0 : index
    %get3A_342 = arith.constant 0 : index
    %get3A_343 = vector.load %arg22[%get3A_341, %get3A_342] : memref<1x256xf32, #tpu.memory_space<vmem>>, vector<1x256xf32>
    %get3A_344 = arith.constant 0 : index
    %get3A_345 = arith.constant 0 : index
    %get3A_346 = vector.load %arg23[%get3A_344, %get3A_345] : memref<256x1024xbf16, #tpu.memory_space<vmem>>, vector<256x1024xbf16>
    %get3A_347 = arith.constant 0 : index
    %get3A_348 = arith.constant 0 : index
    %get3A_349 = vector.load %arg24[%get3A_347, %get3A_348] : memref<1x1024xf32, #tpu.memory_space<vmem>>, vector<1x1024xf32>
    %get3A_350 = arith.constant 0 : index
    %get3A_351 = arith.constant 0 : index
    %get3A_352 = vector.load %arg25[%get3A_350, %get3A_351] : memref<1024x256xbf16, #tpu.memory_space<vmem>>, vector<1024x256xbf16>
    %get3A_353 = arith.constant 0 : index
    %get3A_354 = arith.constant 0 : index
    %get3A_355 = vector.load %arg26[%get3A_353, %get3A_354] : memref<1x256xf32, #tpu.memory_space<vmem>>, vector<1x256xf32>
    %reduce_sum3A_356 = arith.constant dense<0.000000e+00> : vector<544xf32>
    %reduce_sum3A_357 = vector.multi_reduction <add>, %add3A_319, %reduce_sum3A_356 [1] : vector<544x256xf32> to vector<544xf32>
    %broadcast_in_dim3A_358 = vector.shape_cast %reduce_sum3A_357 : vector<544xf32> to vector<544x1xf32>
    %div3A_359 = arith.constant 2.560000e+02 : f32
    %div3A_360 = vector.broadcast %div3A_359 : f32 to vector<544x1xf32>
    %div3A_361 = arith.divf %broadcast_in_dim3A_358, %div3A_360 : vector<544x1xf32>
    %sub3A_362 = vector.broadcast %div3A_361 : vector<544x1xf32> to vector<544x256xf32>
    %sub3A_363 = arith.subf %add3A_319, %sub3A_362 : vector<544x256xf32>
    %square3A_364 = arith.mulf %sub3A_363, %sub3A_363 : vector<544x256xf32>
    %reduce_sum3A_365 = arith.constant dense<0.000000e+00> : vector<544xf32>
    %reduce_sum3A_366 = vector.multi_reduction <add>, %square3A_364, %reduce_sum3A_365 [1] : vector<544x256xf32> to vector<544xf32>
    %broadcast_in_dim3A_367 = vector.shape_cast %reduce_sum3A_366 : vector<544xf32> to vector<544x1xf32>
    %div3A_368 = arith.constant 2.560000e+02 : f32
    %div3A_369 = vector.broadcast %div3A_368 : f32 to vector<544x1xf32>
    %div3A_370 = arith.divf %broadcast_in_dim3A_367, %div3A_369 : vector<544x1xf32>
    %sub3A_371 = vector.broadcast %div3A_361 : vector<544x1xf32> to vector<544x256xf32>
    %sub3A_372 = arith.subf %add3A_319, %sub3A_371 : vector<544x256xf32>
    %add3A_373 = arith.constant 9.99999997E-7 : f32
    %add3A_374 = vector.broadcast %add3A_373 : f32 to vector<544x1xf32>
    %add3A_375 = arith.addf %div3A_370, %add3A_374 : vector<544x1xf32>
    %rsqrt3A_376 = math.rsqrt %add3A_375 : vector<544x1xf32>
    %mul3A_377 = vector.broadcast %rsqrt3A_376 : vector<544x1xf32> to vector<544x256xf32>
    %mul3A_378 = arith.mulf %sub3A_372, %mul3A_377 : vector<544x256xf32>
    %mul3A_379 = vector.broadcast %get3A_322 : vector<1x256xf32> to vector<544x256xf32>
    %mul3A_380 = arith.mulf %mul3A_378, %mul3A_379 : vector<544x256xf32>
    %add3A_381 = vector.broadcast %get3A_325 : vector<1x256xf32> to vector<544x256xf32>
    %add3A_382 = arith.addf %mul3A_380, %add3A_381 : vector<544x256xf32>
    %convert_element_type3A_383 = arith.truncf %add3A_382 : vector<544x256xf32> to vector<544x256xbf16>
    %dot_general3A_384 = arith.constant dense<0.000000e+00> : vector<544x768xf32>
    %dot_general3A_385 = tpu.matmul %convert_element_type3A_383, %get3A_328, %dot_general3A_384 {dimension_numbers = #tpu.dot_dimension_numbers<[1], [0], [0], [1], [0, 0, 1, 1], [], []>, transpose_lhs_hint = false} : vector<544x256xbf16>, vector<256x768xbf16>, vector<544x768xf32> -> vector<544x768xf32>
    %add3A_386 = vector.broadcast %get3A_331 : vector<1x768xf32> to vector<544x768xf32>
    %add3A_387 = arith.addf %dot_general3A_385, %add3A_386 : vector<544x768xf32>
    %slice3A_388 = vector.extract_strided_slice %add3A_387 {offsets = [0, 0], sizes = [544, 256], strides = [1, 1]} : vector<544x768xf32> to vector<544x256xf32>
    %mul3A_389 = arith.constant 0.176776692 : f32
    %mul3A_390 = vector.broadcast %mul3A_389 : f32 to vector<544x256xf32>
    %mul3A_391 = arith.mulf %slice3A_388, %mul3A_390 : vector<544x256xf32>
    %convert_element_type3A_392 = arith.truncf %mul3A_391 : vector<544x256xf32> to vector<544x256xbf16>
    %slice3A_393 = vector.extract_strided_slice %add3A_387 {offsets = [0, 256], sizes = [544, 512], strides = [1, 1]} : vector<544x768xf32> to vector<544x512xf32>
    %convert_element_type3A_394 = arith.truncf %slice3A_393 : vector<544x512xf32> to vector<544x512xbf16>
    %slice3A_395 = vector.extract_strided_slice %convert_element_type3A_392 {offsets = [0, 0], sizes = [544, 32], strides = [1, 1]} : vector<544x256xbf16> to vector<544x32xbf16>
    %slice3A_396 = vector.extract_strided_slice %convert_element_type3A_394 {offsets = [0, 0], sizes = [544, 32], strides = [1, 1]} : vector<544x512xbf16> to vector<544x32xbf16>
    %slice3A_397 = vector.extract_strided_slice %convert_element_type3A_394 {offsets = [0, 256], sizes = [544, 32], strides = [1, 1]} : vector<544x512xbf16> to vector<544x32xbf16>
    %dot_general3A_398 = arith.constant dense<0.000000e+00> : vector<544x544xf32>
    %dot_general3A_399 = tpu.matmul %slice3A_395, %slice3A_396, %dot_general3A_398 {dimension_numbers = #tpu.dot_dimension_numbers<[1], [1], [0], [0], [0, 0, 1, 0], [], []>, transpose_lhs_hint = false} : vector<544x32xbf16>, vector<544x32xbf16>, vector<544x544xf32> -> vector<544x544xf32>
    %exp3A_400 = math.exp %dot_general3A_399 : vector<544x544xf32>
    %convert_element_type3A_401 = arith.truncf %exp3A_400 : vector<544x544xf32> to vector<544x544xbf16>
    %broadcast_in_dim3A_402 = arith.constant 1.000000e+00 : bf16
    %broadcast_in_dim3A_403 = vector.broadcast %broadcast_in_dim3A_402 : bf16 to vector<544x1xbf16>
    %concatenate3A_404 = tpu.concatenate %slice3A_397, %broadcast_in_dim3A_403 in 1 : vector<544x32xbf16>, vector<544x1xbf16> -> vector<544x33xbf16>
    %dot_general3A_405 = arith.constant dense<0.000000e+00> : vector<544x33xf32>
    %dot_general3A_406 = tpu.matmul %convert_element_type3A_401, %concatenate3A_404, %dot_general3A_405 {dimension_numbers = #tpu.dot_dimension_numbers<[1], [0], [0], [1], [0, 0, 1, 1], [], []>, transpose_lhs_hint = false} : vector<544x544xbf16>, vector<544x33xbf16>, vector<544x33xf32> -> vector<544x33xf32>
    %slice3A_407 = vector.extract_strided_slice %dot_general3A_406 {offsets = [0, 0], sizes = [544, 32], strides = [1, 1]} : vector<544x33xf32> to vector<544x32xf32>
    %slice3A_408 = vector.extract_strided_slice %dot_general3A_406 {offsets = [0, 32], sizes = [544, 1], strides = [1, 1]} : vector<544x33xf32> to vector<544x1xf32>
    %integer_pow3A_409 = arith.constant 1.000000e+00 : f32
    %integer_pow3A_410 = vector.broadcast %integer_pow3A_409 : f32 to vector<544x1xf32>
    %integer_pow3A_411 = arith.divf %integer_pow3A_410, %slice3A_408 : vector<544x1xf32>
    %mul3A_412 = vector.broadcast %integer_pow3A_411 : vector<544x1xf32> to vector<544x32xf32>
    %mul3A_413 = arith.mulf %slice3A_407, %mul3A_412 : vector<544x32xf32>
    %slice3A_414 = vector.extract_strided_slice %convert_element_type3A_392 {offsets = [0, 32], sizes = [544, 32], strides = [1, 1]} : vector<544x256xbf16> to vector<544x32xbf16>
    %slice3A_415 = vector.extract_strided_slice %convert_element_type3A_394 {offsets = [0, 32], sizes = [544, 32], strides = [1, 1]} : vector<544x512xbf16> to vector<544x32xbf16>
    %slice3A_416 = vector.extract_strided_slice %convert_element_type3A_394 {offsets = [0, 288], sizes = [544, 32], strides = [1, 1]} : vector<544x512xbf16> to vector<544x32xbf16>
    %dot_general3A_417 = arith.constant dense<0.000000e+00> : vector<544x544xf32>
    %dot_general3A_418 = tpu.matmul %slice3A_414, %slice3A_415, %dot_general3A_417 {dimension_numbers = #tpu.dot_dimension_numbers<[1], [1], [0], [0], [0, 0, 1, 0], [], []>, transpose_lhs_hint = false} : vector<544x32xbf16>, vector<544x32xbf16>, vector<544x544xf32> -> vector<544x544xf32>
    %exp3A_419 = math.exp %dot_general3A_418 : vector<544x544xf32>
    %convert_element_type3A_420 = arith.truncf %exp3A_419 : vector<544x544xf32> to vector<544x544xbf16>
    %broadcast_in_dim3A_421 = arith.constant 1.000000e+00 : bf16
    %broadcast_in_dim3A_422 = vector.broadcast %broadcast_in_dim3A_421 : bf16 to vector<544x1xbf16>
    %concatenate3A_423 = tpu.concatenate %slice3A_416, %broadcast_in_dim3A_422 in 1 : vector<544x32xbf16>, vector<544x1xbf16> -> vector<544x33xbf16>
    %dot_general3A_424 = arith.constant dense<0.000000e+00> : vector<544x33xf32>
    %dot_general3A_425 = tpu.matmul %convert_element_type3A_420, %concatenate3A_423, %dot_general3A_424 {dimension_numbers = #tpu.dot_dimension_numbers<[1], [0], [0], [1], [0, 0, 1, 1], [], []>, transpose_lhs_hint = false} : vector<544x544xbf16>, vector<544x33xbf16>, vector<544x33xf32> -> vector<544x33xf32>
    %slice3A_426 = vector.extract_strided_slice %dot_general3A_425 {offsets = [0, 0], sizes = [544, 32], strides = [1, 1]} : vector<544x33xf32> to vector<544x32xf32>
    %slice3A_427 = vector.extract_strided_slice %dot_general3A_425 {offsets = [0, 32], sizes = [544, 1], strides = [1, 1]} : vector<544x33xf32> to vector<544x1xf32>
    %integer_pow3A_428 = arith.constant 1.000000e+00 : f32
    %integer_pow3A_429 = vector.broadcast %integer_pow3A_428 : f32 to vector<544x1xf32>
    %integer_pow3A_430 = arith.divf %integer_pow3A_429, %slice3A_427 : vector<544x1xf32>
    %mul3A_431 = vector.broadcast %integer_pow3A_430 : vector<544x1xf32> to vector<544x32xf32>
    %mul3A_432 = arith.mulf %slice3A_426, %mul3A_431 : vector<544x32xf32>
    %slice3A_433 = vector.extract_strided_slice %convert_element_type3A_392 {offsets = [0, 64], sizes = [544, 32], strides = [1, 1]} : vector<544x256xbf16> to vector<544x32xbf16>
    %slice3A_434 = vector.extract_strided_slice %convert_element_type3A_394 {offsets = [0, 64], sizes = [544, 32], strides = [1, 1]} : vector<544x512xbf16> to vector<544x32xbf16>
    %slice3A_435 = vector.extract_strided_slice %convert_element_type3A_394 {offsets = [0, 320], sizes = [544, 32], strides = [1, 1]} : vector<544x512xbf16> to vector<544x32xbf16>
    %dot_general3A_436 = arith.constant dense<0.000000e+00> : vector<544x544xf32>
    %dot_general3A_437 = tpu.matmul %slice3A_433, %slice3A_434, %dot_general3A_436 {dimension_numbers = #tpu.dot_dimension_numbers<[1], [1], [0], [0], [0, 0, 1, 0], [], []>, transpose_lhs_hint = false} : vector<544x32xbf16>, vector<544x32xbf16>, vector<544x544xf32> -> vector<544x544xf32>
    %exp3A_438 = math.exp %dot_general3A_437 : vector<544x544xf32>
    %convert_element_type3A_439 = arith.truncf %exp3A_438 : vector<544x544xf32> to vector<544x544xbf16>
    %broadcast_in_dim3A_440 = arith.constant 1.000000e+00 : bf16
    %broadcast_in_dim3A_441 = vector.broadcast %broadcast_in_dim3A_440 : bf16 to vector<544x1xbf16>
    %concatenate3A_442 = tpu.concatenate %slice3A_435, %broadcast_in_dim3A_441 in 1 : vector<544x32xbf16>, vector<544x1xbf16> -> vector<544x33xbf16>
    %dot_general3A_443 = arith.constant dense<0.000000e+00> : vector<544x33xf32>
    %dot_general3A_444 = tpu.matmul %convert_element_type3A_439, %concatenate3A_442, %dot_general3A_443 {dimension_numbers = #tpu.dot_dimension_numbers<[1], [0], [0], [1], [0, 0, 1, 1], [], []>, transpose_lhs_hint = false} : vector<544x544xbf16>, vector<544x33xbf16>, vector<544x33xf32> -> vector<544x33xf32>
    %slice3A_445 = vector.extract_strided_slice %dot_general3A_444 {offsets = [0, 0], sizes = [544, 32], strides = [1, 1]} : vector<544x33xf32> to vector<544x32xf32>
    %slice3A_446 = vector.extract_strided_slice %dot_general3A_444 {offsets = [0, 32], sizes = [544, 1], strides = [1, 1]} : vector<544x33xf32> to vector<544x1xf32>
    %integer_pow3A_447 = arith.constant 1.000000e+00 : f32
    %integer_pow3A_448 = vector.broadcast %integer_pow3A_447 : f32 to vector<544x1xf32>
    %integer_pow3A_449 = arith.divf %integer_pow3A_448, %slice3A_446 : vector<544x1xf32>
    %mul3A_450 = vector.broadcast %integer_pow3A_449 : vector<544x1xf32> to vector<544x32xf32>
    %mul3A_451 = arith.mulf %slice3A_445, %mul3A_450 : vector<544x32xf32>
    %slice3A_452 = vector.extract_strided_slice %convert_element_type3A_392 {offsets = [0, 96], sizes = [544, 32], strides = [1, 1]} : vector<544x256xbf16> to vector<544x32xbf16>
    %slice3A_453 = vector.extract_strided_slice %convert_element_type3A_394 {offsets = [0, 96], sizes = [544, 32], strides = [1, 1]} : vector<544x512xbf16> to vector<544x32xbf16>
    %slice3A_454 = vector.extract_strided_slice %convert_element_type3A_394 {offsets = [0, 352], sizes = [544, 32], strides = [1, 1]} : vector<544x512xbf16> to vector<544x32xbf16>
    %dot_general3A_455 = arith.constant dense<0.000000e+00> : vector<544x544xf32>
    %dot_general3A_456 = tpu.matmul %slice3A_452, %slice3A_453, %dot_general3A_455 {dimension_numbers = #tpu.dot_dimension_numbers<[1], [1], [0], [0], [0, 0, 1, 0], [], []>, transpose_lhs_hint = false} : vector<544x32xbf16>, vector<544x32xbf16>, vector<544x544xf32> -> vector<544x544xf32>
    %exp3A_457 = math.exp %dot_general3A_456 : vector<544x544xf32>
    %convert_element_type3A_458 = arith.truncf %exp3A_457 : vector<544x544xf32> to vector<544x544xbf16>
    %broadcast_in_dim3A_459 = arith.constant 1.000000e+00 : bf16
    %broadcast_in_dim3A_460 = vector.broadcast %broadcast_in_dim3A_459 : bf16 to vector<544x1xbf16>
    %concatenate3A_461 = tpu.concatenate %slice3A_454, %broadcast_in_dim3A_460 in 1 : vector<544x32xbf16>, vector<544x1xbf16> -> vector<544x33xbf16>
    %dot_general3A_462 = arith.constant dense<0.000000e+00> : vector<544x33xf32>
    %dot_general3A_463 = tpu.matmul %convert_element_type3A_458, %concatenate3A_461, %dot_general3A_462 {dimension_numbers = #tpu.dot_dimension_numbers<[1], [0], [0], [1], [0, 0, 1, 1], [], []>, transpose_lhs_hint = false} : vector<544x544xbf16>, vector<544x33xbf16>, vector<544x33xf32> -> vector<544x33xf32>
    %slice3A_464 = vector.extract_strided_slice %dot_general3A_463 {offsets = [0, 0], sizes = [544, 32], strides = [1, 1]} : vector<544x33xf32> to vector<544x32xf32>
    %slice3A_465 = vector.extract_strided_slice %dot_general3A_463 {offsets = [0, 32], sizes = [544, 1], strides = [1, 1]} : vector<544x33xf32> to vector<544x1xf32>
    %integer_pow3A_466 = arith.constant 1.000000e+00 : f32
    %integer_pow3A_467 = vector.broadcast %integer_pow3A_466 : f32 to vector<544x1xf32>
    %integer_pow3A_468 = arith.divf %integer_pow3A_467, %slice3A_465 : vector<544x1xf32>
    %mul3A_469 = vector.broadcast %integer_pow3A_468 : vector<544x1xf32> to vector<544x32xf32>
    %mul3A_470 = arith.mulf %slice3A_464, %mul3A_469 : vector<544x32xf32>
    %slice3A_471 = vector.extract_strided_slice %convert_element_type3A_392 {offsets = [0, 128], sizes = [544, 32], strides = [1, 1]} : vector<544x256xbf16> to vector<544x32xbf16>
    %slice3A_472 = vector.extract_strided_slice %convert_element_type3A_394 {offsets = [0, 128], sizes = [544, 32], strides = [1, 1]} : vector<544x512xbf16> to vector<544x32xbf16>
    %slice3A_473 = vector.extract_strided_slice %convert_element_type3A_394 {offsets = [0, 384], sizes = [544, 32], strides = [1, 1]} : vector<544x512xbf16> to vector<544x32xbf16>
    %dot_general3A_474 = arith.constant dense<0.000000e+00> : vector<544x544xf32>
    %dot_general3A_475 = tpu.matmul %slice3A_471, %slice3A_472, %dot_general3A_474 {dimension_numbers = #tpu.dot_dimension_numbers<[1], [1], [0], [0], [0, 0, 1, 0], [], []>, transpose_lhs_hint = false} : vector<544x32xbf16>, vector<544x32xbf16>, vector<544x544xf32> -> vector<544x544xf32>
    %exp3A_476 = math.exp %dot_general3A_475 : vector<544x544xf32>
    %convert_element_type3A_477 = arith.truncf %exp3A_476 : vector<544x544xf32> to vector<544x544xbf16>
    %broadcast_in_dim3A_478 = arith.constant 1.000000e+00 : bf16
    %broadcast_in_dim3A_479 = vector.broadcast %broadcast_in_dim3A_478 : bf16 to vector<544x1xbf16>
    %concatenate3A_480 = tpu.concatenate %slice3A_473, %broadcast_in_dim3A_479 in 1 : vector<544x32xbf16>, vector<544x1xbf16> -> vector<544x33xbf16>
    %dot_general3A_481 = arith.constant dense<0.000000e+00> : vector<544x33xf32>
    %dot_general3A_482 = tpu.matmul %convert_element_type3A_477, %concatenate3A_480, %dot_general3A_481 {dimension_numbers = #tpu.dot_dimension_numbers<[1], [0], [0], [1], [0, 0, 1, 1], [], []>, transpose_lhs_hint = false} : vector<544x544xbf16>, vector<544x33xbf16>, vector<544x33xf32> -> vector<544x33xf32>
    %slice3A_483 = vector.extract_strided_slice %dot_general3A_482 {offsets = [0, 0], sizes = [544, 32], strides = [1, 1]} : vector<544x33xf32> to vector<544x32xf32>
    %slice3A_484 = vector.extract_strided_slice %dot_general3A_482 {offsets = [0, 32], sizes = [544, 1], strides = [1, 1]} : vector<544x33xf32> to vector<544x1xf32>
    %integer_pow3A_485 = arith.constant 1.000000e+00 : f32
    %integer_pow3A_486 = vector.broadcast %integer_pow3A_485 : f32 to vector<544x1xf32>
    %integer_pow3A_487 = arith.divf %integer_pow3A_486, %slice3A_484 : vector<544x1xf32>
    %mul3A_488 = vector.broadcast %integer_pow3A_487 : vector<544x1xf32> to vector<544x32xf32>
    %mul3A_489 = arith.mulf %slice3A_483, %mul3A_488 : vector<544x32xf32>
    %slice3A_490 = vector.extract_strided_slice %convert_element_type3A_392 {offsets = [0, 160], sizes = [544, 32], strides = [1, 1]} : vector<544x256xbf16> to vector<544x32xbf16>
    %slice3A_491 = vector.extract_strided_slice %convert_element_type3A_394 {offsets = [0, 160], sizes = [544, 32], strides = [1, 1]} : vector<544x512xbf16> to vector<544x32xbf16>
    %slice3A_492 = vector.extract_strided_slice %convert_element_type3A_394 {offsets = [0, 416], sizes = [544, 32], strides = [1, 1]} : vector<544x512xbf16> to vector<544x32xbf16>
    %dot_general3A_493 = arith.constant dense<0.000000e+00> : vector<544x544xf32>
    %dot_general3A_494 = tpu.matmul %slice3A_490, %slice3A_491, %dot_general3A_493 {dimension_numbers = #tpu.dot_dimension_numbers<[1], [1], [0], [0], [0, 0, 1, 0], [], []>, transpose_lhs_hint = false} : vector<544x32xbf16>, vector<544x32xbf16>, vector<544x544xf32> -> vector<544x544xf32>
    %exp3A_495 = math.exp %dot_general3A_494 : vector<544x544xf32>
    %convert_element_type3A_496 = arith.truncf %exp3A_495 : vector<544x544xf32> to vector<544x544xbf16>
    %broadcast_in_dim3A_497 = arith.constant 1.000000e+00 : bf16
    %broadcast_in_dim3A_498 = vector.broadcast %broadcast_in_dim3A_497 : bf16 to vector<544x1xbf16>
    %concatenate3A_499 = tpu.concatenate %slice3A_492, %broadcast_in_dim3A_498 in 1 : vector<544x32xbf16>, vector<544x1xbf16> -> vector<544x33xbf16>
    %dot_general3A_500 = arith.constant dense<0.000000e+00> : vector<544x33xf32>
    %dot_general3A_501 = tpu.matmul %convert_element_type3A_496, %concatenate3A_499, %dot_general3A_500 {dimension_numbers = #tpu.dot_dimension_numbers<[1], [0], [0], [1], [0, 0, 1, 1], [], []>, transpose_lhs_hint = false} : vector<544x544xbf16>, vector<544x33xbf16>, vector<544x33xf32> -> vector<544x33xf32>
    %slice3A_502 = vector.extract_strided_slice %dot_general3A_501 {offsets = [0, 0], sizes = [544, 32], strides = [1, 1]} : vector<544x33xf32> to vector<544x32xf32>
    %slice3A_503 = vector.extract_strided_slice %dot_general3A_501 {offsets = [0, 32], sizes = [544, 1], strides = [1, 1]} : vector<544x33xf32> to vector<544x1xf32>
    %integer_pow3A_504 = arith.constant 1.000000e+00 : f32
    %integer_pow3A_505 = vector.broadcast %integer_pow3A_504 : f32 to vector<544x1xf32>
    %integer_pow3A_506 = arith.divf %integer_pow3A_505, %slice3A_503 : vector<544x1xf32>
    %mul3A_507 = vector.broadcast %integer_pow3A_506 : vector<544x1xf32> to vector<544x32xf32>
    %mul3A_508 = arith.mulf %slice3A_502, %mul3A_507 : vector<544x32xf32>
    %slice3A_509 = vector.extract_strided_slice %convert_element_type3A_392 {offsets = [0, 192], sizes = [544, 32], strides = [1, 1]} : vector<544x256xbf16> to vector<544x32xbf16>
    %slice3A_510 = vector.extract_strided_slice %convert_element_type3A_394 {offsets = [0, 192], sizes = [544, 32], strides = [1, 1]} : vector<544x512xbf16> to vector<544x32xbf16>
    %slice3A_511 = vector.extract_strided_slice %convert_element_type3A_394 {offsets = [0, 448], sizes = [544, 32], strides = [1, 1]} : vector<544x512xbf16> to vector<544x32xbf16>
    %dot_general3A_512 = arith.constant dense<0.000000e+00> : vector<544x544xf32>
    %dot_general3A_513 = tpu.matmul %slice3A_509, %slice3A_510, %dot_general3A_512 {dimension_numbers = #tpu.dot_dimension_numbers<[1], [1], [0], [0], [0, 0, 1, 0], [], []>, transpose_lhs_hint = false} : vector<544x32xbf16>, vector<544x32xbf16>, vector<544x544xf32> -> vector<544x544xf32>
    %exp3A_514 = math.exp %dot_general3A_513 : vector<544x544xf32>
    %convert_element_type3A_515 = arith.truncf %exp3A_514 : vector<544x544xf32> to vector<544x544xbf16>
    %broadcast_in_dim3A_516 = arith.constant 1.000000e+00 : bf16
    %broadcast_in_dim3A_517 = vector.broadcast %broadcast_in_dim3A_516 : bf16 to vector<544x1xbf16>
    %concatenate3A_518 = tpu.concatenate %slice3A_511, %broadcast_in_dim3A_517 in 1 : vector<544x32xbf16>, vector<544x1xbf16> -> vector<544x33xbf16>
    %dot_general3A_519 = arith.constant dense<0.000000e+00> : vector<544x33xf32>
    %dot_general3A_520 = tpu.matmul %convert_element_type3A_515, %concatenate3A_518, %dot_general3A_519 {dimension_numbers = #tpu.dot_dimension_numbers<[1], [0], [0], [1], [0, 0, 1, 1], [], []>, transpose_lhs_hint = false} : vector<544x544xbf16>, vector<544x33xbf16>, vector<544x33xf32> -> vector<544x33xf32>
    %slice3A_521 = vector.extract_strided_slice %dot_general3A_520 {offsets = [0, 0], sizes = [544, 32], strides = [1, 1]} : vector<544x33xf32> to vector<544x32xf32>
    %slice3A_522 = vector.extract_strided_slice %dot_general3A_520 {offsets = [0, 32], sizes = [544, 1], strides = [1, 1]} : vector<544x33xf32> to vector<544x1xf32>
    %integer_pow3A_523 = arith.constant 1.000000e+00 : f32
    %integer_pow3A_524 = vector.broadcast %integer_pow3A_523 : f32 to vector<544x1xf32>
    %integer_pow3A_525 = arith.divf %integer_pow3A_524, %slice3A_522 : vector<544x1xf32>
    %mul3A_526 = vector.broadcast %integer_pow3A_525 : vector<544x1xf32> to vector<544x32xf32>
    %mul3A_527 = arith.mulf %slice3A_521, %mul3A_526 : vector<544x32xf32>
    %slice3A_528 = vector.extract_strided_slice %convert_element_type3A_392 {offsets = [0, 224], sizes = [544, 32], strides = [1, 1]} : vector<544x256xbf16> to vector<544x32xbf16>
    %slice3A_529 = vector.extract_strided_slice %convert_element_type3A_394 {offsets = [0, 224], sizes = [544, 32], strides = [1, 1]} : vector<544x512xbf16> to vector<544x32xbf16>
    %slice3A_530 = vector.extract_strided_slice %convert_element_type3A_394 {offsets = [0, 480], sizes = [544, 32], strides = [1, 1]} : vector<544x512xbf16> to vector<544x32xbf16>
    %dot_general3A_531 = arith.constant dense<0.000000e+00> : vector<544x544xf32>
    %dot_general3A_532 = tpu.matmul %slice3A_528, %slice3A_529, %dot_general3A_531 {dimension_numbers = #tpu.dot_dimension_numbers<[1], [1], [0], [0], [0, 0, 1, 0], [], []>, transpose_lhs_hint = false} : vector<544x32xbf16>, vector<544x32xbf16>, vector<544x544xf32> -> vector<544x544xf32>
    %exp3A_533 = math.exp %dot_general3A_532 : vector<544x544xf32>
    %convert_element_type3A_534 = arith.truncf %exp3A_533 : vector<544x544xf32> to vector<544x544xbf16>
    %broadcast_in_dim3A_535 = arith.constant 1.000000e+00 : bf16
    %broadcast_in_dim3A_536 = vector.broadcast %broadcast_in_dim3A_535 : bf16 to vector<544x1xbf16>
    %concatenate3A_537 = tpu.concatenate %slice3A_530, %broadcast_in_dim3A_536 in 1 : vector<544x32xbf16>, vector<544x1xbf16> -> vector<544x33xbf16>
    %dot_general3A_538 = arith.constant dense<0.000000e+00> : vector<544x33xf32>
    %dot_general3A_539 = tpu.matmul %convert_element_type3A_534, %concatenate3A_537, %dot_general3A_538 {dimension_numbers = #tpu.dot_dimension_numbers<[1], [0], [0], [1], [0, 0, 1, 1], [], []>, transpose_lhs_hint = false} : vector<544x544xbf16>, vector<544x33xbf16>, vector<544x33xf32> -> vector<544x33xf32>
    %slice3A_540 = vector.extract_strided_slice %dot_general3A_539 {offsets = [0, 0], sizes = [544, 32], strides = [1, 1]} : vector<544x33xf32> to vector<544x32xf32>
    %slice3A_541 = vector.extract_strided_slice %dot_general3A_539 {offsets = [0, 32], sizes = [544, 1], strides = [1, 1]} : vector<544x33xf32> to vector<544x1xf32>
    %integer_pow3A_542 = arith.constant 1.000000e+00 : f32
    %integer_pow3A_543 = vector.broadcast %integer_pow3A_542 : f32 to vector<544x1xf32>
    %integer_pow3A_544 = arith.divf %integer_pow3A_543, %slice3A_541 : vector<544x1xf32>
    %mul3A_545 = vector.broadcast %integer_pow3A_544 : vector<544x1xf32> to vector<544x32xf32>
    %mul3A_546 = arith.mulf %slice3A_540, %mul3A_545 : vector<544x32xf32>
    %concatenate3A_547 = tpu.concatenate %mul3A_413, %mul3A_432, %mul3A_451, %mul3A_470, %mul3A_489, %mul3A_508, %mul3A_527, %mul3A_546 in 1 : vector<544x32xf32>, vector<544x32xf32>, vector<544x32xf32>, vector<544x32xf32>, vector<544x32xf32>, vector<544x32xf32>, vector<544x32xf32>, vector<544x32xf32> -> vector<544x256xf32>
    %convert_element_type3A_548 = arith.truncf %concatenate3A_547 : vector<544x256xf32> to vector<544x256xbf16>
    %dot_general3A_549 = arith.constant dense<0.000000e+00> : vector<544x256xf32>
    %dot_general3A_550 = tpu.matmul %convert_element_type3A_548, %get3A_334, %dot_general3A_549 {dimension_numbers = #tpu.dot_dimension_numbers<[1], [0], [0], [1], [0, 0, 1, 1], [], []>, transpose_lhs_hint = false} : vector<544x256xbf16>, vector<256x256xbf16>, vector<544x256xf32> -> vector<544x256xf32>
    %add3A_551 = arith.addf %add3A_319, %dot_general3A_550 : vector<544x256xf32>
    %add3A_552 = vector.broadcast %get3A_337 : vector<1x256xf32> to vector<544x256xf32>
    %add3A_553 = arith.addf %add3A_551, %add3A_552 : vector<544x256xf32>
    %reduce_sum3A_554 = arith.constant dense<0.000000e+00> : vector<544xf32>
    %reduce_sum3A_555 = vector.multi_reduction <add>, %add3A_553, %reduce_sum3A_554 [1] : vector<544x256xf32> to vector<544xf32>
    %broadcast_in_dim3A_556 = vector.shape_cast %reduce_sum3A_555 : vector<544xf32> to vector<544x1xf32>
    %div3A_557 = arith.constant 2.560000e+02 : f32
    %div3A_558 = vector.broadcast %div3A_557 : f32 to vector<544x1xf32>
    %div3A_559 = arith.divf %broadcast_in_dim3A_556, %div3A_558 : vector<544x1xf32>
    %sub3A_560 = vector.broadcast %div3A_559 : vector<544x1xf32> to vector<544x256xf32>
    %sub3A_561 = arith.subf %add3A_553, %sub3A_560 : vector<544x256xf32>
    %square3A_562 = arith.mulf %sub3A_561, %sub3A_561 : vector<544x256xf32>
    %reduce_sum3A_563 = arith.constant dense<0.000000e+00> : vector<544xf32>
    %reduce_sum3A_564 = vector.multi_reduction <add>, %square3A_562, %reduce_sum3A_563 [1] : vector<544x256xf32> to vector<544xf32>
    %broadcast_in_dim3A_565 = vector.shape_cast %reduce_sum3A_564 : vector<544xf32> to vector<544x1xf32>
    %div3A_566 = arith.constant 2.560000e+02 : f32
    %div3A_567 = vector.broadcast %div3A_566 : f32 to vector<544x1xf32>
    %div3A_568 = arith.divf %broadcast_in_dim3A_565, %div3A_567 : vector<544x1xf32>
    %sub3A_569 = vector.broadcast %div3A_559 : vector<544x1xf32> to vector<544x256xf32>
    %sub3A_570 = arith.subf %add3A_553, %sub3A_569 : vector<544x256xf32>
    %add3A_571 = arith.constant 9.99999997E-7 : f32
    %add3A_572 = vector.broadcast %add3A_571 : f32 to vector<544x1xf32>
    %add3A_573 = arith.addf %div3A_568, %add3A_572 : vector<544x1xf32>
    %rsqrt3A_574 = math.rsqrt %add3A_573 : vector<544x1xf32>
    %mul3A_575 = vector.broadcast %rsqrt3A_574 : vector<544x1xf32> to vector<544x256xf32>
    %mul3A_576 = arith.mulf %sub3A_570, %mul3A_575 : vector<544x256xf32>
    %mul3A_577 = vector.broadcast %get3A_340 : vector<1x256xf32> to vector<544x256xf32>
    %mul3A_578 = arith.mulf %mul3A_576, %mul3A_577 : vector<544x256xf32>
    %add3A_579 = vector.broadcast %get3A_343 : vector<1x256xf32> to vector<544x256xf32>
    %add3A_580 = arith.addf %mul3A_578, %add3A_579 : vector<544x256xf32>
    %convert_element_type3A_581 = arith.truncf %add3A_580 : vector<544x256xf32> to vector<544x256xbf16>
    %dot_general3A_582 = arith.constant dense<0.000000e+00> : vector<544x1024xf32>
    %dot_general3A_583 = tpu.matmul %convert_element_type3A_581, %get3A_346, %dot_general3A_582 {dimension_numbers = #tpu.dot_dimension_numbers<[1], [0], [0], [1], [0, 0, 1, 1], [], []>, transpose_lhs_hint = false} : vector<544x256xbf16>, vector<256x1024xbf16>, vector<544x1024xf32> -> vector<544x1024xf32>
    %add3A_584 = vector.broadcast %get3A_349 : vector<1x1024xf32> to vector<544x1024xf32>
    %add3A_585 = arith.addf %dot_general3A_583, %add3A_584 : vector<544x1024xf32>
    %max3A_586 = arith.constant 0.000000e+00 : f32
    %max3A_587 = vector.broadcast %max3A_586 : f32 to vector<544x1024xf32>
    %max3A_588 = arith.maximumf %add3A_585, %max3A_587 : vector<544x1024xf32>
    %convert_element_type3A_589 = arith.truncf %max3A_588 : vector<544x1024xf32> to vector<544x1024xbf16>
    %dot_general3A_590 = arith.constant dense<0.000000e+00> : vector<544x256xf32>
    %dot_general3A_591 = tpu.matmul %convert_element_type3A_589, %get3A_352, %dot_general3A_590 {dimension_numbers = #tpu.dot_dimension_numbers<[1], [0], [0], [1], [0, 0, 1, 1], [], []>, transpose_lhs_hint = false} : vector<544x1024xbf16>, vector<1024x256xbf16>, vector<544x256xf32> -> vector<544x256xf32>
    %add3A_592 = arith.addf %add3A_553, %dot_general3A_591 : vector<544x256xf32>
    %add3A_593 = vector.broadcast %get3A_355 : vector<1x256xf32> to vector<544x256xf32>
    %add3A_594 = arith.addf %add3A_592, %add3A_593 : vector<544x256xf32>
    %get3A_595 = arith.constant 0 : index
    %get3A_596 = arith.constant 0 : index
    %get3A_597 = vector.load %arg27[%get3A_595, %get3A_596] : memref<1x256xf32, #tpu.memory_space<vmem>>, vector<1x256xf32>
    %get3A_598 = arith.constant 0 : index
    %get3A_599 = arith.constant 0 : index
    %get3A_600 = vector.load %arg28[%get3A_598, %get3A_599] : memref<1x256xf32, #tpu.memory_space<vmem>>, vector<1x256xf32>
    %get3A_601 = arith.constant 0 : index
    %get3A_602 = arith.constant 0 : index
    %get3A_603 = vector.load %arg29[%get3A_601, %get3A_602] : memref<256x768xbf16, #tpu.memory_space<vmem>>, vector<256x768xbf16>
    %get3A_604 = arith.constant 0 : index
    %get3A_605 = arith.constant 0 : index
    %get3A_606 = vector.load %arg30[%get3A_604, %get3A_605] : memref<1x768xf32, #tpu.memory_space<vmem>>, vector<1x768xf32>
    %get3A_607 = arith.constant 0 : index
    %get3A_608 = arith.constant 0 : index
    %get3A_609 = vector.load %arg31[%get3A_607, %get3A_608] : memref<256x256xbf16, #tpu.memory_space<vmem>>, vector<256x256xbf16>
    %get3A_610 = arith.constant 0 : index
    %get3A_611 = arith.constant 0 : index
    %get3A_612 = vector.load %arg32[%get3A_610, %get3A_611] : memref<1x256xf32, #tpu.memory_space<vmem>>, vector<1x256xf32>
    %get3A_613 = arith.constant 0 : index
    %get3A_614 = arith.constant 0 : index
    %get3A_615 = vector.load %arg33[%get3A_613, %get3A_614] : memref<1x256xf32, #tpu.memory_space<vmem>>, vector<1x256xf32>
    %get3A_616 = arith.constant 0 : index
    %get3A_617 = arith.constant 0 : index
    %get3A_618 = vector.load %arg34[%get3A_616, %get3A_617] : memref<1x256xf32, #tpu.memory_space<vmem>>, vector<1x256xf32>
    %get3A_619 = arith.constant 0 : index
    %get3A_620 = arith.constant 0 : index
    %get3A_621 = vector.load %arg35[%get3A_619, %get3A_620] : memref<256x1024xbf16, #tpu.memory_space<vmem>>, vector<256x1024xbf16>
    %get3A_622 = arith.constant 0 : index
    %get3A_623 = arith.constant 0 : index
    %get3A_624 = vector.load %arg36[%get3A_622, %get3A_623] : memref<1x1024xf32, #tpu.memory_space<vmem>>, vector<1x1024xf32>
    %get3A_625 = arith.constant 0 : index
    %get3A_626 = arith.constant 0 : index
    %get3A_627 = vector.load %arg37[%get3A_625, %get3A_626] : memref<1024x256xbf16, #tpu.memory_space<vmem>>, vector<1024x256xbf16>
    %get3A_628 = arith.constant 0 : index
    %get3A_629 = arith.constant 0 : index
    %get3A_630 = vector.load %arg38[%get3A_628, %get3A_629] : memref<1x256xf32, #tpu.memory_space<vmem>>, vector<1x256xf32>
    %reduce_sum3A_631 = arith.constant dense<0.000000e+00> : vector<544xf32>
    %reduce_sum3A_632 = vector.multi_reduction <add>, %add3A_594, %reduce_sum3A_631 [1] : vector<544x256xf32> to vector<544xf32>
    %broadcast_in_dim3A_633 = vector.shape_cast %reduce_sum3A_632 : vector<544xf32> to vector<544x1xf32>
    %div3A_634 = arith.constant 2.560000e+02 : f32
    %div3A_635 = vector.broadcast %div3A_634 : f32 to vector<544x1xf32>
    %div3A_636 = arith.divf %broadcast_in_dim3A_633, %div3A_635 : vector<544x1xf32>
    %sub3A_637 = vector.broadcast %div3A_636 : vector<544x1xf32> to vector<544x256xf32>
    %sub3A_638 = arith.subf %add3A_594, %sub3A_637 : vector<544x256xf32>
    %square3A_639 = arith.mulf %sub3A_638, %sub3A_638 : vector<544x256xf32>
    %reduce_sum3A_640 = arith.constant dense<0.000000e+00> : vector<544xf32>
    %reduce_sum3A_641 = vector.multi_reduction <add>, %square3A_639, %reduce_sum3A_640 [1] : vector<544x256xf32> to vector<544xf32>
    %broadcast_in_dim3A_642 = vector.shape_cast %reduce_sum3A_641 : vector<544xf32> to vector<544x1xf32>
    %div3A_643 = arith.constant 2.560000e+02 : f32
    %div3A_644 = vector.broadcast %div3A_643 : f32 to vector<544x1xf32>
    %div3A_645 = arith.divf %broadcast_in_dim3A_642, %div3A_644 : vector<544x1xf32>
    %sub3A_646 = vector.broadcast %div3A_636 : vector<544x1xf32> to vector<544x256xf32>
    %sub3A_647 = arith.subf %add3A_594, %sub3A_646 : vector<544x256xf32>
    %add3A_648 = arith.constant 9.99999997E-7 : f32
    %add3A_649 = vector.broadcast %add3A_648 : f32 to vector<544x1xf32>
    %add3A_650 = arith.addf %div3A_645, %add3A_649 : vector<544x1xf32>
    %rsqrt3A_651 = math.rsqrt %add3A_650 : vector<544x1xf32>
    %mul3A_652 = vector.broadcast %rsqrt3A_651 : vector<544x1xf32> to vector<544x256xf32>
    %mul3A_653 = arith.mulf %sub3A_647, %mul3A_652 : vector<544x256xf32>
    %mul3A_654 = vector.broadcast %get3A_597 : vector<1x256xf32> to vector<544x256xf32>
    %mul3A_655 = arith.mulf %mul3A_653, %mul3A_654 : vector<544x256xf32>
    %add3A_656 = vector.broadcast %get3A_600 : vector<1x256xf32> to vector<544x256xf32>
    %add3A_657 = arith.addf %mul3A_655, %add3A_656 : vector<544x256xf32>
    %convert_element_type3A_658 = arith.truncf %add3A_657 : vector<544x256xf32> to vector<544x256xbf16>
    %dot_general3A_659 = arith.constant dense<0.000000e+00> : vector<544x768xf32>
    %dot_general3A_660 = tpu.matmul %convert_element_type3A_658, %get3A_603, %dot_general3A_659 {dimension_numbers = #tpu.dot_dimension_numbers<[1], [0], [0], [1], [0, 0, 1, 1], [], []>, transpose_lhs_hint = false} : vector<544x256xbf16>, vector<256x768xbf16>, vector<544x768xf32> -> vector<544x768xf32>
    %add3A_661 = vector.broadcast %get3A_606 : vector<1x768xf32> to vector<544x768xf32>
    %add3A_662 = arith.addf %dot_general3A_660, %add3A_661 : vector<544x768xf32>
    %slice3A_663 = vector.extract_strided_slice %add3A_662 {offsets = [0, 0], sizes = [544, 256], strides = [1, 1]} : vector<544x768xf32> to vector<544x256xf32>
    %mul3A_664 = arith.constant 0.176776692 : f32
    %mul3A_665 = vector.broadcast %mul3A_664 : f32 to vector<544x256xf32>
    %mul3A_666 = arith.mulf %slice3A_663, %mul3A_665 : vector<544x256xf32>
    %convert_element_type3A_667 = arith.truncf %mul3A_666 : vector<544x256xf32> to vector<544x256xbf16>
    %slice3A_668 = vector.extract_strided_slice %add3A_662 {offsets = [0, 256], sizes = [544, 512], strides = [1, 1]} : vector<544x768xf32> to vector<544x512xf32>
    %convert_element_type3A_669 = arith.truncf %slice3A_668 : vector<544x512xf32> to vector<544x512xbf16>
    %broadcast_in_dim3A_670 = arith.constant 8.000000e+00 : bf16
    %broadcast_in_dim3A_671 = vector.broadcast %broadcast_in_dim3A_670 : bf16 to vector<544x1xbf16>
    %slice3A_672 = vector.extract_strided_slice %convert_element_type3A_667 {offsets = [0, 0], sizes = [544, 32], strides = [1, 1]} : vector<544x256xbf16> to vector<544x32xbf16>
    %slice3A_673 = vector.extract_strided_slice %convert_element_type3A_669 {offsets = [0, 0], sizes = [544, 32], strides = [1, 1]} : vector<544x512xbf16> to vector<544x32xbf16>
    %slice3A_674 = vector.extract_strided_slice %convert_element_type3A_669 {offsets = [0, 256], sizes = [544, 32], strides = [1, 1]} : vector<544x512xbf16> to vector<544x32xbf16>
    %concatenate3A_675 = tpu.concatenate %slice3A_672, %get3A_18, %broadcast_in_dim3A_671 in 1 : vector<544x32xbf16>, vector<544x8xbf16>, vector<544x1xbf16> -> vector<544x41xbf16>
    %neg3A_676 = arith.constant 0.000000e+00 : bf16
    %neg3A_677 = vector.broadcast %neg3A_676 : bf16 to vector<544x1xbf16>
    %neg3A_678 = arith.subf %neg3A_677, %broadcast_in_dim3A_671 : vector<544x1xbf16>
    %concatenate3A_679 = tpu.concatenate %slice3A_673, %get3A_18, %neg3A_678 in 1 : vector<544x32xbf16>, vector<544x8xbf16>, vector<544x1xbf16> -> vector<544x41xbf16>
    %dot_general3A_680 = arith.constant dense<0.000000e+00> : vector<544x544xf32>
    %dot_general3A_681 = tpu.matmul %concatenate3A_675, %concatenate3A_679, %dot_general3A_680 {dimension_numbers = #tpu.dot_dimension_numbers<[1], [1], [0], [0], [0, 0, 1, 0], [], []>, transpose_lhs_hint = false} : vector<544x41xbf16>, vector<544x41xbf16>, vector<544x544xf32> -> vector<544x544xf32>
    %exp3A_682 = math.exp %dot_general3A_681 : vector<544x544xf32>
    %convert_element_type3A_683 = arith.truncf %exp3A_682 : vector<544x544xf32> to vector<544x544xbf16>
    %broadcast_in_dim3A_684 = arith.constant 1.000000e+00 : bf16
    %broadcast_in_dim3A_685 = vector.broadcast %broadcast_in_dim3A_684 : bf16 to vector<544x1xbf16>
    %concatenate3A_686 = tpu.concatenate %slice3A_674, %broadcast_in_dim3A_685 in 1 : vector<544x32xbf16>, vector<544x1xbf16> -> vector<544x33xbf16>
    %dot_general3A_687 = arith.constant dense<0.000000e+00> : vector<544x33xf32>
    %dot_general3A_688 = tpu.matmul %convert_element_type3A_683, %concatenate3A_686, %dot_general3A_687 {dimension_numbers = #tpu.dot_dimension_numbers<[1], [0], [0], [1], [0, 0, 1, 1], [], []>, transpose_lhs_hint = false} : vector<544x544xbf16>, vector<544x33xbf16>, vector<544x33xf32> -> vector<544x33xf32>
    %slice3A_689 = vector.extract_strided_slice %dot_general3A_688 {offsets = [0, 0], sizes = [544, 32], strides = [1, 1]} : vector<544x33xf32> to vector<544x32xf32>
    %slice3A_690 = vector.extract_strided_slice %dot_general3A_688 {offsets = [0, 32], sizes = [544, 1], strides = [1, 1]} : vector<544x33xf32> to vector<544x1xf32>
    %integer_pow3A_691 = arith.constant 1.000000e+00 : f32
    %integer_pow3A_692 = vector.broadcast %integer_pow3A_691 : f32 to vector<544x1xf32>
    %integer_pow3A_693 = arith.divf %integer_pow3A_692, %slice3A_690 : vector<544x1xf32>
    %mul3A_694 = vector.broadcast %integer_pow3A_693 : vector<544x1xf32> to vector<544x32xf32>
    %mul3A_695 = arith.mulf %slice3A_689, %mul3A_694 : vector<544x32xf32>
    %slice3A_696 = vector.extract_strided_slice %convert_element_type3A_667 {offsets = [0, 32], sizes = [544, 32], strides = [1, 1]} : vector<544x256xbf16> to vector<544x32xbf16>
    %slice3A_697 = vector.extract_strided_slice %convert_element_type3A_669 {offsets = [0, 32], sizes = [544, 32], strides = [1, 1]} : vector<544x512xbf16> to vector<544x32xbf16>
    %slice3A_698 = vector.extract_strided_slice %convert_element_type3A_669 {offsets = [0, 288], sizes = [544, 32], strides = [1, 1]} : vector<544x512xbf16> to vector<544x32xbf16>
    %concatenate3A_699 = tpu.concatenate %slice3A_696, %get3A_18, %broadcast_in_dim3A_671 in 1 : vector<544x32xbf16>, vector<544x8xbf16>, vector<544x1xbf16> -> vector<544x41xbf16>
    %neg3A_700 = arith.constant 0.000000e+00 : bf16
    %neg3A_701 = vector.broadcast %neg3A_700 : bf16 to vector<544x1xbf16>
    %neg3A_702 = arith.subf %neg3A_701, %broadcast_in_dim3A_671 : vector<544x1xbf16>
    %concatenate3A_703 = tpu.concatenate %slice3A_697, %get3A_18, %neg3A_702 in 1 : vector<544x32xbf16>, vector<544x8xbf16>, vector<544x1xbf16> -> vector<544x41xbf16>
    %dot_general3A_704 = arith.constant dense<0.000000e+00> : vector<544x544xf32>
    %dot_general3A_705 = tpu.matmul %concatenate3A_699, %concatenate3A_703, %dot_general3A_704 {dimension_numbers = #tpu.dot_dimension_numbers<[1], [1], [0], [0], [0, 0, 1, 0], [], []>, transpose_lhs_hint = false} : vector<544x41xbf16>, vector<544x41xbf16>, vector<544x544xf32> -> vector<544x544xf32>
    %exp3A_706 = math.exp %dot_general3A_705 : vector<544x544xf32>
    %convert_element_type3A_707 = arith.truncf %exp3A_706 : vector<544x544xf32> to vector<544x544xbf16>
    %broadcast_in_dim3A_708 = arith.constant 1.000000e+00 : bf16
    %broadcast_in_dim3A_709 = vector.broadcast %broadcast_in_dim3A_708 : bf16 to vector<544x1xbf16>
    %concatenate3A_710 = tpu.concatenate %slice3A_698, %broadcast_in_dim3A_709 in 1 : vector<544x32xbf16>, vector<544x1xbf16> -> vector<544x33xbf16>
    %dot_general3A_711 = arith.constant dense<0.000000e+00> : vector<544x33xf32>
    %dot_general3A_712 = tpu.matmul %convert_element_type3A_707, %concatenate3A_710, %dot_general3A_711 {dimension_numbers = #tpu.dot_dimension_numbers<[1], [0], [0], [1], [0, 0, 1, 1], [], []>, transpose_lhs_hint = false} : vector<544x544xbf16>, vector<544x33xbf16>, vector<544x33xf32> -> vector<544x33xf32>
    %slice3A_713 = vector.extract_strided_slice %dot_general3A_712 {offsets = [0, 0], sizes = [544, 32], strides = [1, 1]} : vector<544x33xf32> to vector<544x32xf32>
    %slice3A_714 = vector.extract_strided_slice %dot_general3A_712 {offsets = [0, 32], sizes = [544, 1], strides = [1, 1]} : vector<544x33xf32> to vector<544x1xf32>
    %integer_pow3A_715 = arith.constant 1.000000e+00 : f32
    %integer_pow3A_716 = vector.broadcast %integer_pow3A_715 : f32 to vector<544x1xf32>
    %integer_pow3A_717 = arith.divf %integer_pow3A_716, %slice3A_714 : vector<544x1xf32>
    %mul3A_718 = vector.broadcast %integer_pow3A_717 : vector<544x1xf32> to vector<544x32xf32>
    %mul3A_719 = arith.mulf %slice3A_713, %mul3A_718 : vector<544x32xf32>
    %slice3A_720 = vector.extract_strided_slice %convert_element_type3A_667 {offsets = [0, 64], sizes = [544, 32], strides = [1, 1]} : vector<544x256xbf16> to vector<544x32xbf16>
    %slice3A_721 = vector.extract_strided_slice %convert_element_type3A_669 {offsets = [0, 64], sizes = [544, 32], strides = [1, 1]} : vector<544x512xbf16> to vector<544x32xbf16>
    %slice3A_722 = vector.extract_strided_slice %convert_element_type3A_669 {offsets = [0, 320], sizes = [544, 32], strides = [1, 1]} : vector<544x512xbf16> to vector<544x32xbf16>
    %concatenate3A_723 = tpu.concatenate %slice3A_720, %get3A_18, %broadcast_in_dim3A_671 in 1 : vector<544x32xbf16>, vector<544x8xbf16>, vector<544x1xbf16> -> vector<544x41xbf16>
    %neg3A_724 = arith.constant 0.000000e+00 : bf16
    %neg3A_725 = vector.broadcast %neg3A_724 : bf16 to vector<544x1xbf16>
    %neg3A_726 = arith.subf %neg3A_725, %broadcast_in_dim3A_671 : vector<544x1xbf16>
    %concatenate3A_727 = tpu.concatenate %slice3A_721, %get3A_18, %neg3A_726 in 1 : vector<544x32xbf16>, vector<544x8xbf16>, vector<544x1xbf16> -> vector<544x41xbf16>
    %dot_general3A_728 = arith.constant dense<0.000000e+00> : vector<544x544xf32>
    %dot_general3A_729 = tpu.matmul %concatenate3A_723, %concatenate3A_727, %dot_general3A_728 {dimension_numbers = #tpu.dot_dimension_numbers<[1], [1], [0], [0], [0, 0, 1, 0], [], []>, transpose_lhs_hint = false} : vector<544x41xbf16>, vector<544x41xbf16>, vector<544x544xf32> -> vector<544x544xf32>
    %exp3A_730 = math.exp %dot_general3A_729 : vector<544x544xf32>
    %convert_element_type3A_731 = arith.truncf %exp3A_730 : vector<544x544xf32> to vector<544x544xbf16>
    %broadcast_in_dim3A_732 = arith.constant 1.000000e+00 : bf16
    %broadcast_in_dim3A_733 = vector.broadcast %broadcast_in_dim3A_732 : bf16 to vector<544x1xbf16>
    %concatenate3A_734 = tpu.concatenate %slice3A_722, %broadcast_in_dim3A_733 in 1 : vector<544x32xbf16>, vector<544x1xbf16> -> vector<544x33xbf16>
    %dot_general3A_735 = arith.constant dense<0.000000e+00> : vector<544x33xf32>
    %dot_general3A_736 = tpu.matmul %convert_element_type3A_731, %concatenate3A_734, %dot_general3A_735 {dimension_numbers = #tpu.dot_dimension_numbers<[1], [0], [0], [1], [0, 0, 1, 1], [], []>, transpose_lhs_hint = false} : vector<544x544xbf16>, vector<544x33xbf16>, vector<544x33xf32> -> vector<544x33xf32>
    %slice3A_737 = vector.extract_strided_slice %dot_general3A_736 {offsets = [0, 0], sizes = [544, 32], strides = [1, 1]} : vector<544x33xf32> to vector<544x32xf32>
    %slice3A_738 = vector.extract_strided_slice %dot_general3A_736 {offsets = [0, 32], sizes = [544, 1], strides = [1, 1]} : vector<544x33xf32> to vector<544x1xf32>
    %integer_pow3A_739 = arith.constant 1.000000e+00 : f32
    %integer_pow3A_740 = vector.broadcast %integer_pow3A_739 : f32 to vector<544x1xf32>
    %integer_pow3A_741 = arith.divf %integer_pow3A_740, %slice3A_738 : vector<544x1xf32>
    %mul3A_742 = vector.broadcast %integer_pow3A_741 : vector<544x1xf32> to vector<544x32xf32>
    %mul3A_743 = arith.mulf %slice3A_737, %mul3A_742 : vector<544x32xf32>
    %slice3A_744 = vector.extract_strided_slice %convert_element_type3A_667 {offsets = [0, 96], sizes = [544, 32], strides = [1, 1]} : vector<544x256xbf16> to vector<544x32xbf16>
    %slice3A_745 = vector.extract_strided_slice %convert_element_type3A_669 {offsets = [0, 96], sizes = [544, 32], strides = [1, 1]} : vector<544x512xbf16> to vector<544x32xbf16>
    %slice3A_746 = vector.extract_strided_slice %convert_element_type3A_669 {offsets = [0, 352], sizes = [544, 32], strides = [1, 1]} : vector<544x512xbf16> to vector<544x32xbf16>
    %concatenate3A_747 = tpu.concatenate %slice3A_744, %get3A_18, %broadcast_in_dim3A_671 in 1 : vector<544x32xbf16>, vector<544x8xbf16>, vector<544x1xbf16> -> vector<544x41xbf16>
    %neg3A_748 = arith.constant 0.000000e+00 : bf16
    %neg3A_749 = vector.broadcast %neg3A_748 : bf16 to vector<544x1xbf16>
    %neg3A_750 = arith.subf %neg3A_749, %broadcast_in_dim3A_671 : vector<544x1xbf16>
    %concatenate3A_751 = tpu.concatenate %slice3A_745, %get3A_18, %neg3A_750 in 1 : vector<544x32xbf16>, vector<544x8xbf16>, vector<544x1xbf16> -> vector<544x41xbf16>
    %dot_general3A_752 = arith.constant dense<0.000000e+00> : vector<544x544xf32>
    %dot_general3A_753 = tpu.matmul %concatenate3A_747, %concatenate3A_751, %dot_general3A_752 {dimension_numbers = #tpu.dot_dimension_numbers<[1], [1], [0], [0], [0, 0, 1, 0], [], []>, transpose_lhs_hint = false} : vector<544x41xbf16>, vector<544x41xbf16>, vector<544x544xf32> -> vector<544x544xf32>
    %exp3A_754 = math.exp %dot_general3A_753 : vector<544x544xf32>
    %convert_element_type3A_755 = arith.truncf %exp3A_754 : vector<544x544xf32> to vector<544x544xbf16>
    %broadcast_in_dim3A_756 = arith.constant 1.000000e+00 : bf16
    %broadcast_in_dim3A_757 = vector.broadcast %broadcast_in_dim3A_756 : bf16 to vector<544x1xbf16>
    %concatenate3A_758 = tpu.concatenate %slice3A_746, %broadcast_in_dim3A_757 in 1 : vector<544x32xbf16>, vector<544x1xbf16> -> vector<544x33xbf16>
    %dot_general3A_759 = arith.constant dense<0.000000e+00> : vector<544x33xf32>
    %dot_general3A_760 = tpu.matmul %convert_element_type3A_755, %concatenate3A_758, %dot_general3A_759 {dimension_numbers = #tpu.dot_dimension_numbers<[1], [0], [0], [1], [0, 0, 1, 1], [], []>, transpose_lhs_hint = false} : vector<544x544xbf16>, vector<544x33xbf16>, vector<544x33xf32> -> vector<544x33xf32>
    %slice3A_761 = vector.extract_strided_slice %dot_general3A_760 {offsets = [0, 0], sizes = [544, 32], strides = [1, 1]} : vector<544x33xf32> to vector<544x32xf32>
    %slice3A_762 = vector.extract_strided_slice %dot_general3A_760 {offsets = [0, 32], sizes = [544, 1], strides = [1, 1]} : vector<544x33xf32> to vector<544x1xf32>
    %integer_pow3A_763 = arith.constant 1.000000e+00 : f32
    %integer_pow3A_764 = vector.broadcast %integer_pow3A_763 : f32 to vector<544x1xf32>
    %integer_pow3A_765 = arith.divf %integer_pow3A_764, %slice3A_762 : vector<544x1xf32>
    %mul3A_766 = vector.broadcast %integer_pow3A_765 : vector<544x1xf32> to vector<544x32xf32>
    %mul3A_767 = arith.mulf %slice3A_761, %mul3A_766 : vector<544x32xf32>
    %slice3A_768 = vector.extract_strided_slice %convert_element_type3A_667 {offsets = [0, 128], sizes = [544, 32], strides = [1, 1]} : vector<544x256xbf16> to vector<544x32xbf16>
    %slice3A_769 = vector.extract_strided_slice %convert_element_type3A_669 {offsets = [0, 128], sizes = [544, 32], strides = [1, 1]} : vector<544x512xbf16> to vector<544x32xbf16>
    %slice3A_770 = vector.extract_strided_slice %convert_element_type3A_669 {offsets = [0, 384], sizes = [544, 32], strides = [1, 1]} : vector<544x512xbf16> to vector<544x32xbf16>
    %concatenate3A_771 = tpu.concatenate %slice3A_768, %get3A_18, %broadcast_in_dim3A_671 in 1 : vector<544x32xbf16>, vector<544x8xbf16>, vector<544x1xbf16> -> vector<544x41xbf16>
    %neg3A_772 = arith.constant 0.000000e+00 : bf16
    %neg3A_773 = vector.broadcast %neg3A_772 : bf16 to vector<544x1xbf16>
    %neg3A_774 = arith.subf %neg3A_773, %broadcast_in_dim3A_671 : vector<544x1xbf16>
    %concatenate3A_775 = tpu.concatenate %slice3A_769, %get3A_18, %neg3A_774 in 1 : vector<544x32xbf16>, vector<544x8xbf16>, vector<544x1xbf16> -> vector<544x41xbf16>
    %dot_general3A_776 = arith.constant dense<0.000000e+00> : vector<544x544xf32>
    %dot_general3A_777 = tpu.matmul %concatenate3A_771, %concatenate3A_775, %dot_general3A_776 {dimension_numbers = #tpu.dot_dimension_numbers<[1], [1], [0], [0], [0, 0, 1, 0], [], []>, transpose_lhs_hint = false} : vector<544x41xbf16>, vector<544x41xbf16>, vector<544x544xf32> -> vector<544x544xf32>
    %exp3A_778 = math.exp %dot_general3A_777 : vector<544x544xf32>
    %convert_element_type3A_779 = arith.truncf %exp3A_778 : vector<544x544xf32> to vector<544x544xbf16>
    %broadcast_in_dim3A_780 = arith.constant 1.000000e+00 : bf16
    %broadcast_in_dim3A_781 = vector.broadcast %broadcast_in_dim3A_780 : bf16 to vector<544x1xbf16>
    %concatenate3A_782 = tpu.concatenate %slice3A_770, %broadcast_in_dim3A_781 in 1 : vector<544x32xbf16>, vector<544x1xbf16> -> vector<544x33xbf16>
    %dot_general3A_783 = arith.constant dense<0.000000e+00> : vector<544x33xf32>
    %dot_general3A_784 = tpu.matmul %convert_element_type3A_779, %concatenate3A_782, %dot_general3A_783 {dimension_numbers = #tpu.dot_dimension_numbers<[1], [0], [0], [1], [0, 0, 1, 1], [], []>, transpose_lhs_hint = false} : vector<544x544xbf16>, vector<544x33xbf16>, vector<544x33xf32> -> vector<544x33xf32>
    %slice3A_785 = vector.extract_strided_slice %dot_general3A_784 {offsets = [0, 0], sizes = [544, 32], strides = [1, 1]} : vector<544x33xf32> to vector<544x32xf32>
    %slice3A_786 = vector.extract_strided_slice %dot_general3A_784 {offsets = [0, 32], sizes = [544, 1], strides = [1, 1]} : vector<544x33xf32> to vector<544x1xf32>
    %integer_pow3A_787 = arith.constant 1.000000e+00 : f32
    %integer_pow3A_788 = vector.broadcast %integer_pow3A_787 : f32 to vector<544x1xf32>
    %integer_pow3A_789 = arith.divf %integer_pow3A_788, %slice3A_786 : vector<544x1xf32>
    %mul3A_790 = vector.broadcast %integer_pow3A_789 : vector<544x1xf32> to vector<544x32xf32>
    %mul3A_791 = arith.mulf %slice3A_785, %mul3A_790 : vector<544x32xf32>
    %slice3A_792 = vector.extract_strided_slice %convert_element_type3A_667 {offsets = [0, 160], sizes = [544, 32], strides = [1, 1]} : vector<544x256xbf16> to vector<544x32xbf16>
    %slice3A_793 = vector.extract_strided_slice %convert_element_type3A_669 {offsets = [0, 160], sizes = [544, 32], strides = [1, 1]} : vector<544x512xbf16> to vector<544x32xbf16>
    %slice3A_794 = vector.extract_strided_slice %convert_element_type3A_669 {offsets = [0, 416], sizes = [544, 32], strides = [1, 1]} : vector<544x512xbf16> to vector<544x32xbf16>
    %concatenate3A_795 = tpu.concatenate %slice3A_792, %get3A_18, %broadcast_in_dim3A_671 in 1 : vector<544x32xbf16>, vector<544x8xbf16>, vector<544x1xbf16> -> vector<544x41xbf16>
    %neg3A_796 = arith.constant 0.000000e+00 : bf16
    %neg3A_797 = vector.broadcast %neg3A_796 : bf16 to vector<544x1xbf16>
    %neg3A_798 = arith.subf %neg3A_797, %broadcast_in_dim3A_671 : vector<544x1xbf16>
    %concatenate3A_799 = tpu.concatenate %slice3A_793, %get3A_18, %neg3A_798 in 1 : vector<544x32xbf16>, vector<544x8xbf16>, vector<544x1xbf16> -> vector<544x41xbf16>
    %dot_general3A_800 = arith.constant dense<0.000000e+00> : vector<544x544xf32>
    %dot_general3A_801 = tpu.matmul %concatenate3A_795, %concatenate3A_799, %dot_general3A_800 {dimension_numbers = #tpu.dot_dimension_numbers<[1], [1], [0], [0], [0, 0, 1, 0], [], []>, transpose_lhs_hint = false} : vector<544x41xbf16>, vector<544x41xbf16>, vector<544x544xf32> -> vector<544x544xf32>
    %exp3A_802 = math.exp %dot_general3A_801 : vector<544x544xf32>
    %convert_element_type3A_803 = arith.truncf %exp3A_802 : vector<544x544xf32> to vector<544x544xbf16>
    %broadcast_in_dim3A_804 = arith.constant 1.000000e+00 : bf16
    %broadcast_in_dim3A_805 = vector.broadcast %broadcast_in_dim3A_804 : bf16 to vector<544x1xbf16>
    %concatenate3A_806 = tpu.concatenate %slice3A_794, %broadcast_in_dim3A_805 in 1 : vector<544x32xbf16>, vector<544x1xbf16> -> vector<544x33xbf16>
    %dot_general3A_807 = arith.constant dense<0.000000e+00> : vector<544x33xf32>
    %dot_general3A_808 = tpu.matmul %convert_element_type3A_803, %concatenate3A_806, %dot_general3A_807 {dimension_numbers = #tpu.dot_dimension_numbers<[1], [0], [0], [1], [0, 0, 1, 1], [], []>, transpose_lhs_hint = false} : vector<544x544xbf16>, vector<544x33xbf16>, vector<544x33xf32> -> vector<544x33xf32>
    %slice3A_809 = vector.extract_strided_slice %dot_general3A_808 {offsets = [0, 0], sizes = [544, 32], strides = [1, 1]} : vector<544x33xf32> to vector<544x32xf32>
    %slice3A_810 = vector.extract_strided_slice %dot_general3A_808 {offsets = [0, 32], sizes = [544, 1], strides = [1, 1]} : vector<544x33xf32> to vector<544x1xf32>
    %integer_pow3A_811 = arith.constant 1.000000e+00 : f32
    %integer_pow3A_812 = vector.broadcast %integer_pow3A_811 : f32 to vector<544x1xf32>
    %integer_pow3A_813 = arith.divf %integer_pow3A_812, %slice3A_810 : vector<544x1xf32>
    %mul3A_814 = vector.broadcast %integer_pow3A_813 : vector<544x1xf32> to vector<544x32xf32>
    %mul3A_815 = arith.mulf %slice3A_809, %mul3A_814 : vector<544x32xf32>
    %slice3A_816 = vector.extract_strided_slice %convert_element_type3A_667 {offsets = [0, 192], sizes = [544, 32], strides = [1, 1]} : vector<544x256xbf16> to vector<544x32xbf16>
    %slice3A_817 = vector.extract_strided_slice %convert_element_type3A_669 {offsets = [0, 192], sizes = [544, 32], strides = [1, 1]} : vector<544x512xbf16> to vector<544x32xbf16>
    %slice3A_818 = vector.extract_strided_slice %convert_element_type3A_669 {offsets = [0, 448], sizes = [544, 32], strides = [1, 1]} : vector<544x512xbf16> to vector<544x32xbf16>
    %concatenate3A_819 = tpu.concatenate %slice3A_816, %get3A_18, %broadcast_in_dim3A_671 in 1 : vector<544x32xbf16>, vector<544x8xbf16>, vector<544x1xbf16> -> vector<544x41xbf16>
    %neg3A_820 = arith.constant 0.000000e+00 : bf16
    %neg3A_821 = vector.broadcast %neg3A_820 : bf16 to vector<544x1xbf16>
    %neg3A_822 = arith.subf %neg3A_821, %broadcast_in_dim3A_671 : vector<544x1xbf16>
    %concatenate3A_823 = tpu.concatenate %slice3A_817, %get3A_18, %neg3A_822 in 1 : vector<544x32xbf16>, vector<544x8xbf16>, vector<544x1xbf16> -> vector<544x41xbf16>
    %dot_general3A_824 = arith.constant dense<0.000000e+00> : vector<544x544xf32>
    %dot_general3A_825 = tpu.matmul %concatenate3A_819, %concatenate3A_823, %dot_general3A_824 {dimension_numbers = #tpu.dot_dimension_numbers<[1], [1], [0], [0], [0, 0, 1, 0], [], []>, transpose_lhs_hint = false} : vector<544x41xbf16>, vector<544x41xbf16>, vector<544x544xf32> -> vector<544x544xf32>
    %exp3A_826 = math.exp %dot_general3A_825 : vector<544x544xf32>
    %convert_element_type3A_827 = arith.truncf %exp3A_826 : vector<544x544xf32> to vector<544x544xbf16>
    %broadcast_in_dim3A_828 = arith.constant 1.000000e+00 : bf16
    %broadcast_in_dim3A_829 = vector.broadcast %broadcast_in_dim3A_828 : bf16 to vector<544x1xbf16>
    %concatenate3A_830 = tpu.concatenate %slice3A_818, %broadcast_in_dim3A_829 in 1 : vector<544x32xbf16>, vector<544x1xbf16> -> vector<544x33xbf16>
    %dot_general3A_831 = arith.constant dense<0.000000e+00> : vector<544x33xf32>
    %dot_general3A_832 = tpu.matmul %convert_element_type3A_827, %concatenate3A_830, %dot_general3A_831 {dimension_numbers = #tpu.dot_dimension_numbers<[1], [0], [0], [1], [0, 0, 1, 1], [], []>, transpose_lhs_hint = false} : vector<544x544xbf16>, vector<544x33xbf16>, vector<544x33xf32> -> vector<544x33xf32>
    %slice3A_833 = vector.extract_strided_slice %dot_general3A_832 {offsets = [0, 0], sizes = [544, 32], strides = [1, 1]} : vector<544x33xf32> to vector<544x32xf32>
    %slice3A_834 = vector.extract_strided_slice %dot_general3A_832 {offsets = [0, 32], sizes = [544, 1], strides = [1, 1]} : vector<544x33xf32> to vector<544x1xf32>
    %integer_pow3A_835 = arith.constant 1.000000e+00 : f32
    %integer_pow3A_836 = vector.broadcast %integer_pow3A_835 : f32 to vector<544x1xf32>
    %integer_pow3A_837 = arith.divf %integer_pow3A_836, %slice3A_834 : vector<544x1xf32>
    %mul3A_838 = vector.broadcast %integer_pow3A_837 : vector<544x1xf32> to vector<544x32xf32>
    %mul3A_839 = arith.mulf %slice3A_833, %mul3A_838 : vector<544x32xf32>
    %slice3A_840 = vector.extract_strided_slice %convert_element_type3A_667 {offsets = [0, 224], sizes = [544, 32], strides = [1, 1]} : vector<544x256xbf16> to vector<544x32xbf16>
    %slice3A_841 = vector.extract_strided_slice %convert_element_type3A_669 {offsets = [0, 224], sizes = [544, 32], strides = [1, 1]} : vector<544x512xbf16> to vector<544x32xbf16>
    %slice3A_842 = vector.extract_strided_slice %convert_element_type3A_669 {offsets = [0, 480], sizes = [544, 32], strides = [1, 1]} : vector<544x512xbf16> to vector<544x32xbf16>
    %concatenate3A_843 = tpu.concatenate %slice3A_840, %get3A_18, %broadcast_in_dim3A_671 in 1 : vector<544x32xbf16>, vector<544x8xbf16>, vector<544x1xbf16> -> vector<544x41xbf16>
    %neg3A_844 = arith.constant 0.000000e+00 : bf16
    %neg3A_845 = vector.broadcast %neg3A_844 : bf16 to vector<544x1xbf16>
    %neg3A_846 = arith.subf %neg3A_845, %broadcast_in_dim3A_671 : vector<544x1xbf16>
    %concatenate3A_847 = tpu.concatenate %slice3A_841, %get3A_18, %neg3A_846 in 1 : vector<544x32xbf16>, vector<544x8xbf16>, vector<544x1xbf16> -> vector<544x41xbf16>
    %dot_general3A_848 = arith.constant dense<0.000000e+00> : vector<544x544xf32>
    %dot_general3A_849 = tpu.matmul %concatenate3A_843, %concatenate3A_847, %dot_general3A_848 {dimension_numbers = #tpu.dot_dimension_numbers<[1], [1], [0], [0], [0, 0, 1, 0], [], []>, transpose_lhs_hint = false} : vector<544x41xbf16>, vector<544x41xbf16>, vector<544x544xf32> -> vector<544x544xf32>
    %exp3A_850 = math.exp %dot_general3A_849 : vector<544x544xf32>
    %convert_element_type3A_851 = arith.truncf %exp3A_850 : vector<544x544xf32> to vector<544x544xbf16>
    %broadcast_in_dim3A_852 = arith.constant 1.000000e+00 : bf16
    %broadcast_in_dim3A_853 = vector.broadcast %broadcast_in_dim3A_852 : bf16 to vector<544x1xbf16>
    %concatenate3A_854 = tpu.concatenate %slice3A_842, %broadcast_in_dim3A_853 in 1 : vector<544x32xbf16>, vector<544x1xbf16> -> vector<544x33xbf16>
    %dot_general3A_855 = arith.constant dense<0.000000e+00> : vector<544x33xf32>
    %dot_general3A_856 = tpu.matmul %convert_element_type3A_851, %concatenate3A_854, %dot_general3A_855 {dimension_numbers = #tpu.dot_dimension_numbers<[1], [0], [0], [1], [0, 0, 1, 1], [], []>, transpose_lhs_hint = false} : vector<544x544xbf16>, vector<544x33xbf16>, vector<544x33xf32> -> vector<544x33xf32>
    %slice3A_857 = vector.extract_strided_slice %dot_general3A_856 {offsets = [0, 0], sizes = [544, 32], strides = [1, 1]} : vector<544x33xf32> to vector<544x32xf32>
    %slice3A_858 = vector.extract_strided_slice %dot_general3A_856 {offsets = [0, 32], sizes = [544, 1], strides = [1, 1]} : vector<544x33xf32> to vector<544x1xf32>
    %integer_pow3A_859 = arith.constant 1.000000e+00 : f32
    %integer_pow3A_860 = vector.broadcast %integer_pow3A_859 : f32 to vector<544x1xf32>
    %integer_pow3A_861 = arith.divf %integer_pow3A_860, %slice3A_858 : vector<544x1xf32>
    %mul3A_862 = vector.broadcast %integer_pow3A_861 : vector<544x1xf32> to vector<544x32xf32>
    %mul3A_863 = arith.mulf %slice3A_857, %mul3A_862 : vector<544x32xf32>
    %concatenate3A_864 = tpu.concatenate %mul3A_695, %mul3A_719, %mul3A_743, %mul3A_767, %mul3A_791, %mul3A_815, %mul3A_839, %mul3A_863 in 1 : vector<544x32xf32>, vector<544x32xf32>, vector<544x32xf32>, vector<544x32xf32>, vector<544x32xf32>, vector<544x32xf32>, vector<544x32xf32>, vector<544x32xf32> -> vector<544x256xf32>
    %convert_element_type3A_865 = arith.truncf %concatenate3A_864 : vector<544x256xf32> to vector<544x256xbf16>
    %dot_general3A_866 = arith.constant dense<0.000000e+00> : vector<544x256xf32>
    %dot_general3A_867 = tpu.matmul %convert_element_type3A_865, %get3A_609, %dot_general3A_866 {dimension_numbers = #tpu.dot_dimension_numbers<[1], [0], [0], [1], [0, 0, 1, 1], [], []>, transpose_lhs_hint = false} : vector<544x256xbf16>, vector<256x256xbf16>, vector<544x256xf32> -> vector<544x256xf32>
    %add3A_868 = arith.addf %add3A_594, %dot_general3A_867 : vector<544x256xf32>
    %add3A_869 = vector.broadcast %get3A_612 : vector<1x256xf32> to vector<544x256xf32>
    %add3A_870 = arith.addf %add3A_868, %add3A_869 : vector<544x256xf32>
    %reduce_sum3A_871 = arith.constant dense<0.000000e+00> : vector<544xf32>
    %reduce_sum3A_872 = vector.multi_reduction <add>, %add3A_870, %reduce_sum3A_871 [1] : vector<544x256xf32> to vector<544xf32>
    %broadcast_in_dim3A_873 = vector.shape_cast %reduce_sum3A_872 : vector<544xf32> to vector<544x1xf32>
    %div3A_874 = arith.constant 2.560000e+02 : f32
    %div3A_875 = vector.broadcast %div3A_874 : f32 to vector<544x1xf32>
    %div3A_876 = arith.divf %broadcast_in_dim3A_873, %div3A_875 : vector<544x1xf32>
    %sub3A_877 = vector.broadcast %div3A_876 : vector<544x1xf32> to vector<544x256xf32>
    %sub3A_878 = arith.subf %add3A_870, %sub3A_877 : vector<544x256xf32>
    %square3A_879 = arith.mulf %sub3A_878, %sub3A_878 : vector<544x256xf32>
    %reduce_sum3A_880 = arith.constant dense<0.000000e+00> : vector<544xf32>
    %reduce_sum3A_881 = vector.multi_reduction <add>, %square3A_879, %reduce_sum3A_880 [1] : vector<544x256xf32> to vector<544xf32>
    %broadcast_in_dim3A_882 = vector.shape_cast %reduce_sum3A_881 : vector<544xf32> to vector<544x1xf32>
    %div3A_883 = arith.constant 2.560000e+02 : f32
    %div3A_884 = vector.broadcast %div3A_883 : f32 to vector<544x1xf32>
    %div3A_885 = arith.divf %broadcast_in_dim3A_882, %div3A_884 : vector<544x1xf32>
    %sub3A_886 = vector.broadcast %div3A_876 : vector<544x1xf32> to vector<544x256xf32>
    %sub3A_887 = arith.subf %add3A_870, %sub3A_886 : vector<544x256xf32>
    %add3A_888 = arith.constant 9.99999997E-7 : f32
    %add3A_889 = vector.broadcast %add3A_888 : f32 to vector<544x1xf32>
    %add3A_890 = arith.addf %div3A_885, %add3A_889 : vector<544x1xf32>
    %rsqrt3A_891 = math.rsqrt %add3A_890 : vector<544x1xf32>
    %mul3A_892 = vector.broadcast %rsqrt3A_891 : vector<544x1xf32> to vector<544x256xf32>
    %mul3A_893 = arith.mulf %sub3A_887, %mul3A_892 : vector<544x256xf32>
    %mul3A_894 = vector.broadcast %get3A_615 : vector<1x256xf32> to vector<544x256xf32>
    %mul3A_895 = arith.mulf %mul3A_893, %mul3A_894 : vector<544x256xf32>
    %add3A_896 = vector.broadcast %get3A_618 : vector<1x256xf32> to vector<544x256xf32>
    %add3A_897 = arith.addf %mul3A_895, %add3A_896 : vector<544x256xf32>
    %convert_element_type3A_898 = arith.truncf %add3A_897 : vector<544x256xf32> to vector<544x256xbf16>
    %dot_general3A_899 = arith.constant dense<0.000000e+00> : vector<544x1024xf32>
    %dot_general3A_900 = tpu.matmul %convert_element_type3A_898, %get3A_621, %dot_general3A_899 {dimension_numbers = #tpu.dot_dimension_numbers<[1], [0], [0], [1], [0, 0, 1, 1], [], []>, transpose_lhs_hint = false} : vector<544x256xbf16>, vector<256x1024xbf16>, vector<544x1024xf32> -> vector<544x1024xf32>
    %add3A_901 = vector.broadcast %get3A_624 : vector<1x1024xf32> to vector<544x1024xf32>
    %add3A_902 = arith.addf %dot_general3A_900, %add3A_901 : vector<544x1024xf32>
    %max3A_903 = arith.constant 0.000000e+00 : f32
    %max3A_904 = vector.broadcast %max3A_903 : f32 to vector<544x1024xf32>
    %max3A_905 = arith.maximumf %add3A_902, %max3A_904 : vector<544x1024xf32>
    %convert_element_type3A_906 = arith.truncf %max3A_905 : vector<544x1024xf32> to vector<544x1024xbf16>
    %dot_general3A_907 = arith.constant dense<0.000000e+00> : vector<544x256xf32>
    %dot_general3A_908 = tpu.matmul %convert_element_type3A_906, %get3A_627, %dot_general3A_907 {dimension_numbers = #tpu.dot_dimension_numbers<[1], [0], [0], [1], [0, 0, 1, 1], [], []>, transpose_lhs_hint = false} : vector<544x1024xbf16>, vector<1024x256xbf16>, vector<544x256xf32> -> vector<544x256xf32>
    %add3A_909 = arith.addf %add3A_870, %dot_general3A_908 : vector<544x256xf32>
    %add3A_910 = vector.broadcast %get3A_630 : vector<1x256xf32> to vector<544x256xf32>
    %add3A_911 = arith.addf %add3A_909, %add3A_910 : vector<544x256xf32>
    %get3A_912 = arith.constant 0 : index
    %get3A_913 = arith.constant 0 : index
    %get3A_914 = vector.load %arg39[%get3A_912, %get3A_913] : memref<1x256xf32, #tpu.memory_space<vmem>>, vector<1x256xf32>
    %get3A_915 = arith.constant 0 : index
    %get3A_916 = arith.constant 0 : index
    %get3A_917 = vector.load %arg40[%get3A_915, %get3A_916] : memref<1x256xf32, #tpu.memory_space<vmem>>, vector<1x256xf32>
    %get3A_918 = arith.constant 0 : index
    %get3A_919 = arith.constant 0 : index
    %get3A_920 = vector.load %arg41[%get3A_918, %get3A_919] : memref<256x768xbf16, #tpu.memory_space<vmem>>, vector<256x768xbf16>
    %get3A_921 = arith.constant 0 : index
    %get3A_922 = arith.constant 0 : index
    %get3A_923 = vector.load %arg42[%get3A_921, %get3A_922] : memref<1x768xf32, #tpu.memory_space<vmem>>, vector<1x768xf32>
    %get3A_924 = arith.constant 0 : index
    %get3A_925 = arith.constant 0 : index
    %get3A_926 = vector.load %arg43[%get3A_924, %get3A_925] : memref<256x256xbf16, #tpu.memory_space<vmem>>, vector<256x256xbf16>
    %get3A_927 = arith.constant 0 : index
    %get3A_928 = arith.constant 0 : index
    %get3A_929 = vector.load %arg44[%get3A_927, %get3A_928] : memref<1x256xf32, #tpu.memory_space<vmem>>, vector<1x256xf32>
    %get3A_930 = arith.constant 0 : index
    %get3A_931 = arith.constant 0 : index
    %get3A_932 = vector.load %arg45[%get3A_930, %get3A_931] : memref<1x256xf32, #tpu.memory_space<vmem>>, vector<1x256xf32>
    %get3A_933 = arith.constant 0 : index
    %get3A_934 = arith.constant 0 : index
    %get3A_935 = vector.load %arg46[%get3A_933, %get3A_934] : memref<1x256xf32, #tpu.memory_space<vmem>>, vector<1x256xf32>
    %get3A_936 = arith.constant 0 : index
    %get3A_937 = arith.constant 0 : index
    %get3A_938 = vector.load %arg47[%get3A_936, %get3A_937] : memref<256x1024xbf16, #tpu.memory_space<vmem>>, vector<256x1024xbf16>
    %get3A_939 = arith.constant 0 : index
    %get3A_940 = arith.constant 0 : index
    %get3A_941 = vector.load %arg48[%get3A_939, %get3A_940] : memref<1x1024xf32, #tpu.memory_space<vmem>>, vector<1x1024xf32>
    %get3A_942 = arith.constant 0 : index
    %get3A_943 = arith.constant 0 : index
    %get3A_944 = vector.load %arg49[%get3A_942, %get3A_943] : memref<1024x256xbf16, #tpu.memory_space<vmem>>, vector<1024x256xbf16>
    %get3A_945 = arith.constant 0 : index
    %get3A_946 = arith.constant 0 : index
    %get3A_947 = vector.load %arg50[%get3A_945, %get3A_946] : memref<1x256xf32, #tpu.memory_space<vmem>>, vector<1x256xf32>
    %reduce_sum3A_948 = arith.constant dense<0.000000e+00> : vector<544xf32>
    %reduce_sum3A_949 = vector.multi_reduction <add>, %add3A_911, %reduce_sum3A_948 [1] : vector<544x256xf32> to vector<544xf32>
    %broadcast_in_dim3A_950 = vector.shape_cast %reduce_sum3A_949 : vector<544xf32> to vector<544x1xf32>
    %div3A_951 = arith.constant 2.560000e+02 : f32
    %div3A_952 = vector.broadcast %div3A_951 : f32 to vector<544x1xf32>
    %div3A_953 = arith.divf %broadcast_in_dim3A_950, %div3A_952 : vector<544x1xf32>
    %sub3A_954 = vector.broadcast %div3A_953 : vector<544x1xf32> to vector<544x256xf32>
    %sub3A_955 = arith.subf %add3A_911, %sub3A_954 : vector<544x256xf32>
    %square3A_956 = arith.mulf %sub3A_955, %sub3A_955 : vector<544x256xf32>
    %reduce_sum3A_957 = arith.constant dense<0.000000e+00> : vector<544xf32>
    %reduce_sum3A_958 = vector.multi_reduction <add>, %square3A_956, %reduce_sum3A_957 [1] : vector<544x256xf32> to vector<544xf32>
    %broadcast_in_dim3A_959 = vector.shape_cast %reduce_sum3A_958 : vector<544xf32> to vector<544x1xf32>
    %div3A_960 = arith.constant 2.560000e+02 : f32
    %div3A_961 = vector.broadcast %div3A_960 : f32 to vector<544x1xf32>
    %div3A_962 = arith.divf %broadcast_in_dim3A_959, %div3A_961 : vector<544x1xf32>
    %sub3A_963 = vector.broadcast %div3A_953 : vector<544x1xf32> to vector<544x256xf32>
    %sub3A_964 = arith.subf %add3A_911, %sub3A_963 : vector<544x256xf32>
    %add3A_965 = arith.constant 9.99999997E-7 : f32
    %add3A_966 = vector.broadcast %add3A_965 : f32 to vector<544x1xf32>
    %add3A_967 = arith.addf %div3A_962, %add3A_966 : vector<544x1xf32>
    %rsqrt3A_968 = math.rsqrt %add3A_967 : vector<544x1xf32>
    %mul3A_969 = vector.broadcast %rsqrt3A_968 : vector<544x1xf32> to vector<544x256xf32>
    %mul3A_970 = arith.mulf %sub3A_964, %mul3A_969 : vector<544x256xf32>
    %mul3A_971 = vector.broadcast %get3A_914 : vector<1x256xf32> to vector<544x256xf32>
    %mul3A_972 = arith.mulf %mul3A_970, %mul3A_971 : vector<544x256xf32>
    %add3A_973 = vector.broadcast %get3A_917 : vector<1x256xf32> to vector<544x256xf32>
    %add3A_974 = arith.addf %mul3A_972, %add3A_973 : vector<544x256xf32>
    %convert_element_type3A_975 = arith.truncf %add3A_974 : vector<544x256xf32> to vector<544x256xbf16>
    %dot_general3A_976 = arith.constant dense<0.000000e+00> : vector<544x768xf32>
    %dot_general3A_977 = tpu.matmul %convert_element_type3A_975, %get3A_920, %dot_general3A_976 {dimension_numbers = #tpu.dot_dimension_numbers<[1], [0], [0], [1], [0, 0, 1, 1], [], []>, transpose_lhs_hint = false} : vector<544x256xbf16>, vector<256x768xbf16>, vector<544x768xf32> -> vector<544x768xf32>
    %add3A_978 = vector.broadcast %get3A_923 : vector<1x768xf32> to vector<544x768xf32>
    %add3A_979 = arith.addf %dot_general3A_977, %add3A_978 : vector<544x768xf32>
    %slice3A_980 = vector.extract_strided_slice %add3A_979 {offsets = [0, 0], sizes = [544, 256], strides = [1, 1]} : vector<544x768xf32> to vector<544x256xf32>
    %mul3A_981 = arith.constant 0.176776692 : f32
    %mul3A_982 = vector.broadcast %mul3A_981 : f32 to vector<544x256xf32>
    %mul3A_983 = arith.mulf %slice3A_980, %mul3A_982 : vector<544x256xf32>
    %convert_element_type3A_984 = arith.truncf %mul3A_983 : vector<544x256xf32> to vector<544x256xbf16>
    %slice3A_985 = vector.extract_strided_slice %add3A_979 {offsets = [0, 256], sizes = [544, 512], strides = [1, 1]} : vector<544x768xf32> to vector<544x512xf32>
    %convert_element_type3A_986 = arith.truncf %slice3A_985 : vector<544x512xf32> to vector<544x512xbf16>
    %slice3A_987 = vector.extract_strided_slice %convert_element_type3A_984 {offsets = [0, 0], sizes = [544, 32], strides = [1, 1]} : vector<544x256xbf16> to vector<544x32xbf16>
    %slice3A_988 = vector.extract_strided_slice %convert_element_type3A_986 {offsets = [0, 0], sizes = [544, 32], strides = [1, 1]} : vector<544x512xbf16> to vector<544x32xbf16>
    %slice3A_989 = vector.extract_strided_slice %convert_element_type3A_986 {offsets = [0, 256], sizes = [544, 32], strides = [1, 1]} : vector<544x512xbf16> to vector<544x32xbf16>
    %dot_general3A_990 = arith.constant dense<0.000000e+00> : vector<544x544xf32>
    %dot_general3A_991 = tpu.matmul %slice3A_987, %slice3A_988, %dot_general3A_990 {dimension_numbers = #tpu.dot_dimension_numbers<[1], [1], [0], [0], [0, 0, 1, 0], [], []>, transpose_lhs_hint = false} : vector<544x32xbf16>, vector<544x32xbf16>, vector<544x544xf32> -> vector<544x544xf32>
    %exp3A_992 = math.exp %dot_general3A_991 : vector<544x544xf32>
    %convert_element_type3A_993 = arith.truncf %exp3A_992 : vector<544x544xf32> to vector<544x544xbf16>
    %broadcast_in_dim3A_994 = arith.constant 1.000000e+00 : bf16
    %broadcast_in_dim3A_995 = vector.broadcast %broadcast_in_dim3A_994 : bf16 to vector<544x1xbf16>
    %concatenate3A_996 = tpu.concatenate %slice3A_989, %broadcast_in_dim3A_995 in 1 : vector<544x32xbf16>, vector<544x1xbf16> -> vector<544x33xbf16>
    %dot_general3A_997 = arith.constant dense<0.000000e+00> : vector<544x33xf32>
    %dot_general3A_998 = tpu.matmul %convert_element_type3A_993, %concatenate3A_996, %dot_general3A_997 {dimension_numbers = #tpu.dot_dimension_numbers<[1], [0], [0], [1], [0, 0, 1, 1], [], []>, transpose_lhs_hint = false} : vector<544x544xbf16>, vector<544x33xbf16>, vector<544x33xf32> -> vector<544x33xf32>
    %slice3A_999 = vector.extract_strided_slice %dot_general3A_998 {offsets = [0, 0], sizes = [544, 32], strides = [1, 1]} : vector<544x33xf32> to vector<544x32xf32>
    %slice3A_1000 = vector.extract_strided_slice %dot_general3A_998 {offsets = [0, 32], sizes = [544, 1], strides = [1, 1]} : vector<544x33xf32> to vector<544x1xf32>
    %integer_pow3A_1001 = arith.constant 1.000000e+00 : f32
    %integer_pow3A_1002 = vector.broadcast %integer_pow3A_1001 : f32 to vector<544x1xf32>
    %integer_pow3A_1003 = arith.divf %integer_pow3A_1002, %slice3A_1000 : vector<544x1xf32>
    %mul3A_1004 = vector.broadcast %integer_pow3A_1003 : vector<544x1xf32> to vector<544x32xf32>
    %mul3A_1005 = arith.mulf %slice3A_999, %mul3A_1004 : vector<544x32xf32>
    %slice3A_1006 = vector.extract_strided_slice %convert_element_type3A_984 {offsets = [0, 32], sizes = [544, 32], strides = [1, 1]} : vector<544x256xbf16> to vector<544x32xbf16>
    %slice3A_1007 = vector.extract_strided_slice %convert_element_type3A_986 {offsets = [0, 32], sizes = [544, 32], strides = [1, 1]} : vector<544x512xbf16> to vector<544x32xbf16>
    %slice3A_1008 = vector.extract_strided_slice %convert_element_type3A_986 {offsets = [0, 288], sizes = [544, 32], strides = [1, 1]} : vector<544x512xbf16> to vector<544x32xbf16>
    %dot_general3A_1009 = arith.constant dense<0.000000e+00> : vector<544x544xf32>
    %dot_general3A_1010 = tpu.matmul %slice3A_1006, %slice3A_1007, %dot_general3A_1009 {dimension_numbers = #tpu.dot_dimension_numbers<[1], [1], [0], [0], [0, 0, 1, 0], [], []>, transpose_lhs_hint = false} : vector<544x32xbf16>, vector<544x32xbf16>, vector<544x544xf32> -> vector<544x544xf32>
    %exp3A_1011 = math.exp %dot_general3A_1010 : vector<544x544xf32>
    %convert_element_type3A_1012 = arith.truncf %exp3A_1011 : vector<544x544xf32> to vector<544x544xbf16>
    %broadcast_in_dim3A_1013 = arith.constant 1.000000e+00 : bf16
    %broadcast_in_dim3A_1014 = vector.broadcast %broadcast_in_dim3A_1013 : bf16 to vector<544x1xbf16>
    %concatenate3A_1015 = tpu.concatenate %slice3A_1008, %broadcast_in_dim3A_1014 in 1 : vector<544x32xbf16>, vector<544x1xbf16> -> vector<544x33xbf16>
    %dot_general3A_1016 = arith.constant dense<0.000000e+00> : vector<544x33xf32>
    %dot_general3A_1017 = tpu.matmul %convert_element_type3A_1012, %concatenate3A_1015, %dot_general3A_1016 {dimension_numbers = #tpu.dot_dimension_numbers<[1], [0], [0], [1], [0, 0, 1, 1], [], []>, transpose_lhs_hint = false} : vector<544x544xbf16>, vector<544x33xbf16>, vector<544x33xf32> -> vector<544x33xf32>
    %slice3A_1018 = vector.extract_strided_slice %dot_general3A_1017 {offsets = [0, 0], sizes = [544, 32], strides = [1, 1]} : vector<544x33xf32> to vector<544x32xf32>
    %slice3A_1019 = vector.extract_strided_slice %dot_general3A_1017 {offsets = [0, 32], sizes = [544, 1], strides = [1, 1]} : vector<544x33xf32> to vector<544x1xf32>
    %integer_pow3A_1020 = arith.constant 1.000000e+00 : f32
    %integer_pow3A_1021 = vector.broadcast %integer_pow3A_1020 : f32 to vector<544x1xf32>
    %integer_pow3A_1022 = arith.divf %integer_pow3A_1021, %slice3A_1019 : vector<544x1xf32>
    %mul3A_1023 = vector.broadcast %integer_pow3A_1022 : vector<544x1xf32> to vector<544x32xf32>
    %mul3A_1024 = arith.mulf %slice3A_1018, %mul3A_1023 : vector<544x32xf32>
    %slice3A_1025 = vector.extract_strided_slice %convert_element_type3A_984 {offsets = [0, 64], sizes = [544, 32], strides = [1, 1]} : vector<544x256xbf16> to vector<544x32xbf16>
    %slice3A_1026 = vector.extract_strided_slice %convert_element_type3A_986 {offsets = [0, 64], sizes = [544, 32], strides = [1, 1]} : vector<544x512xbf16> to vector<544x32xbf16>
    %slice3A_1027 = vector.extract_strided_slice %convert_element_type3A_986 {offsets = [0, 320], sizes = [544, 32], strides = [1, 1]} : vector<544x512xbf16> to vector<544x32xbf16>
    %dot_general3A_1028 = arith.constant dense<0.000000e+00> : vector<544x544xf32>
    %dot_general3A_1029 = tpu.matmul %slice3A_1025, %slice3A_1026, %dot_general3A_1028 {dimension_numbers = #tpu.dot_dimension_numbers<[1], [1], [0], [0], [0, 0, 1, 0], [], []>, transpose_lhs_hint = false} : vector<544x32xbf16>, vector<544x32xbf16>, vector<544x544xf32> -> vector<544x544xf32>
    %exp3A_1030 = math.exp %dot_general3A_1029 : vector<544x544xf32>
    %convert_element_type3A_1031 = arith.truncf %exp3A_1030 : vector<544x544xf32> to vector<544x544xbf16>
    %broadcast_in_dim3A_1032 = arith.constant 1.000000e+00 : bf16
    %broadcast_in_dim3A_1033 = vector.broadcast %broadcast_in_dim3A_1032 : bf16 to vector<544x1xbf16>
    %concatenate3A_1034 = tpu.concatenate %slice3A_1027, %broadcast_in_dim3A_1033 in 1 : vector<544x32xbf16>, vector<544x1xbf16> -> vector<544x33xbf16>
    %dot_general3A_1035 = arith.constant dense<0.000000e+00> : vector<544x33xf32>
    %dot_general3A_1036 = tpu.matmul %convert_element_type3A_1031, %concatenate3A_1034, %dot_general3A_1035 {dimension_numbers = #tpu.dot_dimension_numbers<[1], [0], [0], [1], [0, 0, 1, 1], [], []>, transpose_lhs_hint = false} : vector<544x544xbf16>, vector<544x33xbf16>, vector<544x33xf32> -> vector<544x33xf32>
    %slice3A_1037 = vector.extract_strided_slice %dot_general3A_1036 {offsets = [0, 0], sizes = [544, 32], strides = [1, 1]} : vector<544x33xf32> to vector<544x32xf32>
    %slice3A_1038 = vector.extract_strided_slice %dot_general3A_1036 {offsets = [0, 32], sizes = [544, 1], strides = [1, 1]} : vector<544x33xf32> to vector<544x1xf32>
    %integer_pow3A_1039 = arith.constant 1.000000e+00 : f32
    %integer_pow3A_1040 = vector.broadcast %integer_pow3A_1039 : f32 to vector<544x1xf32>
    %integer_pow3A_1041 = arith.divf %integer_pow3A_1040, %slice3A_1038 : vector<544x1xf32>
    %mul3A_1042 = vector.broadcast %integer_pow3A_1041 : vector<544x1xf32> to vector<544x32xf32>
    %mul3A_1043 = arith.mulf %slice3A_1037, %mul3A_1042 : vector<544x32xf32>
    %slice3A_1044 = vector.extract_strided_slice %convert_element_type3A_984 {offsets = [0, 96], sizes = [544, 32], strides = [1, 1]} : vector<544x256xbf16> to vector<544x32xbf16>
    %slice3A_1045 = vector.extract_strided_slice %convert_element_type3A_986 {offsets = [0, 96], sizes = [544, 32], strides = [1, 1]} : vector<544x512xbf16> to vector<544x32xbf16>
    %slice3A_1046 = vector.extract_strided_slice %convert_element_type3A_986 {offsets = [0, 352], sizes = [544, 32], strides = [1, 1]} : vector<544x512xbf16> to vector<544x32xbf16>
    %dot_general3A_1047 = arith.constant dense<0.000000e+00> : vector<544x544xf32>
    %dot_general3A_1048 = tpu.matmul %slice3A_1044, %slice3A_1045, %dot_general3A_1047 {dimension_numbers = #tpu.dot_dimension_numbers<[1], [1], [0], [0], [0, 0, 1, 0], [], []>, transpose_lhs_hint = false} : vector<544x32xbf16>, vector<544x32xbf16>, vector<544x544xf32> -> vector<544x544xf32>
    %exp3A_1049 = math.exp %dot_general3A_1048 : vector<544x544xf32>
    %convert_element_type3A_1050 = arith.truncf %exp3A_1049 : vector<544x544xf32> to vector<544x544xbf16>
    %broadcast_in_dim3A_1051 = arith.constant 1.000000e+00 : bf16
    %broadcast_in_dim3A_1052 = vector.broadcast %broadcast_in_dim3A_1051 : bf16 to vector<544x1xbf16>
    %concatenate3A_1053 = tpu.concatenate %slice3A_1046, %broadcast_in_dim3A_1052 in 1 : vector<544x32xbf16>, vector<544x1xbf16> -> vector<544x33xbf16>
    %dot_general3A_1054 = arith.constant dense<0.000000e+00> : vector<544x33xf32>
    %dot_general3A_1055 = tpu.matmul %convert_element_type3A_1050, %concatenate3A_1053, %dot_general3A_1054 {dimension_numbers = #tpu.dot_dimension_numbers<[1], [0], [0], [1], [0, 0, 1, 1], [], []>, transpose_lhs_hint = false} : vector<544x544xbf16>, vector<544x33xbf16>, vector<544x33xf32> -> vector<544x33xf32>
    %slice3A_1056 = vector.extract_strided_slice %dot_general3A_1055 {offsets = [0, 0], sizes = [544, 32], strides = [1, 1]} : vector<544x33xf32> to vector<544x32xf32>
    %slice3A_1057 = vector.extract_strided_slice %dot_general3A_1055 {offsets = [0, 32], sizes = [544, 1], strides = [1, 1]} : vector<544x33xf32> to vector<544x1xf32>
    %integer_pow3A_1058 = arith.constant 1.000000e+00 : f32
    %integer_pow3A_1059 = vector.broadcast %integer_pow3A_1058 : f32 to vector<544x1xf32>
    %integer_pow3A_1060 = arith.divf %integer_pow3A_1059, %slice3A_1057 : vector<544x1xf32>
    %mul3A_1061 = vector.broadcast %integer_pow3A_1060 : vector<544x1xf32> to vector<544x32xf32>
    %mul3A_1062 = arith.mulf %slice3A_1056, %mul3A_1061 : vector<544x32xf32>
    %slice3A_1063 = vector.extract_strided_slice %convert_element_type3A_984 {offsets = [0, 128], sizes = [544, 32], strides = [1, 1]} : vector<544x256xbf16> to vector<544x32xbf16>
    %slice3A_1064 = vector.extract_strided_slice %convert_element_type3A_986 {offsets = [0, 128], sizes = [544, 32], strides = [1, 1]} : vector<544x512xbf16> to vector<544x32xbf16>
    %slice3A_1065 = vector.extract_strided_slice %convert_element_type3A_986 {offsets = [0, 384], sizes = [544, 32], strides = [1, 1]} : vector<544x512xbf16> to vector<544x32xbf16>
    %dot_general3A_1066 = arith.constant dense<0.000000e+00> : vector<544x544xf32>
    %dot_general3A_1067 = tpu.matmul %slice3A_1063, %slice3A_1064, %dot_general3A_1066 {dimension_numbers = #tpu.dot_dimension_numbers<[1], [1], [0], [0], [0, 0, 1, 0], [], []>, transpose_lhs_hint = false} : vector<544x32xbf16>, vector<544x32xbf16>, vector<544x544xf32> -> vector<544x544xf32>
    %exp3A_1068 = math.exp %dot_general3A_1067 : vector<544x544xf32>
    %convert_element_type3A_1069 = arith.truncf %exp3A_1068 : vector<544x544xf32> to vector<544x544xbf16>
    %broadcast_in_dim3A_1070 = arith.constant 1.000000e+00 : bf16
    %broadcast_in_dim3A_1071 = vector.broadcast %broadcast_in_dim3A_1070 : bf16 to vector<544x1xbf16>
    %concatenate3A_1072 = tpu.concatenate %slice3A_1065, %broadcast_in_dim3A_1071 in 1 : vector<544x32xbf16>, vector<544x1xbf16> -> vector<544x33xbf16>
    %dot_general3A_1073 = arith.constant dense<0.000000e+00> : vector<544x33xf32>
    %dot_general3A_1074 = tpu.matmul %convert_element_type3A_1069, %concatenate3A_1072, %dot_general3A_1073 {dimension_numbers = #tpu.dot_dimension_numbers<[1], [0], [0], [1], [0, 0, 1, 1], [], []>, transpose_lhs_hint = false} : vector<544x544xbf16>, vector<544x33xbf16>, vector<544x33xf32> -> vector<544x33xf32>
    %slice3A_1075 = vector.extract_strided_slice %dot_general3A_1074 {offsets = [0, 0], sizes = [544, 32], strides = [1, 1]} : vector<544x33xf32> to vector<544x32xf32>
    %slice3A_1076 = vector.extract_strided_slice %dot_general3A_1074 {offsets = [0, 32], sizes = [544, 1], strides = [1, 1]} : vector<544x33xf32> to vector<544x1xf32>
    %integer_pow3A_1077 = arith.constant 1.000000e+00 : f32
    %integer_pow3A_1078 = vector.broadcast %integer_pow3A_1077 : f32 to vector<544x1xf32>
    %integer_pow3A_1079 = arith.divf %integer_pow3A_1078, %slice3A_1076 : vector<544x1xf32>
    %mul3A_1080 = vector.broadcast %integer_pow3A_1079 : vector<544x1xf32> to vector<544x32xf32>
    %mul3A_1081 = arith.mulf %slice3A_1075, %mul3A_1080 : vector<544x32xf32>
    %slice3A_1082 = vector.extract_strided_slice %convert_element_type3A_984 {offsets = [0, 160], sizes = [544, 32], strides = [1, 1]} : vector<544x256xbf16> to vector<544x32xbf16>
    %slice3A_1083 = vector.extract_strided_slice %convert_element_type3A_986 {offsets = [0, 160], sizes = [544, 32], strides = [1, 1]} : vector<544x512xbf16> to vector<544x32xbf16>
    %slice3A_1084 = vector.extract_strided_slice %convert_element_type3A_986 {offsets = [0, 416], sizes = [544, 32], strides = [1, 1]} : vector<544x512xbf16> to vector<544x32xbf16>
    %dot_general3A_1085 = arith.constant dense<0.000000e+00> : vector<544x544xf32>
    %dot_general3A_1086 = tpu.matmul %slice3A_1082, %slice3A_1083, %dot_general3A_1085 {dimension_numbers = #tpu.dot_dimension_numbers<[1], [1], [0], [0], [0, 0, 1, 0], [], []>, transpose_lhs_hint = false} : vector<544x32xbf16>, vector<544x32xbf16>, vector<544x544xf32> -> vector<544x544xf32>
    %exp3A_1087 = math.exp %dot_general3A_1086 : vector<544x544xf32>
    %convert_element_type3A_1088 = arith.truncf %exp3A_1087 : vector<544x544xf32> to vector<544x544xbf16>
    %broadcast_in_dim3A_1089 = arith.constant 1.000000e+00 : bf16
    %broadcast_in_dim3A_1090 = vector.broadcast %broadcast_in_dim3A_1089 : bf16 to vector<544x1xbf16>
    %concatenate3A_1091 = tpu.concatenate %slice3A_1084, %broadcast_in_dim3A_1090 in 1 : vector<544x32xbf16>, vector<544x1xbf16> -> vector<544x33xbf16>
    %dot_general3A_1092 = arith.constant dense<0.000000e+00> : vector<544x33xf32>
    %dot_general3A_1093 = tpu.matmul %convert_element_type3A_1088, %concatenate3A_1091, %dot_general3A_1092 {dimension_numbers = #tpu.dot_dimension_numbers<[1], [0], [0], [1], [0, 0, 1, 1], [], []>, transpose_lhs_hint = false} : vector<544x544xbf16>, vector<544x33xbf16>, vector<544x33xf32> -> vector<544x33xf32>
    %slice3A_1094 = vector.extract_strided_slice %dot_general3A_1093 {offsets = [0, 0], sizes = [544, 32], strides = [1, 1]} : vector<544x33xf32> to vector<544x32xf32>
    %slice3A_1095 = vector.extract_strided_slice %dot_general3A_1093 {offsets = [0, 32], sizes = [544, 1], strides = [1, 1]} : vector<544x33xf32> to vector<544x1xf32>
    %integer_pow3A_1096 = arith.constant 1.000000e+00 : f32
    %integer_pow3A_1097 = vector.broadcast %integer_pow3A_1096 : f32 to vector<544x1xf32>
    %integer_pow3A_1098 = arith.divf %integer_pow3A_1097, %slice3A_1095 : vector<544x1xf32>
    %mul3A_1099 = vector.broadcast %integer_pow3A_1098 : vector<544x1xf32> to vector<544x32xf32>
    %mul3A_1100 = arith.mulf %slice3A_1094, %mul3A_1099 : vector<544x32xf32>
    %slice3A_1101 = vector.extract_strided_slice %convert_element_type3A_984 {offsets = [0, 192], sizes = [544, 32], strides = [1, 1]} : vector<544x256xbf16> to vector<544x32xbf16>
    %slice3A_1102 = vector.extract_strided_slice %convert_element_type3A_986 {offsets = [0, 192], sizes = [544, 32], strides = [1, 1]} : vector<544x512xbf16> to vector<544x32xbf16>
    %slice3A_1103 = vector.extract_strided_slice %convert_element_type3A_986 {offsets = [0, 448], sizes = [544, 32], strides = [1, 1]} : vector<544x512xbf16> to vector<544x32xbf16>
    %dot_general3A_1104 = arith.constant dense<0.000000e+00> : vector<544x544xf32>
    %dot_general3A_1105 = tpu.matmul %slice3A_1101, %slice3A_1102, %dot_general3A_1104 {dimension_numbers = #tpu.dot_dimension_numbers<[1], [1], [0], [0], [0, 0, 1, 0], [], []>, transpose_lhs_hint = false} : vector<544x32xbf16>, vector<544x32xbf16>, vector<544x544xf32> -> vector<544x544xf32>
    %exp3A_1106 = math.exp %dot_general3A_1105 : vector<544x544xf32>
    %convert_element_type3A_1107 = arith.truncf %exp3A_1106 : vector<544x544xf32> to vector<544x544xbf16>
    %broadcast_in_dim3A_1108 = arith.constant 1.000000e+00 : bf16
    %broadcast_in_dim3A_1109 = vector.broadcast %broadcast_in_dim3A_1108 : bf16 to vector<544x1xbf16>
    %concatenate3A_1110 = tpu.concatenate %slice3A_1103, %broadcast_in_dim3A_1109 in 1 : vector<544x32xbf16>, vector<544x1xbf16> -> vector<544x33xbf16>
    %dot_general3A_1111 = arith.constant dense<0.000000e+00> : vector<544x33xf32>
    %dot_general3A_1112 = tpu.matmul %convert_element_type3A_1107, %concatenate3A_1110, %dot_general3A_1111 {dimension_numbers = #tpu.dot_dimension_numbers<[1], [0], [0], [1], [0, 0, 1, 1], [], []>, transpose_lhs_hint = false} : vector<544x544xbf16>, vector<544x33xbf16>, vector<544x33xf32> -> vector<544x33xf32>
    %slice3A_1113 = vector.extract_strided_slice %dot_general3A_1112 {offsets = [0, 0], sizes = [544, 32], strides = [1, 1]} : vector<544x33xf32> to vector<544x32xf32>
    %slice3A_1114 = vector.extract_strided_slice %dot_general3A_1112 {offsets = [0, 32], sizes = [544, 1], strides = [1, 1]} : vector<544x33xf32> to vector<544x1xf32>
    %integer_pow3A_1115 = arith.constant 1.000000e+00 : f32
    %integer_pow3A_1116 = vector.broadcast %integer_pow3A_1115 : f32 to vector<544x1xf32>
    %integer_pow3A_1117 = arith.divf %integer_pow3A_1116, %slice3A_1114 : vector<544x1xf32>
    %mul3A_1118 = vector.broadcast %integer_pow3A_1117 : vector<544x1xf32> to vector<544x32xf32>
    %mul3A_1119 = arith.mulf %slice3A_1113, %mul3A_1118 : vector<544x32xf32>
    %slice3A_1120 = vector.extract_strided_slice %convert_element_type3A_984 {offsets = [0, 224], sizes = [544, 32], strides = [1, 1]} : vector<544x256xbf16> to vector<544x32xbf16>
    %slice3A_1121 = vector.extract_strided_slice %convert_element_type3A_986 {offsets = [0, 224], sizes = [544, 32], strides = [1, 1]} : vector<544x512xbf16> to vector<544x32xbf16>
    %slice3A_1122 = vector.extract_strided_slice %convert_element_type3A_986 {offsets = [0, 480], sizes = [544, 32], strides = [1, 1]} : vector<544x512xbf16> to vector<544x32xbf16>
    %dot_general3A_1123 = arith.constant dense<0.000000e+00> : vector<544x544xf32>
    %dot_general3A_1124 = tpu.matmul %slice3A_1120, %slice3A_1121, %dot_general3A_1123 {dimension_numbers = #tpu.dot_dimension_numbers<[1], [1], [0], [0], [0, 0, 1, 0], [], []>, transpose_lhs_hint = false} : vector<544x32xbf16>, vector<544x32xbf16>, vector<544x544xf32> -> vector<544x544xf32>
    %exp3A_1125 = math.exp %dot_general3A_1124 : vector<544x544xf32>
    %convert_element_type3A_1126 = arith.truncf %exp3A_1125 : vector<544x544xf32> to vector<544x544xbf16>
    %broadcast_in_dim3A_1127 = arith.constant 1.000000e+00 : bf16
    %broadcast_in_dim3A_1128 = vector.broadcast %broadcast_in_dim3A_1127 : bf16 to vector<544x1xbf16>
    %concatenate3A_1129 = tpu.concatenate %slice3A_1122, %broadcast_in_dim3A_1128 in 1 : vector<544x32xbf16>, vector<544x1xbf16> -> vector<544x33xbf16>
    %dot_general3A_1130 = arith.constant dense<0.000000e+00> : vector<544x33xf32>
    %dot_general3A_1131 = tpu.matmul %convert_element_type3A_1126, %concatenate3A_1129, %dot_general3A_1130 {dimension_numbers = #tpu.dot_dimension_numbers<[1], [0], [0], [1], [0, 0, 1, 1], [], []>, transpose_lhs_hint = false} : vector<544x544xbf16>, vector<544x33xbf16>, vector<544x33xf32> -> vector<544x33xf32>
    %slice3A_1132 = vector.extract_strided_slice %dot_general3A_1131 {offsets = [0, 0], sizes = [544, 32], strides = [1, 1]} : vector<544x33xf32> to vector<544x32xf32>
    %slice3A_1133 = vector.extract_strided_slice %dot_general3A_1131 {offsets = [0, 32], sizes = [544, 1], strides = [1, 1]} : vector<544x33xf32> to vector<544x1xf32>
    %integer_pow3A_1134 = arith.constant 1.000000e+00 : f32
    %integer_pow3A_1135 = vector.broadcast %integer_pow3A_1134 : f32 to vector<544x1xf32>
    %integer_pow3A_1136 = arith.divf %integer_pow3A_1135, %slice3A_1133 : vector<544x1xf32>
    %mul3A_1137 = vector.broadcast %integer_pow3A_1136 : vector<544x1xf32> to vector<544x32xf32>
    %mul3A_1138 = arith.mulf %slice3A_1132, %mul3A_1137 : vector<544x32xf32>
    %concatenate3A_1139 = tpu.concatenate %mul3A_1005, %mul3A_1024, %mul3A_1043, %mul3A_1062, %mul3A_1081, %mul3A_1100, %mul3A_1119, %mul3A_1138 in 1 : vector<544x32xf32>, vector<544x32xf32>, vector<544x32xf32>, vector<544x32xf32>, vector<544x32xf32>, vector<544x32xf32>, vector<544x32xf32>, vector<544x32xf32> -> vector<544x256xf32>
    %convert_element_type3A_1140 = arith.truncf %concatenate3A_1139 : vector<544x256xf32> to vector<544x256xbf16>
    %dot_general3A_1141 = arith.constant dense<0.000000e+00> : vector<544x256xf32>
    %dot_general3A_1142 = tpu.matmul %convert_element_type3A_1140, %get3A_926, %dot_general3A_1141 {dimension_numbers = #tpu.dot_dimension_numbers<[1], [0], [0], [1], [0, 0, 1, 1], [], []>, transpose_lhs_hint = false} : vector<544x256xbf16>, vector<256x256xbf16>, vector<544x256xf32> -> vector<544x256xf32>
    %add3A_1143 = arith.addf %add3A_911, %dot_general3A_1142 : vector<544x256xf32>
    %add3A_1144 = vector.broadcast %get3A_929 : vector<1x256xf32> to vector<544x256xf32>
    %add3A_1145 = arith.addf %add3A_1143, %add3A_1144 : vector<544x256xf32>
    %reduce_sum3A_1146 = arith.constant dense<0.000000e+00> : vector<544xf32>
    %reduce_sum3A_1147 = vector.multi_reduction <add>, %add3A_1145, %reduce_sum3A_1146 [1] : vector<544x256xf32> to vector<544xf32>
    %broadcast_in_dim3A_1148 = vector.shape_cast %reduce_sum3A_1147 : vector<544xf32> to vector<544x1xf32>
    %div3A_1149 = arith.constant 2.560000e+02 : f32
    %div3A_1150 = vector.broadcast %div3A_1149 : f32 to vector<544x1xf32>
    %div3A_1151 = arith.divf %broadcast_in_dim3A_1148, %div3A_1150 : vector<544x1xf32>
    %sub3A_1152 = vector.broadcast %div3A_1151 : vector<544x1xf32> to vector<544x256xf32>
    %sub3A_1153 = arith.subf %add3A_1145, %sub3A_1152 : vector<544x256xf32>
    %square3A_1154 = arith.mulf %sub3A_1153, %sub3A_1153 : vector<544x256xf32>
    %reduce_sum3A_1155 = arith.constant dense<0.000000e+00> : vector<544xf32>
    %reduce_sum3A_1156 = vector.multi_reduction <add>, %square3A_1154, %reduce_sum3A_1155 [1] : vector<544x256xf32> to vector<544xf32>
    %broadcast_in_dim3A_1157 = vector.shape_cast %reduce_sum3A_1156 : vector<544xf32> to vector<544x1xf32>
    %div3A_1158 = arith.constant 2.560000e+02 : f32
    %div3A_1159 = vector.broadcast %div3A_1158 : f32 to vector<544x1xf32>
    %div3A_1160 = arith.divf %broadcast_in_dim3A_1157, %div3A_1159 : vector<544x1xf32>
    %sub3A_1161 = vector.broadcast %div3A_1151 : vector<544x1xf32> to vector<544x256xf32>
    %sub3A_1162 = arith.subf %add3A_1145, %sub3A_1161 : vector<544x256xf32>
    %add3A_1163 = arith.constant 9.99999997E-7 : f32
    %add3A_1164 = vector.broadcast %add3A_1163 : f32 to vector<544x1xf32>
    %add3A_1165 = arith.addf %div3A_1160, %add3A_1164 : vector<544x1xf32>
    %rsqrt3A_1166 = math.rsqrt %add3A_1165 : vector<544x1xf32>
    %mul3A_1167 = vector.broadcast %rsqrt3A_1166 : vector<544x1xf32> to vector<544x256xf32>
    %mul3A_1168 = arith.mulf %sub3A_1162, %mul3A_1167 : vector<544x256xf32>
    %mul3A_1169 = vector.broadcast %get3A_932 : vector<1x256xf32> to vector<544x256xf32>
    %mul3A_1170 = arith.mulf %mul3A_1168, %mul3A_1169 : vector<544x256xf32>
    %add3A_1171 = vector.broadcast %get3A_935 : vector<1x256xf32> to vector<544x256xf32>
    %add3A_1172 = arith.addf %mul3A_1170, %add3A_1171 : vector<544x256xf32>
    %convert_element_type3A_1173 = arith.truncf %add3A_1172 : vector<544x256xf32> to vector<544x256xbf16>
    %dot_general3A_1174 = arith.constant dense<0.000000e+00> : vector<544x1024xf32>
    %dot_general3A_1175 = tpu.matmul %convert_element_type3A_1173, %get3A_938, %dot_general3A_1174 {dimension_numbers = #tpu.dot_dimension_numbers<[1], [0], [0], [1], [0, 0, 1, 1], [], []>, transpose_lhs_hint = false} : vector<544x256xbf16>, vector<256x1024xbf16>, vector<544x1024xf32> -> vector<544x1024xf32>
    %add3A_1176 = vector.broadcast %get3A_941 : vector<1x1024xf32> to vector<544x1024xf32>
    %add3A_1177 = arith.addf %dot_general3A_1175, %add3A_1176 : vector<544x1024xf32>
    %max3A_1178 = arith.constant 0.000000e+00 : f32
    %max3A_1179 = vector.broadcast %max3A_1178 : f32 to vector<544x1024xf32>
    %max3A_1180 = arith.maximumf %add3A_1177, %max3A_1179 : vector<544x1024xf32>
    %convert_element_type3A_1181 = arith.truncf %max3A_1180 : vector<544x1024xf32> to vector<544x1024xbf16>
    %dot_general3A_1182 = arith.constant dense<0.000000e+00> : vector<544x256xf32>
    %dot_general3A_1183 = tpu.matmul %convert_element_type3A_1181, %get3A_944, %dot_general3A_1182 {dimension_numbers = #tpu.dot_dimension_numbers<[1], [0], [0], [1], [0, 0, 1, 1], [], []>, transpose_lhs_hint = false} : vector<544x1024xbf16>, vector<1024x256xbf16>, vector<544x256xf32> -> vector<544x256xf32>
    %add3A_1184 = arith.addf %add3A_1145, %dot_general3A_1183 : vector<544x256xf32>
    %add3A_1185 = vector.broadcast %get3A_947 : vector<1x256xf32> to vector<544x256xf32>
    %add3A_1186 = arith.addf %add3A_1184, %add3A_1185 : vector<544x256xf32>
    %swap3A = arith.constant 0 : index
    %swap3A_1187 = arith.constant 0 : index
    %swap3A_1188 = arith.constant 0 : index
    %swap3A_1189 = vector.load %arg55[%swap3A, %swap3A_1187, %swap3A_1188] : memref<1x544x256xf32, #tpu.memory_space<vmem>>, vector<1x544x256xf32>
    %swap3A_1190 = vector.shape_cast %swap3A_1189 : vector<1x544x256xf32> to vector<544x256xf32>
    %swap3A_1191 = vector.shape_cast %add3A_1186 : vector<544x256xf32> to vector<1x544x256xf32>
    tpu.vector_store %arg55[%swap3A, %swap3A_1187, %swap3A_1188], %swap3A_1191 {strides = array<i32>} : memref<1x544x256xf32, #tpu.memory_space<vmem>>, vector<1x544x256xf32>,
    %dot_general3A_1192 = arith.constant dense<0.000000e+00> : vector<544x256xf32>
    %dot_general3A_1193 = tpu.matmul %add3A_1186, %get3A_1, %dot_general3A_1192 {dimension_numbers = #tpu.dot_dimension_numbers<[1], [0], [0], [1], [0, 0, 1, 1], [], []>, transpose_lhs_hint = false} : vector<544x256xf32>, vector<256x256xf32>, vector<544x256xf32> -> vector<544x256xf32>
    %add3A_1194 = vector.broadcast %get3A_4 : vector<1x256xf32> to vector<544x256xf32>
    %add3A_1195 = arith.addf %dot_general3A_1193, %add3A_1194 : vector<544x256xf32>
    %max3A_1196 = arith.constant 0.000000e+00 : f32
    %max3A_1197 = vector.broadcast %max3A_1196 : f32 to vector<544x256xf32>
    %max3A_1198 = arith.maximumf %add3A_1195, %max3A_1197 : vector<544x256xf32>
    %dot_general3A_1199 = arith.constant dense<0.000000e+00> : vector<544x1xf32>
    %dot_general3A_1200 = tpu.matmul %max3A_1198, %get3A_7, %dot_general3A_1199 {dimension_numbers = #tpu.dot_dimension_numbers<[1], [0], [0], [1], [0, 0, 1, 1], [], []>, transpose_lhs_hint = false} : vector<544x256xf32>, vector<256x1xf32>, vector<544x1xf32> -> vector<544x1xf32>
    %add3A_1201 = vector.broadcast %get3A_10 : vector<1x1xf32> to vector<544x1xf32>
    %add3A_1202 = arith.addf %dot_general3A_1200, %add3A_1201 : vector<544x1xf32>
    %broadcast_in_dim3A_1203 = vector.shape_cast %add3A_1202 : vector<544x1xf32> to vector<544x1xf32>
    %broadcast_in_dim3A_1204 = vector.broadcast %broadcast_in_dim3A_1203 : vector<544x1xf32> to vector<544x128xf32>
    %swap3A_1205 = arith.constant 0 : index
    %swap3A_1206 = arith.constant 0 : index
    %swap3A_1207 = arith.constant 0 : index
    %swap3A_1208 = vector.load %arg56[%swap3A_1205, %swap3A_1206, %swap3A_1207] : memref<1x544x128xf32, #tpu.memory_space<vmem>>, vector<1x544x128xf32>
    %swap3A_1209 = vector.shape_cast %swap3A_1208 : vector<1x544x128xf32> to vector<544x128xf32>
    %swap3A_1210 = vector.shape_cast %broadcast_in_dim3A_1204 : vector<544x128xf32> to vector<1x544x128xf32>
    tpu.vector_store %arg56[%swap3A_1205, %swap3A_1206, %swap3A_1207], %swap3A_1210 {strides = array<i32>} : memref<1x544x128xf32, #tpu.memory_space<vmem>>, vector<1x544x128xf32>,
    return
  }
  func.func @transform_0(%arg0: i32) -> (i32, i32, i32) {
    %c0_i32 = arith.constant 0 : i32
    %c0_i32_0 = arith.constant 0 : i32
    %c0_i32_1 = arith.constant 0 : i32
    return %arg0, %c0_i32, %c0_i32_0 : i32, i32, i32
  }
  func.func @transform_1(%arg0: i32) -> (i32, i32) {
    %c0_i32 = arith.constant 0 : i32
    %c0_i32_0 = arith.constant 0 : i32
    %c0_i32_1 = arith.constant 0 : i32
    return %c0_i32, %c0_i32_0 : i32, i32
  }
  func.func @transform_2(%arg0: i32) -> (i32, i32) {
    %c0_i32 = arith.constant 0 : i32
    %c0_i32_0 = arith.constant 0 : i32
    %c0_i32_1 = arith.constant 0 : i32
    return %c0_i32, %c0_i32_0 : i32, i32
  }
  func.func @transform_3(%arg0: i32) -> (i32, i32) {
    %c0_i32 = arith.constant 0 : i32
    %c0_i32_0 = arith.constant 0 : i32
    %c0_i32_1 = arith.constant 0 : i32
    return %c0_i32, %c0_i32_0 : i32, i32
  }
  func.func @transform_4(%arg0: i32) -> (i32, i32) {
    %c0_i32 = arith.constant 0 : i32
    %c0_i32_0 = arith.constant 0 : i32
    %c0_i32_1 = arith.constant 0 : i32
    return %c0_i32, %c0_i32_0 : i32, i32
  }
  func.func @transform_5(%arg0: i32) -> (i32, i32) {
    %c0_i32 = arith.constant 0 : i32
    %c0_i32_0 = arith.constant 0 : i32
    %c0_i32_1 = arith.constant 0 : i32
    return %c0_i32, %c0_i32_0 : i32, i32
  }
  func.func @transform_6(%arg0: i32) -> (i32, i32) {
    %c0_i32 = arith.constant 0 : i32
    %c0_i32_0 = arith.constant 0 : i32
    %c0_i32_1 = arith.constant 0 : i32
    return %c0_i32, %c0_i32_0 : i32, i32
  }
  func.func @transform_7(%arg0: i32) -> (i32, i32) {
    %c0_i32 = arith.constant 0 : i32
    %c0_i32_0 = arith.constant 0 : i32
    %c0_i32_1 = arith.constant 0 : i32
    return %c0_i32, %c0_i32_0 : i32, i32
  }
  func.func @transform_8(%arg0: i32) -> (i32, i32) {
    %c0_i32 = arith.constant 0 : i32
    %c0_i32_0 = arith.constant 0 : i32
    %c0_i32_1 = arith.constant 0 : i32
    return %c0_i32, %c0_i32_0 : i32, i32
  }
  func.func @transform_9(%arg0: i32) -> (i32, i32) {
    %c0_i32 = arith.constant 0 : i32
    %c0_i32_0 = arith.constant 0 : i32
    %c0_i32_1 = arith.constant 0 : i32
    return %c0_i32, %c0_i32_0 : i32, i32
  }
  func.func @transform_10(%arg0: i32) -> (i32, i32) {
    %c0_i32 = arith.constant 0 : i32
    %c0_i32_0 = arith.constant 0 : i32
    %c0_i32_1 = arith.constant 0 : i32
    return %c0_i32, %c0_i32_0 : i32, i32
  }
  func.func @transform_11(%arg0: i32) -> (i32, i32) {
    %c0_i32 = arith.constant 0 : i32
    %c0_i32_0 = arith.constant 0 : i32
    %c0_i32_1 = arith.constant 0 : i32
    return %c0_i32, %c0_i32_0 : i32, i32
  }
  func.func @transform_12(%arg0: i32) -> (i32, i32) {
    %c0_i32 = arith.constant 0 : i32
    %c0_i32_0 = arith.constant 0 : i32
    %c0_i32_1 = arith.constant 0 : i32
    return %c0_i32, %c0_i32_0 : i32, i32
  }
  func.func @transform_13(%arg0: i32) -> (i32, i32) {
    %c0_i32 = arith.constant 0 : i32
    %c0_i32_0 = arith.constant 0 : i32
    %c0_i32_1 = arith.constant 0 : i32
    return %c0_i32, %c0_i32_0 : i32, i32
  }
  func.func @transform_14(%arg0: i32) -> (i32, i32) {
    %c0_i32 = arith.constant 0 : i32
    %c0_i32_0 = arith.constant 0 : i32
    %c0_i32_1 = arith.constant 0 : i32
    return %c0_i32, %c0_i32_0 : i32, i32
  }
  func.func @transform_15(%arg0: i32) -> (i32, i32) {
    %c0_i32 = arith.constant 0 : i32
    %c0_i32_0 = arith.constant 0 : i32
    %c0_i32_1 = arith.constant 0 : i32
    return %c0_i32, %c0_i32_0 : i32, i32
  }
  func.func @transform_16(%arg0: i32) -> (i32, i32) {
    %c0_i32 = arith.constant 0 : i32
    %c0_i32_0 = arith.constant 0 : i32
    %c0_i32_1 = arith.constant 0 : i32
    return %c0_i32, %c0_i32_0 : i32, i32
  }
  func.func @transform_17(%arg0: i32) -> (i32, i32) {
    %c0_i32 = arith.constant 0 : i32
    %c0_i32_0 = arith.constant 0 : i32
    %c0_i32_1 = arith.constant 0 : i32
    return %c0_i32, %c0_i32_0 : i32, i32
  }
  func.func @transform_18(%arg0: i32) -> (i32, i32) {
    %c0_i32 = arith.constant 0 : i32
    %c0_i32_0 = arith.constant 0 : i32
    %c0_i32_1 = arith.constant 0 : i32
    return %c0_i32, %c0_i32_0 : i32, i32
  }
  func.func @transform_19(%arg0: i32) -> (i32, i32) {
    %c0_i32 = arith.constant 0 : i32
    %c0_i32_0 = arith.constant 0 : i32
    %c0_i32_1 = arith.constant 0 : i32
    return %c0_i32, %c0_i32_0 : i32, i32
  }
  func.func @transform_20(%arg0: i32) -> (i32, i32) {
    %c0_i32 = arith.constant 0 : i32
    %c0_i32_0 = arith.constant 0 : i32
    %c0_i32_1 = arith.constant 0 : i32
    return %c0_i32, %c0_i32_0 : i32, i32
  }
  func.func @transform_21(%arg0: i32) -> (i32, i32) {
    %c0_i32 = arith.constant 0 : i32
    %c0_i32_0 = arith.constant 0 : i32
    %c0_i32_1 = arith.constant 0 : i32
    return %c0_i32, %c0_i32_0 : i32, i32
  }
  func.func @transform_22(%arg0: i32) -> (i32, i32) {
    %c0_i32 = arith.constant 0 : i32
    %c0_i32_0 = arith.constant 0 : i32
    %c0_i32_1 = arith.constant 0 : i32
    return %c0_i32, %c0_i32_0 : i32, i32
  }
  func.func @transform_23(%arg0: i32) -> (i32, i32) {
    %c0_i32 = arith.constant 0 : i32
    %c0_i32_0 = arith.constant 0 : i32
    %c0_i32_1 = arith.constant 0 : i32
    return %c0_i32, %c0_i32_0 : i32, i32
  }
  func.func @transform_24(%arg0: i32) -> (i32, i32) {
    %c0_i32 = arith.constant 0 : i32
    %c0_i32_0 = arith.constant 0 : i32
    %c0_i32_1 = arith.constant 0 : i32
    return %c0_i32, %c0_i32_0 : i32, i32
  }
  func.func @transform_25(%arg0: i32) -> (i32, i32) {
    %c0_i32 = arith.constant 0 : i32
    %c0_i32_0 = arith.constant 0 : i32
    %c0_i32_1 = arith.constant 0 : i32
    return %c0_i32, %c0_i32_0 : i32, i32
  }
  func.func @transform_26(%arg0: i32) -> (i32, i32) {
    %c0_i32 = arith.constant 0 : i32
    %c0_i32_0 = arith.constant 0 : i32
    %c0_i32_1 = arith.constant 0 : i32
    return %c0_i32, %c0_i32_0 : i32, i32
  }
  func.func @transform_27(%arg0: i32) -> (i32, i32) {
    %c0_i32 = arith.constant 0 : i32
    %c0_i32_0 = arith.constant 0 : i32
    %c0_i32_1 = arith.constant 0 : i32
    return %c0_i32, %c0_i32_0 : i32, i32
  }
  func.func @transform_28(%arg0: i32) -> (i32, i32) {
    %c0_i32 = arith.constant 0 : i32
    %c0_i32_0 = arith.constant 0 : i32
    %c0_i32_1 = arith.constant 0 : i32
    return %c0_i32, %c0_i32_0 : i32, i32
  }
  func.func @transform_29(%arg0: i32) -> (i32, i32) {
    %c0_i32 = arith.constant 0 : i32
    %c0_i32_0 = arith.constant 0 : i32
    %c0_i32_1 = arith.constant 0 : i32
    return %c0_i32, %c0_i32_0 : i32, i32
  }
  func.func @transform_30(%arg0: i32) -> (i32, i32) {
    %c0_i32 = arith.constant 0 : i32
    %c0_i32_0 = arith.constant 0 : i32
    %c0_i32_1 = arith.constant 0 : i32
    return %c0_i32, %c0_i32_0 : i32, i32
  }
  func.func @transform_31(%arg0: i32) -> (i32, i32) {
    %c0_i32 = arith.constant 0 : i32
    %c0_i32_0 = arith.constant 0 : i32
    %c0_i32_1 = arith.constant 0 : i32
    return %c0_i32, %c0_i32_0 : i32, i32
  }
  func.func @transform_32(%arg0: i32) -> (i32, i32) {
    %c0_i32 = arith.constant 0 : i32
    %c0_i32_0 = arith.constant 0 : i32
    %c0_i32_1 = arith.constant 0 : i32
    return %c0_i32, %c0_i32_0 : i32, i32
  }
  func.func @transform_33(%arg0: i32) -> (i32, i32) {
    %c0_i32 = arith.constant 0 : i32
    %c0_i32_0 = arith.constant 0 : i32
    %c0_i32_1 = arith.constant 0 : i32
    return %c0_i32, %c0_i32_0 : i32, i32
  }
  func.func @transform_34(%arg0: i32) -> (i32, i32) {
    %c0_i32 = arith.constant 0 : i32
    %c0_i32_0 = arith.constant 0 : i32
    %c0_i32_1 = arith.constant 0 : i32
    return %c0_i32, %c0_i32_0 : i32, i32
  }
  func.func @transform_35(%arg0: i32) -> (i32, i32) {
    %c0_i32 = arith.constant 0 : i32
    %c0_i32_0 = arith.constant 0 : i32
    %c0_i32_1 = arith.constant 0 : i32
    return %c0_i32, %c0_i32_0 : i32, i32
  }
  func.func @transform_36(%arg0: i32) -> (i32, i32) {
    %c0_i32 = arith.constant 0 : i32
    %c0_i32_0 = arith.constant 0 : i32
    %c0_i32_1 = arith.constant 0 : i32
    return %c0_i32, %c0_i32_0 : i32, i32
  }
  func.func @transform_37(%arg0: i32) -> (i32, i32) {
    %c0_i32 = arith.constant 0 : i32
    %c0_i32_0 = arith.constant 0 : i32
    %c0_i32_1 = arith.constant 0 : i32
    return %c0_i32, %c0_i32_0 : i32, i32
  }
  func.func @transform_38(%arg0: i32) -> (i32, i32) {
    %c0_i32 = arith.constant 0 : i32
    %c0_i32_0 = arith.constant 0 : i32
    %c0_i32_1 = arith.constant 0 : i32
    return %c0_i32, %c0_i32_0 : i32, i32
  }
  func.func @transform_39(%arg0: i32) -> (i32, i32) {
    %c0_i32 = arith.constant 0 : i32
    %c0_i32_0 = arith.constant 0 : i32
    %c0_i32_1 = arith.constant 0 : i32
    return %c0_i32, %c0_i32_0 : i32, i32
  }
  func.func @transform_40(%arg0: i32) -> (i32, i32) {
    %c0_i32 = arith.constant 0 : i32
    %c0_i32_0 = arith.constant 0 : i32
    %c0_i32_1 = arith.constant 0 : i32
    return %c0_i32, %c0_i32_0 : i32, i32
  }
  func.func @transform_41(%arg0: i32) -> (i32, i32) {
    %c0_i32 = arith.constant 0 : i32
    %c0_i32_0 = arith.constant 0 : i32
    %c0_i32_1 = arith.constant 0 : i32
    return %c0_i32, %c0_i32_0 : i32, i32
  }
  func.func @transform_42(%arg0: i32) -> (i32, i32) {
    %c0_i32 = arith.constant 0 : i32
    %c0_i32_0 = arith.constant 0 : i32
    %c0_i32_1 = arith.constant 0 : i32
    return %c0_i32, %c0_i32_0 : i32, i32
  }
  func.func @transform_43(%arg0: i32) -> (i32, i32) {
    %c0_i32 = arith.constant 0 : i32
    %c0_i32_0 = arith.constant 0 : i32
    %c0_i32_1 = arith.constant 0 : i32
    return %c0_i32, %c0_i32_0 : i32, i32
  }
  func.func @transform_44(%arg0: i32) -> (i32, i32) {
    %c0_i32 = arith.constant 0 : i32
    %c0_i32_0 = arith.constant 0 : i32
    %c0_i32_1 = arith.constant 0 : i32
    return %c0_i32, %c0_i32_0 : i32, i32
  }
  func.func @transform_45(%arg0: i32) -> (i32, i32) {
    %c0_i32 = arith.constant 0 : i32
    %c0_i32_0 = arith.constant 0 : i32
    %c0_i32_1 = arith.constant 0 : i32
    return %c0_i32, %c0_i32_0 : i32, i32
  }
  func.func @transform_46(%arg0: i32) -> (i32, i32) {
    %c0_i32 = arith.constant 0 : i32
    %c0_i32_0 = arith.constant 0 : i32
    %c0_i32_1 = arith.constant 0 : i32
    return %c0_i32, %c0_i32_0 : i32, i32
  }
  func.func @transform_47(%arg0: i32) -> (i32, i32) {
    %c0_i32 = arith.constant 0 : i32
    %c0_i32_0 = arith.constant 0 : i32
    %c0_i32_1 = arith.constant 0 : i32
    return %c0_i32, %c0_i32_0 : i32, i32
  }
  func.func @transform_48(%arg0: i32) -> (i32, i32) {
    %c0_i32 = arith.constant 0 : i32
    %c0_i32_0 = arith.constant 0 : i32
    %c0_i32_1 = arith.constant 0 : i32
    return %c0_i32, %c0_i32_0 : i32, i32
  }
  func.func @transform_49(%arg0: i32) -> (i32, i32) {
    %c0_i32 = arith.constant 0 : i32
    %c0_i32_0 = arith.constant 0 : i32
    %c0_i32_1 = arith.constant 0 : i32
    return %c0_i32, %c0_i32_0 : i32, i32
  }
  func.func @transform_50(%arg0: i32) -> (i32, i32) {
    %c0_i32 = arith.constant 0 : i32
    %c0_i32_0 = arith.constant 0 : i32
    %c0_i32_1 = arith.constant 0 : i32
    return %c0_i32, %c0_i32_0 : i32, i32
  }
  func.func @transform_51(%arg0: i32) -> (i32, i32) {
    %c0_i32 = arith.constant 0 : i32
    %c0_i32_0 = arith.constant 0 : i32
    %c0_i32_1 = arith.constant 0 : i32
    return %c0_i32, %c0_i32_0 : i32, i32
  }
  func.func @transform_52(%arg0: i32) -> (i32, i32) {
    %c0_i32 = arith.constant 0 : i32
    %c0_i32_0 = arith.constant 0 : i32
    %c0_i32_1 = arith.constant 0 : i32
    return %c0_i32, %c0_i32_0 : i32, i32
  }
  func.func @transform_53(%arg0: i32) -> (i32, i32) {
    %c0_i32 = arith.constant 0 : i32
    %c0_i32_0 = arith.constant 0 : i32
    %c0_i32_1 = arith.constant 0 : i32
    return %c0_i32, %c0_i32_0 : i32, i32
  }
  func.func @transform_54(%arg0: i32) -> (i32, i32, i32) {
    %c0_i32 = arith.constant 0 : i32
    %c0_i32_0 = arith.constant 0 : i32
    %c0_i32_1 = arith.constant 0 : i32
    return %arg0, %c0_i32, %c0_i32_0 : i32, i32, i32
  }
  func.func @transform_55(%arg0: i32) -> (i32, i32, i32) {
    %c0_i32 = arith.constant 0 : i32
    %c0_i32_0 = arith.constant 0 : i32
    %c0_i32_1 = arith.constant 0 : i32
    return %arg0, %c0_i32, %c0_i32_0 : i32, i32, i32
  }
}

</mosaic_0001>

<sc_bundles>
// kernel: kernel.6.cloned.1.call-start
scs
__scs_entry_jumppad:
0x0: {  	(pc) =	sbr.rel $0x88, $3  }
0x1: {  	(tag) =	ssettag $0x0;
	lr =	simm.s32 $0x1  }
0x2: {  	[smem:$0x3F64] =	sst lr;
	_ =	strace $0xD0000000  }
0x3: {  	_ = 	snop  }
0x4: {  	_ = 	snop  }
0x5: {  	_ = 	snop  }
0x6: {  	_ = 	snop  }
0x7: {  	_ = 	snop  }
__scs_overlays_trampoline_lowered:
0x8: {  	[smem:$0x3F73] =	sst s0  }
0x9: {  	[smem:$0x3F74] =	sst s1  }
0xa: {  	[smem:$0x3F75] =	sst s2  }
0xb: {  	[smem:$0x3F76] =	sst s3  }
0xc: {  	[smem:$0x3F77] =	sst s4  }
0xd: {  	[smem:$0x3F78] =	sst s5  }
0xe: {  	[smem:$0x3F79] =	sst s6  }
0xf: {  	[smem:$0x3F7A] =	sst s7  }
0x10: {  	[smem:$0x3F7B] =	sst s8  }
0x11: {  	[smem:$0x3F7C] =	sst s9;
	s0 =	simm.s32 @!p0 $0x0  }
0x12: {  	s1 =	sld [smem:$0x3F62];
	s0 =	simm.s32 @p0 $0x1  }
0x13: {  	[smem:$0x3F7D] =	sst s0;
	s0 =	simm.s32 @!p1 $0x0  }
0x14: {  	s2 =	sld [smem:$0x3F61];
	s0 =	simm.s32 @p1 $0x1  }
0x15: {  	[smem:$0x3F7E] =	sst s0;
	s0 =	simm.s32 @!p2 $0x0  }
0x16: {  	s3 =	sld [smem:$0x3FDB];
	s0 =	simm.s32 @p2 $0x1  }
0x17: {  	s4 =	simm.s32 $0x1BF5;
	[smem:$0x3F80] =	sst s0  }
0x18: {  	s0 =	sld [smem:$0x3F63];
	_ =	swait.ge [sflag:s4], $0x0  }
0x19: {  	s7 =	sld [smem:$0x3F64]  }
0x1a: {  	s8 =	sadd.s32 $0xFFFFE003, lr  }
0x1b: {  	s9 =	sadd.s32 $0xFFFFFEF7, lr;
	s5 =	simm.s32 $0xFFFFFFFF;
	p2 =	slt.u32 s8, $0xFFFFF086  }
0x1c: {  	p1 =	slt.u32 s9, $0xF7A;
	s5 =	simm.s32 @!p2 $0x0  }
0x1d: {  	s5 =	simm.s32 @p1 $0x1;
	p0 =	seq.s32 s7, s2  }
0x1e: {  	s7 =	smul.u32 @!p0 $0xF7A, s2;
	p2 =	seq.s32 @!p0 s5, $0x0  }
0x1f: {  	s9 =	smul.u32 $0xF7A, s1;
	s8 =	simm.s32 @!p0 $0x1BF5;
	p2 =	por !p2, p0  }
0x20: {  	[sflag:s8] =	ssyncset.s32 @!p0 $0xFFFFF086;
	s6 =	sadd.s32 @!p0 s3, s7;
	s7 =	simm.s32 @!p0 $0x108  }
0x21: {  	s3 =	sadd.s32 s3, s9;
	s6 =	sadd.s32 @!p0 $0x88, s6;
	s7 =	simm.s32 @p2 $0x1082  }
0x22: {  	[simem:s7], [sflag:s8] =	dma.local @!p0 [hbm:s6], $0xF7A  }
0x23: {  	s9 =	sor.u32 $0xD0000000, s2;
	s6 =	simm.s32 $0x108;
	_ =	swait.ge @!p0 [sflag:s8], $0x0  }
0x24: {  	s3 =	sadd.s32 $0x88, s3;
	s6 =	simm.s32 @!p1 $0x1082;
	[sflag:s4] =	ssyncset.s32 $0xFFFFF086  }
0x25: {  	[simem:s6], [sflag:s4] =	dma.local [hbm:s3], $0xF7A  }
0x26: {  	[smem:$0x3F64] =	sst s1;
	(tag) =	ssettag s2;
	_ =	strace s9  }
0x27: {  	s1 =	sld [smem:$0x3F74]  }
0x28: {  	s2 =	sld [smem:$0x3F75]  }
0x29: {  	s4 =	sld [smem:$0x3F77]  }
0x2a: {  	p0 =	seq.s32 s5, $0x0;
	s5 =	sld [smem:$0x3F78]  }
0x2b: {  	s6 =	sld [smem:$0x3F79]  }
0x2c: {  	s7 =	sld [smem:$0x3F7A]  }
0x2d: {  	s3 =	simm.s32 $0x108;
	s8 =	sld [smem:$0x3F7B]  }
0x2e: {  	s3 =	simm.s32 @!p0 $0x1082;
	s9 =	sld [smem:$0x3F7C]  }
0x2f: {  	lr =	sadd.s32 s0, s3;
	s0 =	sld [smem:$0x3F73]  }
0x30: {  	s3 =	sld [smem:$0x3F76]  }
0x31: {  	[smem:$0x3F7F] =	sst s10  }
0x32: {  	s10 =	sld [smem:$0x3F7D];
	_ =	sdelay $0x3  }
0x33: {  	p0 =	seq.s32 s10, $0x1;
	s10 =	sld [smem:$0x3F7F];
	_ =	sdelay $0x3  }
0x34: {  	[smem:$0x3F7F] =	sst s10  }
0x35: {  	s10 =	sld [smem:$0x3F7E];
	_ =	sdelay $0x3  }
0x36: {  	p1 =	seq.s32 s10, $0x1;
	s10 =	sld [smem:$0x3F7F];
	_ =	sdelay $0x3  }
0x37: {  	[smem:$0x3F7F] =	sst s10  }
0x38: {  	s10 =	sld [smem:$0x3F80]  }
0x39: {  	_ = 	snop;
	(pc) =	sbr.ind lr, $3  }
0x3a: {  	_ = 	snop  }
0x3b: {  	_ = 	snop  }
0x3c: {  	p2 =	seq.s32 s10, $0x1;
	s10 =	sld [smem:$0x3F7F]  }
0x3d: {  	_ =	shalt  }
0x3e: {  	_ =	shalt  }
0x3f: {  	_ =	shalt  }
0x40: {  	_ =	shalt  }
0x41: {  	_ =	shalt  }
0x42: {  	_ =	shalt  }
0x43: {  	_ =	shalt  }
0x44: {  	_ =	shalt  }
0x45: {  	_ =	shalt  }
0x46: {  	_ =	shalt  }
0x47: {  	_ =	shalt  }
0x48: {  	_ =	shalt  }
0x49: {  	_ =	shalt  }
0x4a: {  	_ =	shalt  }
0x4b: {  	_ =	shalt  }
0x4c: {  	_ =	shalt  }
0x4d: {  	_ =	shalt  }
0x4e: {  	_ =	shalt  }
0x4f: {  	_ =	shalt  }
0x50: {  	_ =	shalt  }
0x51: {  	_ =	shalt  }
0x52: {  	_ =	shalt  }
0x53: {  	_ =	shalt  }
0x54: {  	_ =	shalt  }
0x55: {  	_ =	shalt  }
0x56: {  	_ =	shalt  }
0x57: {  	_ =	shalt  }
0x58: {  	_ =	shalt  }
0x59: {  	_ =	shalt  }
0x5a: {  	_ =	shalt  }
0x5b: {  	_ =	shalt  }
0x5c: {  	_ =	shalt  }
0x5d: {  	_ =	shalt  }
0x5e: {  	_ =	shalt  }
0x5f: {  	_ =	shalt  }
0x60: {  	_ =	shalt  }
0x61: {  	_ =	shalt  }
0x62: {  	_ =	shalt  }
0x63: {  	_ =	shalt  }
0x64: {  	_ =	shalt  }
0x65: {  	_ =	shalt  }
0x66: {  	_ =	shalt  }
0x67: {  	_ =	shalt  }
0x68: {  	_ =	shalt  }
0x69: {  	_ =	shalt  }
0x6a: {  	_ =	shalt  }
0x6b: {  	_ =	shalt  }
0x6c: {  	_ =	shalt  }
0x6d: {  	_ =	shalt  }
0x6e: {  	_ =	shalt  }
0x6f: {  	_ =	shalt  }
0x70: {  	_ =	shalt  }
0x71: {  	_ =	shalt  }
0x72: {  	_ =	shalt  }
0x73: {  	_ =	shalt  }
0x74: {  	_ =	shalt  }
0x75: {  	_ =	shalt  }
0x76: {  	_ =	shalt  }
0x77: {  	_ =	shalt  }
0x78: {  	_ =	shalt  }
0x79: {  	_ =	shalt  }
0x7a: {  	_ =	shalt  }
0x7b: {  	_ =	shalt  }
0x7c: {  	_ =	shalt  }
0x7d: {  	_ =	shalt  }
0x7e: {  	_ =	shalt  }
0x7f: {  	_ =	shalt  }
0x80: {  	_ =	shalt  }
0x81: {  	_ =	shalt  }
0x82: {  	_ =	shalt  }
0x83: {  	_ =	shalt  }
0x84: {  	_ =	shalt  }
0x85: {  	_ =	shalt  }
0x86: {  	_ =	shalt  }
0x87: {  	_ =	shalt  }
.Lfunc_end0:
.L_simem_size_0:
called_computation.1_lowered:
.L_overlay_start_0:
0x88: {  	s2 =	sld [smem:$0x3FD9]  }
0x89: {  	s3 =	sld [smem:$0x3FFE];
	_ =	sdelay $0x1  }
0x8a: {  	s1 =	srdreg.scid  }
0x8b: {  	s0 =	sand.u32 $0x1, s1  }
0x8c: {  	s15 =	sshll.u32 s0, $0xA;
	s2 =	sadd.s32 s3, s2  }
0x8d: {  	s2 =	sadd.s32 s2, s15  }
0x8e: {  	[smem:$0x3F8B] =	sst s2  }
0x8f: {  	_ = 	snop  }
0x90: {  	s2 =	sld [smem:$0x3FD0];
	_ =	sdelay $0x2  }
0x91: {  	s16 =	simm.s32 $0xB;
	s4 =	simm.s32 $0x10  }
0x92: {  	[smem:s4], [sflag:s16] =	dma.local [hbm:s2], $0x1  }
0x93: {  	_ =	swait.eq [sflag:s16], $0x1  }
0x94: {  	[sflag:s16] =	ssyncset.done $0x0  }
0x95: {  	[sflag:s16] =	ssyncadd.s32 $0xFFFFFFFF  }
0x96: {  	s17 =	sld [smem:$0x11];
	(tm) =	ssettm $0x1  }
0x97: {  	s18 =	sld [smem:$0x3FFB];
	_ =	sdelay $0x3  }
0x98: {  	_ =	strace s18  }
0x99: {  	s2 =	sld [smem:$0x3FFC];
	_ =	sdelay $0x3  }
0x9a: {  	_ =	strace s2  }
0x9b: {  	s2 =	sld [smem:$0x3FFD];
	_ =	sdelay $0x3  }
0x9c: {  	_ =	strace s2  }
0x9d: {  	_ =	strace $0x8FFFFFFF  }
0x9e: {  	s19 =	sld [smem:$0x3FDB];
	_ =	sdelay $0x1  }
0x9f: {  	s20 =	simm.s32 $_scs_section_size  }
0xa0: {  	s5 =	simm.s32 $_size__tile_overlayer_lowered;
	s6 =	simm.s32 $_tile_overlayer_lowered  }
0xa1: {  	s7 =	simm.s32 $0x1BFF;
	s21 =	sshll.u32 s6, $0x1;
	s4 =	sadd.s32 s20, s19  }
0xa2: {  	s22 =	simm.s32 $0x0;
	s5 =	sshll.u32 s5, $0x1;
	s6 =	sadd.s32 s21, s4  }
0xa3: {  	[timem:s22], [sflag:s7] =	dma.local [hbm:s6], s5  }
0xa4: {  	_ =	swait.ge [sflag:s7], s5  }
0xa5: {  	s5 =	ssub.s32 $0x0, s5;
	[sflag:s7] =	ssyncset.done $0x0  }
0xa6: {  	[sflag:s7] =	ssyncadd.s32 s5;
	_ =	sdelay $0x1  }
0xa7: {  	s23 =	simm.s32 $0x1B8B  }
0xa8: {  	_ =	swait.ge [sflag:s23], $0x1  }
0xa9: {  	[sflag:s23] =	ssyncset.done $0x0  }
0xaa: {  	[sflag:s23] =	ssyncadd.s32 $0xFFFFFFFF  }
0xab: {  	s5 =	sld [smem:$0x0]  }
0xac: {  	s6 =	sand.u32 $0xFFFFFFFE, s1  }
0xad: {  	p0 =	sne.s32 s1, s6  }
0xae: {  	s6 =	sshll.u32 @p0 s6, $0xE  }
0xaf: {  	s6 =	sadd.s32 @p0 $0x11B8D, s6;
	s7 =	sshll.u32 @p0 s5, $0x11  }
0xb0: {  	s6 =	sor.u32 @p0 s7, s6  }
0xb1: {  	[sflag:s6] =	ssyncadd.remote.s32 @p0 $0x1;
	_ =	sdelay $0x1  }
0xb2: {  	s6 =	simm.s32 @p0 $0x1B8D  }
0xb3: {  	_ =	swait.eq @p0 [sflag:s6], $0x1  }
0xb4: {  	[sflag:s6] =	ssyncadd.s32 @p0 $0xFFFFFFFF  }
0xb5: {  	s7 =	sshll.u32 @!p0 s1, $0xE  }
0xb6: {  	s7 =	sor.u32 @!p0 $0x4000, s7;
	s6 =	simm.s32 @!p0 $0x1B8D  }
0xb7: {  	s5 =	sshll.u32 @!p0 s5, $0x11;
	s7 =	sadd.s32 @!p0 $0x11B8D, s7;
	_ =	swait.eq @!p0 [sflag:s6], $0x1  }
0xb8: {  	s5 =	sor.u32 @!p0 s5, s7;
	[sflag:s6] =	ssyncadd.s32 @!p0 $0xFFFFFFFF  }
0xb9: {  	s25 =	simm.s32 $0x1B8E;
	s24 =	sld [smem:$0x3FFE];
	[sflag:s5] =	ssyncadd.remote.s32 @!p0 $0x1  }
0xba: {  	s26 =	simm.s32 $execute0_lowered;
	[smem:$0x3FD2] =	sst s25  }
0xbb: {  	s6 =	sshll.u32 s26, $0x1;
	_ =	strace $0x80000049;
	[dreg:$0x1] =	wrdreg $0xFFFFFFFF  }
0xbc: {  	s28 =	simm.s32 $_size_execute0_lowered;
	s4 =	sadd.s32 s4, s6;
	[dreg:$0x0] =	wrdreg $0x0  }
0xbd: {  	s6 =	sshll.u32 s28, $0x1;
	[dreg:$0x2] =	wrdreg s4  }
0xbe: {  	[dreg:$0x3] =	wrdreg s6  }
0xbf: {  	[dreg:$0x4] =	wrdreg $0xC0  }
0xc0: {  	_ =	task [dreg:s22], $0x5FFFF  }
0xc1: {  	[dreg:$0x1] =	wrdreg $0xFFFFFFFF  }
0xc2: {  	[dreg:$0x0] =	wrdreg $0x60  }
0xc3: {  	[dreg:$0x2] =	wrdreg s24  }
0xc4: {  	[dreg:$0x3] =	wrdreg s17  }
0xc5: {  	[dreg:$0x4] =	wrdreg $0xA  }
0xc6: {  	_ =	task.clear_ibuf [dreg:s22], $0x5FFFF;
	_ =	strace $0x90000049  }
0xc7: {  	s29 =	simm.s32 $0xA;
	_ =	strace $0x8000004B  }
0xc8: {  	_ =	swait.ge [sflag:s29], $0x1  }
0xc9: {  	[sflag:s29] =	ssyncadd.s32 $0xFFFFFFFF  }
0xca: {  	_ =	strace $0x9000004B  }
0xcb: {  	_ =	sfence  }
0xcc: {  	s30 =	sld [smem:$0x0];
	_ =	sdelay $0x2  }
0xcd: {  	s31 =	sshll.u32 s1, $0xD;
	s1 =	sshrl.u32 s1, $0x2  }
0xce: {  	s4 =	sand.u32 $0x4000, s31;
	s1 =	sadd.s32 s1, s30  }
0xcf: {  	s0 =	sor.u32 s4, s0;
	s1 =	sshll.u32 s1, $0x11  }
0xd0: {  	s0 =	sor.u32 s1, s0  }
0xd1: {  	s0 =	sadd.s32 $0x8F2B, s0  }
0xd2: {  	[sflag:s0] =	ssyncadd.remote.s32 $0x1  }
0xd3: {  	_ =	sfence.sel $0xFFFF  }
0xd4: {  	[dreg:$0x0] =	wrdreg $0xFFFFFFFF;
	(pc) =	sbr.abs _section_cstart, $3  }
0xd5: {  	[dreg:$0x1] =	wrdreg $0xFFFFFFFF  }
0xd6: {  	_ =	task.clear_ibuf [dreg:s22], $0x2FFFF;
	_ =	strace $0x9FFFFFFF  }
0xd7: {  	(tm) =	ssettm $0x7FFFFFFF  }
tec
execute0_lowered:
.L_overlay_start_1:
0x0: {  	(tag) =	ssettag $0x1  }
0x1: {  	s3 =	rddreg [dreg:$0x0];
	s1 =	srdreg.scid  }
0x2: {  	s0 =	stileid.u32;
	s5 =	rddreg [dreg:$0x1]  }
0x3: {  	s2 =	simm.s32 $0x0;
	s9 =	simm.s32 $0x900;
	s10 =	simm.s32 $0x1100  }
0x4: {  	s11 =	simm.s32 $0x1900;
	s12 =	simm.s32 $0x2100;
	s13 =	simm.s32 $0x2900  }
0x5: {  	s14 =	simm.s32 $0x3100;
	s15 =	simm.s32 $0x3900;
	s16 =	simm.s32 $0x4100  }
0x6: {  	s17 =	simm.s32 $0x4900;
	s18 =	simm.s32 $0x5100;
	s19 =	simm.s32 $0x5900  }
0x7: {  	s20 =	simm.s32 $0x6100;
	s21 =	simm.s32 $0x6900;
	s22 =	simm.s32 $0x7100  }
0x8: {  	s23 =	simm.s32 $0x7900;
	s4 =	sand.u32 $0x1, s1;
	s6 =	sshll.u32 s0, $0x1  }
0x9: {  	s24 =	simm.s32 $0x8100;
	s25 =	simm.s32 $0x1;
	s6 =	sor.u32 s4, s6  }
0xa: {  	s1 =	rddreg [dreg:$0x2];
	s4 =	ssub.s32 $0x2, s4;
	s7 =	smul.u32 $0x11, s6  }
0xb: {  	[smem:$0x7FF] =	sst s2;
	s8 =	sshrl.u32 s4, $0x1;
	s6 =	smul.u32 $0x1100, s6  }
0xc: {  	v2 =	vlaneseq.u32;
	_ =	strace $0x8000004A;
	s8 =	ssub.s32 s4, s8;
	s7 =	sadd.s32 s7, s3  }
0xd: {  	vm0 =	vmmov $0xffff;
	v1 =	vshrl.u32 v2, $0x3;
	s3 =	sadd.s32 $0x6200, s3;
	s5 =	sadd.s32 s5, s6;
	s6 =	smax.u32 s8, $0x1  }
0xe: {  	v0 =	vand.u32 $0x7, v2;
	v2 =	vor.u32 $0x8, v2;
	v1 =	vmul.u32 $0x8, v1;
	s8 =	simm.s32 $0x100;
	s4 =	sadd.s32 $0x5C00, s7;
	s7 =	simm.s32 $0x2  }
.LBB2_1:
0xf: {  	[tilespmem:s2], [sflag:$0x2] =	stream.linear.gather [hbm4b:s4+s2], $0x88, $0x38;
	[tilespmem:$0x8900] =	vst v63  }
0x10: {  	_ =	swait.ge [sflag:s7], $0x88  }
0x11: {  	[sflag:s7] =	ssyncset.done $0x0  }
0x12: {  	[sflag:s7] =	ssyncadd.s32 $0xFFFFFF78  }
0x13: {  	v3 =	vld [tilespmem:$0x0];
	_ =	sdelay $0x4  }
0x14: {  	v4 =	vshll.u32 v3, $0x1  }
0x15: {  	v3 =	vand.u32 $0x7, v3;
	v4 =	vand.u32 $0xFFFFFFF0, v4  }
0x16: {  	v3 =	vor.u32 v3, v4  }
0x17: {  	v4 =	vperm.xlane v3, v0;
	_ =	sdelay $0x1  }
0x18: {  	v3 =	vperm.xlane v3, v2;
	v4 =	vadd.s32 v1, v4;
	_ =	sdelay $0x1  }
0x19: {  	v3 =	vadd.s32 v1, v3;
	_ =	sdelay $0x2  }
0x1a: {  	[tilespmem:s8], [sflag:$0x1] =	stream.indirect_vreg.gather [hbm4b:s3+s2], $0x80, v4, vm0, $0xb8;
	[tilespmem:$0x8900] =	vst v63  }
0x1b: {  	_ = 	snop  }
0x1c: {  	[tilespmem:s9], [sflag:$0x1] =	stream.indirect_vreg.gather [hbm4b:s3+s2], $0x80, v3, vm0, $0xb8;
	[tilespmem:$0x8900] =	vst v63  }
0x1d: {  	v3 =	vld [tilespmem:$0x10];
	_ =	sdelay $0x4  }
0x1e: {  	v56 =	vshll.u32 v3, $0x1  }
0x1f: {  	v3 =	vand.u32 $0x7, v3;
	v4 =	vand.u32 $0xFFFFFFF0, v56  }
0x20: {  	v3 =	vor.u32 v3, v4  }
0x21: {  	v4 =	vperm.xlane v3, v0;
	_ =	sdelay $0x1  }
0x22: {  	v3 =	vperm.xlane v3, v2;
	v4 =	vadd.s32 v1, v4;
	_ =	sdelay $0x1  }
0x23: {  	v3 =	vadd.s32 v1, v3;
	_ =	sdelay $0x2  }
0x24: {  	[tilespmem:s10], [sflag:$0x1] =	stream.indirect_vreg.gather [hbm4b:s3+s2], $0x80, v4, vm0, $0xb8;
	[tilespmem:$0x8900] =	vst v63  }
0x25: {  	_ = 	snop  }
0x26: {  	[tilespmem:s11], [sflag:$0x1] =	stream.indirect_vreg.gather [hbm4b:s3+s2], $0x80, v3, vm0, $0xb8;
	[tilespmem:$0x8900] =	vst v63  }
0x27: {  	v3 =	vld [tilespmem:$0x20];
	_ =	sdelay $0x4  }
0x28: {  	v57 =	vshll.u32 v3, $0x1  }
0x29: {  	v3 =	vand.u32 $0x7, v3;
	v4 =	vand.u32 $0xFFFFFFF0, v57  }
0x2a: {  	v3 =	vor.u32 v3, v4  }
0x2b: {  	v4 =	vperm.xlane v3, v0;
	_ =	sdelay $0x1  }
0x2c: {  	v3 =	vperm.xlane v3, v2;
	v4 =	vadd.s32 v1, v4;
	_ =	sdelay $0x1  }
0x2d: {  	v3 =	vadd.s32 v1, v3;
	_ =	sdelay $0x2  }
0x2e: {  	[tilespmem:s12], [sflag:$0x1] =	stream.indirect_vreg.gather [hbm4b:s3+s2], $0x80, v4, vm0, $0xb8;
	[tilespmem:$0x8900] =	vst v63  }
0x2f: {  	_ = 	snop  }
0x30: {  	[tilespmem:s13], [sflag:$0x1] =	stream.indirect_vreg.gather [hbm4b:s3+s2], $0x80, v3, vm0, $0xb8;
	[tilespmem:$0x8900] =	vst v63  }
0x31: {  	v3 =	vld [tilespmem:$0x30];
	_ =	sdelay $0x4  }
0x32: {  	v58 =	vshll.u32 v3, $0x1  }
0x33: {  	v3 =	vand.u32 $0x7, v3;
	v4 =	vand.u32 $0xFFFFFFF0, v58  }
0x34: {  	v3 =	vor.u32 v3, v4  }
0x35: {  	v4 =	vperm.xlane v3, v0;
	_ =	sdelay $0x1  }
0x36: {  	v3 =	vperm.xlane v3, v2;
	v4 =	vadd.s32 v1, v4;
	_ =	sdelay $0x1  }
0x37: {  	v3 =	vadd.s32 v1, v3;
	_ =	sdelay $0x2  }
0x38: {  	[tilespmem:s14], [sflag:$0x1] =	stream.indirect_vreg.gather [hbm4b:s3+s2], $0x80, v4, vm0, $0xb8;
	[tilespmem:$0x8900] =	vst v63  }
0x39: {  	_ = 	snop  }
0x3a: {  	[tilespmem:s15], [sflag:$0x1] =	stream.indirect_vreg.gather [hbm4b:s3+s2], $0x80, v3, vm0, $0xb8;
	[tilespmem:$0x8900] =	vst v63  }
0x3b: {  	v3 =	vld [tilespmem:$0x40];
	_ =	sdelay $0x4  }
0x3c: {  	v59 =	vshll.u32 v3, $0x1  }
0x3d: {  	v3 =	vand.u32 $0x7, v3;
	v4 =	vand.u32 $0xFFFFFFF0, v59  }
0x3e: {  	v3 =	vor.u32 v3, v4  }
0x3f: {  	v4 =	vperm.xlane v3, v0;
	_ =	sdelay $0x1  }
0x40: {  	v3 =	vperm.xlane v3, v2;
	v4 =	vadd.s32 v1, v4;
	_ =	sdelay $0x1  }
0x41: {  	v3 =	vadd.s32 v1, v3;
	_ =	sdelay $0x2  }
0x42: {  	[tilespmem:s16], [sflag:$0x1] =	stream.indirect_vreg.gather [hbm4b:s3+s2], $0x80, v4, vm0, $0xb8;
	[tilespmem:$0x8900] =	vst v63  }
0x43: {  	_ = 	snop  }
0x44: {  	[tilespmem:s17], [sflag:$0x1] =	stream.indirect_vreg.gather [hbm4b:s3+s2], $0x80, v3, vm0, $0xb8;
	[tilespmem:$0x8900] =	vst v63  }
0x45: {  	v3 =	vld [tilespmem:$0x50];
	_ =	sdelay $0x4  }
0x46: {  	v60 =	vshll.u32 v3, $0x1  }
0x47: {  	v3 =	vand.u32 $0x7, v3;
	v4 =	vand.u32 $0xFFFFFFF0, v60  }
0x48: {  	v3 =	vor.u32 v3, v4  }
0x49: {  	v4 =	vperm.xlane v3, v0;
	_ =	sdelay $0x1  }
0x4a: {  	v3 =	vperm.xlane v3, v2;
	v4 =	vadd.s32 v1, v4;
	_ =	sdelay $0x1  }
0x4b: {  	v3 =	vadd.s32 v1, v3;
	_ =	sdelay $0x2  }
0x4c: {  	[tilespmem:s18], [sflag:$0x1] =	stream.indirect_vreg.gather [hbm4b:s3+s2], $0x80, v4, vm0, $0xb8;
	[tilespmem:$0x8900] =	vst v63  }
0x4d: {  	_ = 	snop  }
0x4e: {  	[tilespmem:s19], [sflag:$0x1] =	stream.indirect_vreg.gather [hbm4b:s3+s2], $0x80, v3, vm0, $0xb8;
	[tilespmem:$0x8900] =	vst v63  }
0x4f: {  	v3 =	vld [tilespmem:$0x60];
	_ =	sdelay $0x4  }
0x50: {  	v61 =	vshll.u32 v3, $0x1  }
0x51: {  	v3 =	vand.u32 $0x7, v3;
	v4 =	vand.u32 $0xFFFFFFF0, v61  }
0x52: {  	v3 =	vor.u32 v3, v4  }
0x53: {  	v4 =	vperm.xlane v3, v0;
	_ =	sdelay $0x1  }
0x54: {  	v3 =	vperm.xlane v3, v2;
	v4 =	vadd.s32 v1, v4;
	_ =	sdelay $0x1  }
0x55: {  	v3 =	vadd.s32 v1, v3;
	_ =	sdelay $0x2  }
0x56: {  	[tilespmem:s20], [sflag:$0x1] =	stream.indirect_vreg.gather [hbm4b:s3+s2], $0x80, v4, vm0, $0xb8;
	[tilespmem:$0x8900] =	vst v63  }
0x57: {  	_ = 	snop  }
0x58: {  	[tilespmem:s21], [sflag:$0x1] =	stream.indirect_vreg.gather [hbm4b:s3+s2], $0x80, v3, vm0, $0xb8;
	[tilespmem:$0x8900] =	vst v63  }
0x59: {  	v3 =	vld [tilespmem:$0x70];
	_ =	sdelay $0x4  }
0x5a: {  	v62 =	vshll.u32 v3, $0x1  }
0x5b: {  	v3 =	vand.u32 $0x7, v3;
	v4 =	vand.u32 $0xFFFFFFF0, v62  }
0x5c: {  	v3 =	vor.u32 v3, v4  }
0x5d: {  	v4 =	vperm.xlane v3, v0;
	_ =	sdelay $0x1  }
0x5e: {  	v3 =	vperm.xlane v3, v2;
	v4 =	vadd.s32 v1, v4;
	_ =	sdelay $0x1  }
0x5f: {  	v3 =	vadd.s32 v1, v3;
	_ =	sdelay $0x2  }
0x60: {  	[tilespmem:s22], [sflag:$0x1] =	stream.indirect_vreg.gather [hbm4b:s3+s2], $0x80, v4, vm0, $0xb8;
	[tilespmem:$0x8900] =	vst v63  }
0x61: {  	_ = 	snop  }
0x62: {  	[tilespmem:s23], [sflag:$0x1] =	stream.indirect_vreg.gather [hbm4b:s3+s2], $0x80, v3, vm0, $0xb8;
	[tilespmem:$0x8900] =	vst v63  }
0x63: {  	v3 =	vld.msk [tilespmem:$0x80], $0xff;
	_ =	sdelay $0x4  }
0x64: {  	v63 =	vshll.u32 v3, $0x1  }
0x65: {  	v3 =	vand.u32 $0x7, v3;
	v4 =	vand.u32 $0xFFFFFFF0, v63  }
0x66: {  	v3 =	vor.u32 v3, v4  }
0x67: {  	v3 =	vperm.xlane v3, v0;
	_ =	sdelay $0x1  }
0x68: {  	v3 =	vadd.s32 v1, v3;
	_ =	sdelay $0x4  }
0x69: {  	[tilespmem:s24], [sflag:$0x1] =	stream.indirect_vreg.gather [hbm4b:s3+s2], $0x80, v3, vm0, $0xb8;
	[tilespmem:$0x8900] =	vst v63  }
0x6a: {  	_ =	swait.ge [sflag:s25], $0x8800  }
0x6b: {  	p0 =	sne.s32 s6, $0x1;
	[sflag:s25] =	ssyncset.done $0x0  }
.Ltmp0:
0x6c: {  	[sflag:s25] =	ssyncadd.s32 $0xFFFF7800;
	(pc) =	sbr.rel @p0 .LBB2_1-.Ltmp0, $4  }
0x6d: {  	[hbm4b:s5+s2] =	stream.linear.scatter [tilespmem:s8], [sflag:$0x2], $0x8800, $0x38;
	[tilespmem:$0x8900] =	vst v63  }
0x6e: {  	_ =	swait.ge [sflag:s7], $0x8800  }
0x6f: {  	[sflag:s7] =	ssyncset.done $0x0  }
0x70: {  	s6 =	sadd.s32 $0xFFFFFFFF, s6;
	[sflag:s7] =	ssyncadd.s32 $0xFFFF7800  }
0x71: {  	_ =	sfence.sel $0x180000  }
0x72: {  	[bflag:$0x0] =	sbarrier.arrive $0xFFFF  }
0x73: {  	p0 =	sne.s32 s0, $0x0;
	_ =	strace $0x9000004A  }
0x74: {  	s0 =	sadd.s32 @!p0 $0x100000, s1;
	[bflag:$0x2] =	sbarrier.arrive $0xFFFF  }
0x75: {  	[sflag:s0] =	ssyncadd.tile.s32 @!p0 $0x1;
	_ =	shalt  }
.Lfunc_end2:
_tile_overlayer_lowered:
.L_overlay_start_2:
0x76: {  	(tag) =	ssettag $0x2  }
0x77: {  	s0 =	rddreg [dreg:$0x0];
	s2 =	stileid.u32  }
0x78: {  	s1 =	rddreg [dreg:$0x1];
	p0 =	sne.s32 s2, $0x0  }
0x79: {  	s3 =	rddreg [dreg:$0x2];
	[bflag:$0x3] =	sbarrier.arrive $0xFFFF;
	s2 =	simm.s32 @!p0 $0x1C02  }
0x7a: {  	[timem:s3], [sflag:s2] =	dma.local @!p0 [hbm:s0], s1  }
0x7b: {  	s0 =	simm.s32 @!p0 $0x2  }
0x7c: {  	_ =	swait.ge @!p0 [sflag:s0], s1  }
0x7d: {  	s1 =	ssub.s32 @!p0 $0x0, s1;
	[sflag:s0] =	ssyncset.done @!p0 $0x0  }
0x7e: {  	[sflag:s0] =	ssyncadd.s32 @!p0 s1  }
0x7f: {  	[bflag:$0x3] =	sbarrier.arrive $0xFFFF  }
0x80: {  	_ =	shalt  }

// kernel: kernel.9.cloned.1.call-start
scs
__scs_entry_jumppad:
0x0: {  	(pc) =	sbr.rel $0x88, $3  }
0x1: {  	(tag) =	ssettag $0x0;
	lr =	simm.s32 $0x1  }
0x2: {  	[smem:$0x3F64] =	sst lr;
	_ =	strace $0xD0000000  }
0x3: {  	_ = 	snop  }
0x4: {  	_ = 	snop  }
0x5: {  	_ = 	snop  }
0x6: {  	_ = 	snop  }
0x7: {  	_ = 	snop  }
__scs_overlays_trampoline_lowered:
0x8: {  	[smem:$0x3F73] =	sst s0  }
0x9: {  	[smem:$0x3F74] =	sst s1  }
0xa: {  	[smem:$0x3F75] =	sst s2  }
0xb: {  	[smem:$0x3F76] =	sst s3  }
0xc: {  	[smem:$0x3F77] =	sst s4  }
0xd: {  	[smem:$0x3F78] =	sst s5  }
0xe: {  	[smem:$0x3F79] =	sst s6  }
0xf: {  	[smem:$0x3F7A] =	sst s7  }
0x10: {  	[smem:$0x3F7B] =	sst s8  }
0x11: {  	[smem:$0x3F7C] =	sst s9;
	s0 =	simm.s32 @!p0 $0x0  }
0x12: {  	s1 =	sld [smem:$0x3F62];
	s0 =	simm.s32 @p0 $0x1  }
0x13: {  	[smem:$0x3F7D] =	sst s0;
	s0 =	simm.s32 @!p1 $0x0  }
0x14: {  	s2 =	sld [smem:$0x3F61];
	s0 =	simm.s32 @p1 $0x1  }
0x15: {  	[smem:$0x3F7E] =	sst s0;
	s0 =	simm.s32 @!p2 $0x0  }
0x16: {  	s3 =	sld [smem:$0x3FDB];
	s0 =	simm.s32 @p2 $0x1  }
0x17: {  	s4 =	simm.s32 $0x1BF5;
	[smem:$0x3F80] =	sst s0  }
0x18: {  	s0 =	sld [smem:$0x3F63];
	_ =	swait.ge [sflag:s4], $0x0  }
0x19: {  	s7 =	sld [smem:$0x3F64]  }
0x1a: {  	s8 =	sadd.s32 $0xFFFFE003, lr  }
0x1b: {  	s9 =	sadd.s32 $0xFFFFFEF7, lr;
	s5 =	simm.s32 $0xFFFFFFFF;
	p2 =	slt.u32 s8, $0xFFFFF086  }
0x1c: {  	p1 =	slt.u32 s9, $0xF7A;
	s5 =	simm.s32 @!p2 $0x0  }
0x1d: {  	s5 =	simm.s32 @p1 $0x1;
	p0 =	seq.s32 s7, s2  }
0x1e: {  	s7 =	smul.u32 @!p0 $0xF7A, s2;
	p2 =	seq.s32 @!p0 s5, $0x0  }
0x1f: {  	s9 =	smul.u32 $0xF7A, s1;
	s8 =	simm.s32 @!p0 $0x1BF5;
	p2 =	por !p2, p0  }
0x20: {  	[sflag:s8] =	ssyncset.s32 @!p0 $0xFFFFF086;
	s6 =	sadd.s32 @!p0 s3, s7;
	s7 =	simm.s32 @!p0 $0x108  }
0x21: {  	s3 =	sadd.s32 s3, s9;
	s6 =	sadd.s32 @!p0 $0x88, s6;
	s7 =	simm.s32 @p2 $0x1082  }
0x22: {  	[simem:s7], [sflag:s8] =	dma.local @!p0 [hbm:s6], $0xF7A  }
0x23: {  	s9 =	sor.u32 $0xD0000000, s2;
	s6 =	simm.s32 $0x108;
	_ =	swait.ge @!p0 [sflag:s8], $0x0  }
0x24: {  	s3 =	sadd.s32 $0x88, s3;
	s6 =	simm.s32 @!p1 $0x1082;
	[sflag:s4] =	ssyncset.s32 $0xFFFFF086  }
0x25: {  	[simem:s6], [sflag:s4] =	dma.local [hbm:s3], $0xF7A  }
0x26: {  	[smem:$0x3F64] =	sst s1;
	(tag) =	ssettag s2;
	_ =	strace s9  }
0x27: {  	s1 =	sld [smem:$0x3F74]  }
0x28: {  	s2 =	sld [smem:$0x3F75]  }
0x29: {  	s4 =	sld [smem:$0x3F77]  }
0x2a: {  	p0 =	seq.s32 s5, $0x0;
	s5 =	sld [smem:$0x3F78]  }
0x2b: {  	s6 =	sld [smem:$0x3F79]  }
0x2c: {  	s7 =	sld [smem:$0x3F7A]  }
0x2d: {  	s3 =	simm.s32 $0x108;
	s8 =	sld [smem:$0x3F7B]  }
0x2e: {  	s3 =	simm.s32 @!p0 $0x1082;
	s9 =	sld [smem:$0x3F7C]  }
0x2f: {  	lr =	sadd.s32 s0, s3;
	s0 =	sld [smem:$0x3F73]  }
0x30: {  	s3 =	sld [smem:$0x3F76]  }
0x31: {  	[smem:$0x3F7F] =	sst s10  }
0x32: {  	s10 =	sld [smem:$0x3F7D];
	_ =	sdelay $0x3  }
0x33: {  	p0 =	seq.s32 s10, $0x1;
	s10 =	sld [smem:$0x3F7F];
	_ =	sdelay $0x3  }
0x34: {  	[smem:$0x3F7F] =	sst s10  }
0x35: {  	s10 =	sld [smem:$0x3F7E];
	_ =	sdelay $0x3  }
0x36: {  	p1 =	seq.s32 s10, $0x1;
	s10 =	sld [smem:$0x3F7F];
	_ =	sdelay $0x3  }
0x37: {  	[smem:$0x3F7F] =	sst s10  }
0x38: {  	s10 =	sld [smem:$0x3F80]  }
0x39: {  	_ = 	snop;
	(pc) =	sbr.ind lr, $3  }
0x3a: {  	_ = 	snop  }
0x3b: {  	_ = 	snop  }
0x3c: {  	p2 =	seq.s32 s10, $0x1;
	s10 =	sld [smem:$0x3F7F]  }
0x3d: {  	_ =	shalt  }
0x3e: {  	_ =	shalt  }
0x3f: {  	_ =	shalt  }
0x40: {  	_ =	shalt  }
0x41: {  	_ =	shalt  }
0x42: {  	_ =	shalt  }
0x43: {  	_ =	shalt  }
0x44: {  	_ =	shalt  }
0x45: {  	_ =	shalt  }
0x46: {  	_ =	shalt  }
0x47: {  	_ =	shalt  }
0x48: {  	_ =	shalt  }
0x49: {  	_ =	shalt  }
0x4a: {  	_ =	shalt  }
0x4b: {  	_ =	shalt  }
0x4c: {  	_ =	shalt  }
0x4d: {  	_ =	shalt  }
0x4e: {  	_ =	shalt  }
0x4f: {  	_ =	shalt  }
0x50: {  	_ =	shalt  }
0x51: {  	_ =	shalt  }
0x52: {  	_ =	shalt  }
0x53: {  	_ =	shalt  }
0x54: {  	_ =	shalt  }
0x55: {  	_ =	shalt  }
0x56: {  	_ =	shalt  }
0x57: {  	_ =	shalt  }
0x58: {  	_ =	shalt  }
0x59: {  	_ =	shalt  }
0x5a: {  	_ =	shalt  }
0x5b: {  	_ =	shalt  }
0x5c: {  	_ =	shalt  }
0x5d: {  	_ =	shalt  }
0x5e: {  	_ =	shalt  }
0x5f: {  	_ =	shalt  }
0x60: {  	_ =	shalt  }
0x61: {  	_ =	shalt  }
0x62: {  	_ =	shalt  }
0x63: {  	_ =	shalt  }
0x64: {  	_ =	shalt  }
0x65: {  	_ =	shalt  }
0x66: {  	_ =	shalt  }
0x67: {  	_ =	shalt  }
0x68: {  	_ =	shalt  }
0x69: {  	_ =	shalt  }
0x6a: {  	_ =	shalt  }
0x6b: {  	_ =	shalt  }
0x6c: {  	_ =	shalt  }
0x6d: {  	_ =	shalt  }
0x6e: {  	_ =	shalt  }
0x6f: {  	_ =	shalt  }
0x70: {  	_ =	shalt  }
0x71: {  	_ =	shalt  }
0x72: {  	_ =	shalt  }
0x73: {  	_ =	shalt  }
0x74: {  	_ =	shalt  }
0x75: {  	_ =	shalt  }
0x76: {  	_ =	shalt  }
0x77: {  	_ =	shalt  }
0x78: {  	_ =	shalt  }
0x79: {  	_ =	shalt  }
0x7a: {  	_ =	shalt  }
0x7b: {  	_ =	shalt  }
0x7c: {  	_ =	shalt  }
0x7d: {  	_ =	shalt  }
0x7e: {  	_ =	shalt  }
0x7f: {  	_ =	shalt  }
0x80: {  	_ =	shalt  }
0x81: {  	_ =	shalt  }
0x82: {  	_ =	shalt  }
0x83: {  	_ =	shalt  }
0x84: {  	_ =	shalt  }
0x85: {  	_ =	shalt  }
0x86: {  	_ =	shalt  }
0x87: {  	_ =	shalt  }
.Lfunc_end0:
.L_simem_size_0:
called_computation.2_lowered:
.L_overlay_start_0:
0x88: {  	s2 =	sld [smem:$0x3FD9]  }
0x89: {  	s3 =	sld [smem:$0x3FFE];
	_ =	sdelay $0x1  }
0x8a: {  	s1 =	srdreg.scid  }
0x8b: {  	s0 =	sand.u32 $0x1, s1  }
0x8c: {  	s14 =	sshll.u32 s0, $0xA;
	s2 =	sadd.s32 s3, s2  }
0x8d: {  	s2 =	sadd.s32 s2, s14  }
0x8e: {  	[smem:$0x3F8B] =	sst s2  }
0x8f: {  	_ = 	snop  }
0x90: {  	s2 =	sld [smem:$0x3FD0];
	_ =	sdelay $0x2  }
0x91: {  	s15 =	simm.s32 $0xB;
	s4 =	simm.s32 $0x10  }
0x92: {  	[smem:s4], [sflag:s15] =	dma.local [hbm:s2], $0x1  }
0x93: {  	_ =	swait.eq [sflag:s15], $0x1  }
0x94: {  	[sflag:s15] =	ssyncset.done $0x0  }
0x95: {  	[sflag:s15] =	ssyncadd.s32 $0xFFFFFFFF  }
0x96: {  	s16 =	sld [smem:$0x10];
	(tm) =	ssettm $0x1  }
0x97: {  	s17 =	sld [smem:$0x3FFB];
	_ =	sdelay $0x3  }
0x98: {  	_ =	strace s17  }
0x99: {  	s3 =	sld [smem:$0x3FFC];
	_ =	sdelay $0x3  }
0x9a: {  	_ =	strace s3  }
0x9b: {  	s3 =	sld [smem:$0x3FFD];
	_ =	sdelay $0x3  }
0x9c: {  	_ =	strace s3  }
0x9d: {  	_ =	strace $0x8FFFFFFF  }
0x9e: {  	s18 =	sld [smem:$0x3FDB];
	_ =	sdelay $0x1  }
0x9f: {  	s19 =	simm.s32 $_scs_section_size  }
0xa0: {  	s5 =	simm.s32 $_size__tile_overlayer_lowered;
	s6 =	simm.s32 $_tile_overlayer_lowered  }
0xa1: {  	s22 =	simm.s32 $0x1BFF;
	s21 =	sshll.u32 s6, $0x1;
	s3 =	sadd.s32 s19, s18  }
0xa2: {  	s7 =	simm.s32 $0x0;
	s20 =	sshll.u32 s5, $0x1;
	s5 =	sadd.s32 s21, s3  }
0xa3: {  	[timem:s7], [sflag:s22] =	dma.local [hbm:s5], s20  }
0xa4: {  	_ =	swait.ge [sflag:s22], s20  }
0xa5: {  	s4 =	ssub.s32 $0x0, s20;
	[sflag:s22] =	ssyncset.done $0x0  }
0xa6: {  	[sflag:s22] =	ssyncadd.s32 s4;
	_ =	sdelay $0x1  }
0xa7: {  	s23 =	simm.s32 $0x1B8B  }
0xa8: {  	_ =	swait.ge [sflag:s23], $0x1  }
0xa9: {  	[sflag:s23] =	ssyncset.done $0x0  }
0xaa: {  	s25 =	simm.s32 $0x1B8E;
	s24 =	sld [smem:$0x3FFE];
	[sflag:s23] =	ssyncadd.s32 $0xFFFFFFFF  }
0xab: {  	s26 =	simm.s32 $execute0_lowered;
	[smem:$0x3FD2] =	sst s25  }
0xac: {  	s5 =	sshll.u32 s26, $0x1;
	_ =	strace $0x8000004C;
	[dreg:$0x1] =	wrdreg $0xFFFFFFFF  }
0xad: {  	s28 =	simm.s32 $_size_execute0_lowered;
	s3 =	sadd.s32 s3, s5;
	[dreg:$0x0] =	wrdreg $0x0  }
0xae: {  	s5 =	sshll.u32 s28, $0x1;
	[dreg:$0x2] =	wrdreg s3  }
0xaf: {  	[dreg:$0x3] =	wrdreg s5  }
0xb0: {  	[dreg:$0x4] =	wrdreg $0xC0  }
0xb1: {  	_ =	task [dreg:s7], $0x5FFFF  }
0xb2: {  	[dreg:$0x1] =	wrdreg $0xFFFFFFFF  }
0xb3: {  	[dreg:$0x0] =	wrdreg $0x60  }
0xb4: {  	[dreg:$0x2] =	wrdreg s24  }
0xb5: {  	[dreg:$0x3] =	wrdreg s16  }
0xb6: {  	[dreg:$0x4] =	wrdreg $0x9  }
0xb7: {  	_ =	task.clear_ibuf [dreg:s7], $0x5FFFF;
	_ =	strace $0x9000004C  }
0xb8: {  	s29 =	simm.s32 $0x9;
	_ =	strace $0x8000004E  }
0xb9: {  	_ =	swait.ge [sflag:s29], $0x1  }
0xba: {  	[sflag:s29] =	ssyncadd.s32 $0xFFFFFFFF  }
0xbb: {  	_ =	strace $0x9000004E  }
0xbc: {  	_ =	sfence  }
0xbd: {  	s30 =	sld [smem:$0x0];
	_ =	sdelay $0x2  }
0xbe: {  	s31 =	sshll.u32 s1, $0xD;
	s1 =	sshrl.u32 s1, $0x2  }
0xbf: {  	s3 =	sand.u32 $0x4000, s31;
	s1 =	sadd.s32 s1, s30  }
0xc0: {  	s0 =	sor.u32 s3, s0;
	s1 =	sshll.u32 s1, $0x11  }
0xc1: {  	s0 =	sor.u32 s1, s0  }
0xc2: {  	s0 =	sadd.s32 $0x8F2B, s0  }
0xc3: {  	[sflag:s0] =	ssyncadd.remote.s32 $0x1  }
0xc4: {  	_ =	sfence.sel $0xFFFF  }
0xc5: {  	[dreg:$0x0] =	wrdreg $0xFFFFFFFF;
	(pc) =	sbr.abs _section_cstart, $3  }
0xc6: {  	[dreg:$0x1] =	wrdreg $0xFFFFFFFF  }
0xc7: {  	_ =	task.clear_ibuf [dreg:s7], $0x2FFFF;
	_ =	strace $0x9FFFFFFF  }
0xc8: {  	(tm) =	ssettm $0x7FFFFFFF  }
0xc9: {  	_ =	shalt  }
tec
execute0_lowered:
.L_overlay_start_1:
0x0: {  	(tag) =	ssettag $0x1  }
0x1: {  	s1 =	srdreg.scid;
	s9 =	rddreg [dreg:$0x0]  }
0x2: {  	s0 =	stileid.u32;
	s3 =	rddreg [dreg:$0x1]  }
0x3: {  	s2 =	simm.s32 $0x0;
	s7 =	simm.s32 $0x80;
	s6 =	sand.u32 $0x1, s1  }
0x4: {  	s4 =	sshll.u32 s0, $0x7;
	s1 =	rddreg [dreg:$0x2];
	s5 =	sshll.u32 s6, $0x6  }
0x5: {  	s8 =	simm.s32 $0x1;
	[smem:$0x7FF] =	sst s2;
	s10 =	sor.u32 s5, s4  }
0x6: {  	_ =	strace $0x8000004D;
	s11 =	ssub.s32 $0x2, s6;
	s4 =	sshrl.u32 s10, $0x3  }
0x7: {  	s6 =	simm.s32 $0x40;
	s4 =	sadd.s32 s3, s4;
	s3 =	simm.s32 $0x2  }
0x8: {  	[tilespmem:s2], [sflag:$0x2] =	stream.linear.gather [hbm4b:s4+s2], $0x40, $0x38;
	[tilespmem:$0x2080] =	vst v63  }
0x9: {  	s5 =	sadd.s32 $0x5A00, s9;
	s12 =	sshrl.u32 s11, $0x1;
	_ =	swait.ge [sflag:s3], $0x40  }
0xa: {  	s10 =	sshll.u32 s10, $0x4;
	s31 =	ssub.s32 s11, s12;
	[sflag:s3] =	ssyncset.done $0x0  }
0xb: {  	s9 =	sadd.s32 s10, s9;
	s10 =	smax.u32 s31, $0x1;
	[sflag:s3] =	ssyncadd.s32 $0xFFFFFFC0  }
0xc: {  	[tilespmem:s7], [sflag:$0x1] =	stream.indirect.gather [hbm4b:s5+s6], $0x80, s2, s6, $0xb8;
	[tilespmem:$0x2080] =	vst v63  }
0xd: {  	p0 =	sne.s32 s10, $0x1;
	_ =	swait.ge [sflag:s8], $0x2000  }
.Ltmp0:
0xe: {  	[sflag:s8] =	ssyncset.done $0x0;
	(pc) =	sbr.rel @!p0 .LBB2_2-.Ltmp0, $4  }
0xf: {  	s9 =	sadd.s32 $0x16A00, s9;
	[sflag:s8] =	ssyncadd.s32 $0xFFFFE000  }
0x10: {  	[hbm4b:s9+s2] =	stream.linear.scatter [tilespmem:s7], [sflag:$0x2], $0x2000, $0x38;
	[tilespmem:$0x2080] =	vst v63  }
0x11: {  	_ =	swait.ge [sflag:s3], $0x2000  }
0x12: {  	s10 =	sadd.s32 $0xFFFFFFFF, s10;
	[sflag:s3] =	ssyncset.done $0x0  }
.LBB2_1:
0x13: {  	p0 =	sne.s32 s10, $0x1;
	s10 =	sadd.s32 $0xFFFFFFFF, s10;
	[sflag:s3] =	ssyncadd.s32 $0xFFFFE000  }
0x14: {  	[tilespmem:s2], [sflag:$0x2] =	stream.linear.gather [hbm4b:s4+s2], $0x40, $0x38;
	[tilespmem:$0x2080] =	vst v63  }
0x15: {  	_ =	swait.ge [sflag:s3], $0x40  }
0x16: {  	[sflag:s3] =	ssyncset.done $0x0  }
0x17: {  	[sflag:s3] =	ssyncadd.s32 $0xFFFFFFC0  }
0x18: {  	[tilespmem:s7], [sflag:$0x1] =	stream.indirect.gather [hbm4b:s5+s6], $0x80, s2, s6, $0xb8;
	[tilespmem:$0x2080] =	vst v63  }
0x19: {  	_ =	swait.ge [sflag:s8], $0x2000  }
.Ltmp1:
0x1a: {  	[sflag:s8] =	ssyncset.done $0x0;
	(pc) =	sbr.rel @p0 .LBB2_1-.Ltmp1, $4  }
0x1b: {  	[sflag:s8] =	ssyncadd.s32 $0xFFFFE000  }
0x1c: {  	[hbm4b:s9+s2] =	stream.linear.scatter [tilespmem:s7], [sflag:$0x2], $0x2000, $0x38;
	[tilespmem:$0x2080] =	vst v63  }
0x1d: {  	_ =	swait.ge [sflag:s3], $0x2000  }
0x1e: {  	[sflag:s3] =	ssyncset.done $0x0  }
.LBB2_2:
0x1f: {  	[sflag:s3] =	ssyncadd.s32 $0xFFFFE000  }
0x20: {  	_ =	sfence.sel $0x180000  }
0x21: {  	[bflag:$0x0] =	sbarrier.arrive $0xFFFF  }
0x22: {  	p0 =	sne.s32 s0, $0x0;
	_ =	strace $0x9000004D  }
0x23: {  	s0 =	sadd.s32 @!p0 $0x100000, s1;
	[bflag:$0x2] =	sbarrier.arrive $0xFFFF  }
0x24: {  	[sflag:s0] =	ssyncadd.tile.s32 @!p0 $0x1;
	_ =	shalt  }
.Lfunc_end2:
_tile_overlayer_lowered:
.L_overlay_start_2:
0x25: {  	(tag) =	ssettag $0x2  }
0x26: {  	s0 =	rddreg [dreg:$0x0];
	s2 =	stileid.u32  }
0x27: {  	s1 =	rddreg [dreg:$0x1];
	p0 =	sne.s32 s2, $0x0  }
0x28: {  	s3 =	rddreg [dreg:$0x2];
	[bflag:$0x3] =	sbarrier.arrive $0xFFFF;
	s2 =	simm.s32 @!p0 $0x1C02  }
0x29: {  	[timem:s3], [sflag:s2] =	dma.local @!p0 [hbm:s0], s1  }
0x2a: {  	s0 =	simm.s32 @!p0 $0x2  }
0x2b: {  	_ =	swait.ge @!p0 [sflag:s0], s1  }
0x2c: {  	s1 =	ssub.s32 @!p0 $0x0, s1;
	[sflag:s0] =	ssyncset.done @!p0 $0x0  }
0x2d: {  	[sflag:s0] =	ssyncadd.s32 @!p0 s1  }
0x2e: {  	[bflag:$0x3] =	sbarrier.arrive $0xFFFF  }
0x2f: {  	_ =	shalt  }

// kernel: scatter_offload_async_start
scs
__scs_entry_jumppad:
0x0: {  	(pc) =	sbr.rel $0x88, $3  }
0x1: {  	(tag) =	ssettag $0x0;
	lr =	simm.s32 $0x1  }
0x2: {  	[smem:$0x3F64] =	sst lr;
	_ =	strace $0xD0000000  }
0x3: {  	_ = 	snop  }
0x4: {  	_ = 	snop  }
0x5: {  	_ = 	snop  }
0x6: {  	_ = 	snop  }
0x7: {  	_ = 	snop  }
__scs_overlays_trampoline_lowered:
0x8: {  	[smem:$0x3F73] =	sst s0  }
0x9: {  	[smem:$0x3F74] =	sst s1  }
0xa: {  	[smem:$0x3F75] =	sst s2  }
0xb: {  	[smem:$0x3F76] =	sst s3  }
0xc: {  	[smem:$0x3F77] =	sst s4  }
0xd: {  	[smem:$0x3F78] =	sst s5  }
0xe: {  	[smem:$0x3F79] =	sst s6  }
0xf: {  	[smem:$0x3F7A] =	sst s7  }
0x10: {  	[smem:$0x3F7B] =	sst s8  }
0x11: {  	[smem:$0x3F7C] =	sst s9;
	s0 =	simm.s32 @!p0 $0x0  }
0x12: {  	s1 =	sld [smem:$0x3F62];
	s0 =	simm.s32 @p0 $0x1  }
0x13: {  	[smem:$0x3F7D] =	sst s0;
	s0 =	simm.s32 @!p1 $0x0  }
0x14: {  	s2 =	sld [smem:$0x3F61];
	s0 =	simm.s32 @p1 $0x1  }
0x15: {  	[smem:$0x3F7E] =	sst s0;
	s0 =	simm.s32 @!p2 $0x0  }
0x16: {  	s3 =	sld [smem:$0x3FDB];
	s0 =	simm.s32 @p2 $0x1  }
0x17: {  	s4 =	simm.s32 $0x1BF5;
	[smem:$0x3F80] =	sst s0  }
0x18: {  	s0 =	sld [smem:$0x3F63];
	_ =	swait.ge [sflag:s4], $0x0  }
0x19: {  	s7 =	sld [smem:$0x3F64]  }
0x1a: {  	s8 =	sadd.s32 $0xFFFFE003, lr  }
0x1b: {  	s9 =	sadd.s32 $0xFFFFFEF7, lr;
	s5 =	simm.s32 $0xFFFFFFFF;
	p2 =	slt.u32 s8, $0xFFFFF086  }
0x1c: {  	p1 =	slt.u32 s9, $0xF7A;
	s5 =	simm.s32 @!p2 $0x0  }
0x1d: {  	s5 =	simm.s32 @p1 $0x1;
	p0 =	seq.s32 s7, s2  }
0x1e: {  	s7 =	smul.u32 @!p0 $0xF7A, s2;
	p2 =	seq.s32 @!p0 s5, $0x0  }
0x1f: {  	s9 =	smul.u32 $0xF7A, s1;
	s8 =	simm.s32 @!p0 $0x1BF5;
	p2 =	por !p2, p0  }
0x20: {  	[sflag:s8] =	ssyncset.s32 @!p0 $0xFFFFF086;
	s6 =	sadd.s32 @!p0 s3, s7;
	s7 =	simm.s32 @!p0 $0x108  }
0x21: {  	s3 =	sadd.s32 s3, s9;
	s6 =	sadd.s32 @!p0 $0x88, s6;
	s7 =	simm.s32 @p2 $0x1082  }
0x22: {  	[simem:s7], [sflag:s8] =	dma.local @!p0 [hbm:s6], $0xF7A  }
0x23: {  	s9 =	sor.u32 $0xD0000000, s2;
	s6 =	simm.s32 $0x108;
	_ =	swait.ge @!p0 [sflag:s8], $0x0  }
0x24: {  	s3 =	sadd.s32 $0x88, s3;
	s6 =	simm.s32 @!p1 $0x1082;
	[sflag:s4] =	ssyncset.s32 $0xFFFFF086  }
0x25: {  	[simem:s6], [sflag:s4] =	dma.local [hbm:s3], $0xF7A  }
0x26: {  	[smem:$0x3F64] =	sst s1;
	(tag) =	ssettag s2;
	_ =	strace s9  }
0x27: {  	s1 =	sld [smem:$0x3F74]  }
0x28: {  	s2 =	sld [smem:$0x3F75]  }
0x29: {  	s4 =	sld [smem:$0x3F77]  }
0x2a: {  	p0 =	seq.s32 s5, $0x0;
	s5 =	sld [smem:$0x3F78]  }
0x2b: {  	s6 =	sld [smem:$0x3F79]  }
0x2c: {  	s7 =	sld [smem:$0x3F7A]  }
0x2d: {  	s3 =	simm.s32 $0x108;
	s8 =	sld [smem:$0x3F7B]  }
0x2e: {  	s3 =	simm.s32 @!p0 $0x1082;
	s9 =	sld [smem:$0x3F7C]  }
0x2f: {  	lr =	sadd.s32 s0, s3;
	s0 =	sld [smem:$0x3F73]  }
0x30: {  	s3 =	sld [smem:$0x3F76]  }
0x31: {  	[smem:$0x3F7F] =	sst s10  }
0x32: {  	s10 =	sld [smem:$0x3F7D];
	_ =	sdelay $0x3  }
0x33: {  	p0 =	seq.s32 s10, $0x1;
	s10 =	sld [smem:$0x3F7F];
	_ =	sdelay $0x3  }
0x34: {  	[smem:$0x3F7F] =	sst s10  }
0x35: {  	s10 =	sld [smem:$0x3F7E];
	_ =	sdelay $0x3  }
0x36: {  	p1 =	seq.s32 s10, $0x1;
	s10 =	sld [smem:$0x3F7F];
	_ =	sdelay $0x3  }
0x37: {  	[smem:$0x3F7F] =	sst s10  }
0x38: {  	s10 =	sld [smem:$0x3F80]  }
0x39: {  	_ = 	snop;
	(pc) =	sbr.ind lr, $3  }
0x3a: {  	_ = 	snop  }
0x3b: {  	_ = 	snop  }
0x3c: {  	p2 =	seq.s32 s10, $0x1;
	s10 =	sld [smem:$0x3F7F]  }
0x3d: {  	_ =	shalt  }
0x3e: {  	_ =	shalt  }
0x3f: {  	_ =	shalt  }
0x40: {  	_ =	shalt  }
0x41: {  	_ =	shalt  }
0x42: {  	_ =	shalt  }
0x43: {  	_ =	shalt  }
0x44: {  	_ =	shalt  }
0x45: {  	_ =	shalt  }
0x46: {  	_ =	shalt  }
0x47: {  	_ =	shalt  }
0x48: {  	_ =	shalt  }
0x49: {  	_ =	shalt  }
0x4a: {  	_ =	shalt  }
0x4b: {  	_ =	shalt  }
0x4c: {  	_ =	shalt  }
0x4d: {  	_ =	shalt  }
0x4e: {  	_ =	shalt  }
0x4f: {  	_ =	shalt  }
0x50: {  	_ =	shalt  }
0x51: {  	_ =	shalt  }
0x52: {  	_ =	shalt  }
0x53: {  	_ =	shalt  }
0x54: {  	_ =	shalt  }
0x55: {  	_ =	shalt  }
0x56: {  	_ =	shalt  }
0x57: {  	_ =	shalt  }
0x58: {  	_ =	shalt  }
0x59: {  	_ =	shalt  }
0x5a: {  	_ =	shalt  }
0x5b: {  	_ =	shalt  }
0x5c: {  	_ =	shalt  }
0x5d: {  	_ =	shalt  }
0x5e: {  	_ =	shalt  }
0x5f: {  	_ =	shalt  }
0x60: {  	_ =	shalt  }
0x61: {  	_ =	shalt  }
0x62: {  	_ =	shalt  }
0x63: {  	_ =	shalt  }
0x64: {  	_ =	shalt  }
0x65: {  	_ =	shalt  }
0x66: {  	_ =	shalt  }
0x67: {  	_ =	shalt  }
0x68: {  	_ =	shalt  }
0x69: {  	_ =	shalt  }
0x6a: {  	_ =	shalt  }
0x6b: {  	_ =	shalt  }
0x6c: {  	_ =	shalt  }
0x6d: {  	_ =	shalt  }
0x6e: {  	_ =	shalt  }
0x6f: {  	_ =	shalt  }
0x70: {  	_ =	shalt  }
0x71: {  	_ =	shalt  }
0x72: {  	_ =	shalt  }
0x73: {  	_ =	shalt  }
0x74: {  	_ =	shalt  }
0x75: {  	_ =	shalt  }
0x76: {  	_ =	shalt  }
0x77: {  	_ =	shalt  }
0x78: {  	_ =	shalt  }
0x79: {  	_ =	shalt  }
0x7a: {  	_ =	shalt  }
0x7b: {  	_ =	shalt  }
0x7c: {  	_ =	shalt  }
0x7d: {  	_ =	shalt  }
0x7e: {  	_ =	shalt  }
0x7f: {  	_ =	shalt  }
0x80: {  	_ =	shalt  }
0x81: {  	_ =	shalt  }
0x82: {  	_ =	shalt  }
0x83: {  	_ =	shalt  }
0x84: {  	_ =	shalt  }
0x85: {  	_ =	shalt  }
0x86: {  	_ =	shalt  }
0x87: {  	_ =	shalt  }
.Lfunc_end0:
.L_simem_size_0:
called_computation_lowered:
.L_overlay_start_0:
0x88: {  	s0 =	sld [smem:$0x3FD9]  }
0x89: {  	s1 =	sld [smem:$0x3FFE];
	_ =	sdelay $0x3  }
0x8a: {  	s0 =	sadd.s32 s1, s0  }
0x8b: {  	[smem:$0x3F8B] =	sst s0  }
0x8c: {  	_ = 	snop  }
0x8d: {  	s0 =	sld [smem:$0x3FD0];
	_ =	sdelay $0x2  }
0x8e: {  	s13 =	simm.s32 $0xB;
	s2 =	simm.s32 $0x10  }
0x8f: {  	[smem:s2], [sflag:s13] =	dma.local [hbm:s0], $0x1  }
0x90: {  	_ =	swait.eq [sflag:s13], $0x1  }
0x91: {  	[sflag:s13] =	ssyncset.done $0x0  }
0x92: {  	[sflag:s13] =	ssyncadd.s32 $0xFFFFFFFF  }
0x93: {  	s14 =	sld [smem:$0x10];
	(tm) =	ssettm $0x1  }
0x94: {  	s15 =	sld [smem:$0x3FFB];
	_ =	sdelay $0x3  }
0x95: {  	_ =	strace s15  }
0x96: {  	s1 =	sld [smem:$0x3FFC];
	_ =	sdelay $0x3  }
0x97: {  	_ =	strace s1  }
0x98: {  	s1 =	sld [smem:$0x3FFD];
	_ =	sdelay $0x3  }
0x99: {  	_ =	strace s1  }
0x9a: {  	_ =	strace $0x8FFFFFFF  }
0x9b: {  	s16 =	sld [smem:$0x3FDB];
	_ =	sdelay $0x1  }
0x9c: {  	s17 =	simm.s32 $_scs_section_size  }
0x9d: {  	s3 =	simm.s32 $_size__tile_overlayer_lowered;
	s4 =	simm.s32 $_tile_overlayer_lowered  }
0x9e: {  	s20 =	simm.s32 $0x1BFF;
	s19 =	sshll.u32 s4, $0x1;
	s1 =	sadd.s32 s17, s16  }
0x9f: {  	s5 =	simm.s32 $0x0;
	s18 =	sshll.u32 s3, $0x1;
	s3 =	sadd.s32 s19, s1  }
0xa0: {  	[timem:s5], [sflag:s20] =	dma.local [hbm:s3], s18  }
0xa1: {  	_ =	swait.ge [sflag:s20], s18  }
0xa2: {  	s2 =	ssub.s32 $0x0, s18;
	[sflag:s20] =	ssyncset.done $0x0  }
0xa3: {  	[sflag:s20] =	ssyncadd.s32 s2;
	_ =	sdelay $0x1  }
0xa4: {  	s21 =	simm.s32 $0x1B8B  }
0xa5: {  	_ =	swait.ge [sflag:s21], $0x1  }
0xa6: {  	[sflag:s21] =	ssyncset.done $0x0  }
0xa7: {  	s23 =	simm.s32 $0x1B8E;
	s22 =	sld [smem:$0x3FFE];
	[sflag:s21] =	ssyncadd.s32 $0xFFFFFFFF  }
0xa8: {  	s24 =	simm.s32 $execute0_lowered;
	[smem:$0x3FD2] =	sst s23  }
0xa9: {  	s3 =	sshll.u32 s24, $0x1;
	_ =	strace $0x80000046;
	[dreg:$0x1] =	wrdreg $0xFFFFFFFF  }
0xaa: {  	s25 =	simm.s32 $_size_execute0_lowered;
	s1 =	sadd.s32 s1, s3;
	[dreg:$0x0] =	wrdreg $0x0  }
0xab: {  	s3 =	sshll.u32 s25, $0x1;
	[dreg:$0x2] =	wrdreg s1  }
0xac: {  	[dreg:$0x3] =	wrdreg s3  }
0xad: {  	[dreg:$0x4] =	wrdreg $0xC0  }
0xae: {  	_ =	task [dreg:s5], $0x5FFFF  }
0xaf: {  	[dreg:$0x1] =	wrdreg $0xFFFFFFFF  }
0xb0: {  	[dreg:$0x0] =	wrdreg $0x60  }
0xb1: {  	[dreg:$0x2] =	wrdreg s14  }
0xb2: {  	[dreg:$0x3] =	wrdreg s22  }
0xb3: {  	[dreg:$0x4] =	wrdreg $0x9  }
0xb4: {  	_ =	task.clear_ibuf [dreg:s5], $0x5FFFF;
	_ =	strace $0x90000046  }
0xb5: {  	s26 =	simm.s32 $0x9;
	_ =	strace $0x80000048  }
0xb6: {  	_ =	swait.ge [sflag:s26], $0x1  }
0xb7: {  	[sflag:s26] =	ssyncadd.s32 $0xFFFFFFFF  }
0xb8: {  	_ =	strace $0x90000048  }
0xb9: {  	_ =	sfence  }
0xba: {  	s28 =	sld [smem:$0x0];
	_ =	sdelay $0x1  }
0xbb: {  	s29 =	srdreg.scid  }
0xbc: {  	s30 =	sshll.u32 s29, $0xD;
	s31 =	sshrl.u32 s29, $0x2  }
0xbd: {  	s2 =	sand.u32 $0x4000, s30;
	s1 =	sand.u32 $0x1, s29;
	s0 =	sadd.s32 s31, s28  }
0xbe: {  	s1 =	sor.u32 s2, s1;
	s0 =	sshll.u32 s0, $0x11  }
0xbf: {  	s0 =	sor.u32 s0, s1  }
0xc0: {  	s0 =	sadd.s32 $0x8F2B, s0  }
0xc1: {  	[sflag:s0] =	ssyncadd.remote.s32 $0x1  }
0xc2: {  	_ =	sfence.sel $0xFFFF  }
0xc3: {  	[dreg:$0x0] =	wrdreg $0xFFFFFFFF;
	(pc) =	sbr.abs _section_cstart, $3  }
0xc4: {  	[dreg:$0x1] =	wrdreg $0xFFFFFFFF  }
0xc5: {  	_ =	task.clear_ibuf [dreg:s5], $0x2FFFF;
	_ =	strace $0x9FFFFFFF  }
0xc6: {  	(tm) =	ssettm $0x7FFFFFFF  }
0xc7: {  	_ =	shalt  }
tec
execute0_lowered:
.L_overlay_start_1:
0x0: {  	(tag) =	ssettag $0x1  }
0x1: {  	s1 =	rddreg [dreg:$0x0]  }
0x2: {  	s7 =	rddreg [dreg:$0x1]  }
0x3: {  	s0 =	rddreg [dreg:$0x2]  }
0x4: {  	s3 =	stileid.u32;
	_ =	strace $0x80000047;
	s5 =	simm.s32 $0x3E  }
0x5: {  	p0 =	sne.s32 s3, $0x0;
	[sflag:s5] =	ssyncpa.u1 $0x0  }
0x6: {  	s29 =	smin.u32 s3, $0x2;
	s2 =	simm.s32 @!p0 $0x1C3E;
	s4 =	simm.s32 @!p0 $0x0  }
0x7: {  	[spmem:s4], [sflag:s2] =	dma.local @!p0 [hbm:s1], $0x100  }
0x8: {  	s2 =	sadd.s32 s3, s29  }
0x9: {  	p1 =	slt.u32 s3, $0x2;
	s3 =	simm.s32 $0x1C0;
	s2 =	smul.u32 $0xE0, s2  }
0xa: {  	s3 =	simm.s32 @!p1 $0xE0  }
0xb: {  	s3 =	sadd.s32 s3, s2  }
0xc: {  	s3 =	smin.u32 s3, $0xFC0  }
0xd: {  	s6 =	ssub.s32 s3, s2  }
0xe: {  	p1 =	sgt.s32 s6, $0x0  }
0xf: {  	s6 =	simm.s32 @!p1 $0x0  }
0x10: {  	s30 =	sand.u32 $0xFFE0, s6  }
0x11: {  	s8 =	simm.s32 @!p0 $0x3E;
	s4 =	sshrl.u32 s30, $0x5  }
0x12: {  	_ =	swait.ge @!p0 [sflag:s8], $0x100;
	s4 =	smul.u32 $0x2493, s4  }
0x13: {  	[sflag:s8] =	ssyncset.done @!p0 $0x0  }
0x14: {  	s10 =	simm.s32 $0x0;
	[sflag:s8] =	ssyncadd.s32 @!p0 $0xFFFFFF00;
	s31 =	sshrl.u32 s4, $0x10  }
0x15: {  	s11 =	simm.s32 $0x0;
	[bflag:$0x0] =	sbarrier.arrive $0xFFFF;
	s9 =	smul.u32 $0xE0, s31  }
.Ltmp0:
0x16: {  	s12 =	smov.u32 s2;
	[sflag:s5] =	ssyncpa.u1 $0x1;
	(pc) =	sbr.rel .LBB2_1-.Ltmp0, $4  }
0x17: {  	s5 =	simm.s32 $0x1;
	p1 =	sne.s32 s6, s9;
	s9 =	simm.s32 $0x1  }
0x18: {  	[sflag:s5] =	ssyncpa.u1 $0x0;
	(ifvalue) =	ssetifvalue $0x800;
	s9 =	simm.s32 @!p1 $0x0  }
0x19: {  	s4 =	sadd.s32 $0x5A00, s7;
	s6 =	simm.s32 $0x2;
	s8 =	sadd.s32 s31, s9  }
0x1a: {  	vm0 =	vmmov $0xffff;
	s7 =	sadd.s32 $0x6000, s7;
	[sflag:s6] =	ssyncpa.u1 $0x0;
	s9 =	sadd.s32 $0x1, s8  }
.LBB2_3:
0x1b: {  	s11 =	sadd.s32 $0x1, s11  }
0x1c: {  	p2 =	sne.s32 s9, s11  }
.Ltmp1:
0x1d: {  	_ = 	snop;
	(pc) =	sbr.rel @!p2 .LBB2_4-.Ltmp1, $4  }
0x1e: {  	_ = 	snop  }
0x1f: {  	s13 =	sadd.s32 $0xE0, s12  }
0x20: {  	s12 =	smov.u32 s2;
	p1 =	slt.s32 s13, s3  }
0x21: {  	s12 =	smov.u32 @p1 s13  }
.LBB2_1:
0x22: {  	p1 =	sge.u32 s11, s8  }
0x23: {  	s13 =	sxor.u32 @!p1 $0xFFFFFFFF, s11  }
0x24: {  	s13 =	sand.u32 @!p1 $0x1, s13  }
0x25: {  	s13 =	smul.u32 @!p1 $0xE0, s13  }
0x26: {  	s14 =	sshrl.u32 @!p1 s12, $0x3  }
0x27: {  	s17 =	sand.u32 @!p1 $0x7, s12;
	s15 =	sadd.s32 @!p1 s4, s14;
	s16 =	sadd.s32 @!p1 $0x80, s13  }
0x28: {  	[tilespmem:s16], [sflag:$0x2] =	stream.linear.gather @!p1 [hbm4b:s15+s17], $0xE0, $0x38;
	[tilespmem:$0x400] =	vst v63  }
0x29: {  	s14 =	sadd.s32 @!p1 s7, s14;
	s13 =	sadd.s32 @!p1 $0x240, s13  }
0x2a: {  	[tilespmem:s13], [sflag:$0x2] =	stream.linear.gather @!p1 [hbm4b:s14+s17], $0xE0, $0x38;
	[tilespmem:$0x400] =	vst v63  }
0x2b: {  	p1 =	seq.s32 s11, $0x0  }
.Ltmp2:
0x2c: {  	_ = 	snop;
	(pc) =	sbr.rel @p1 .LBB2_3-.Ltmp2, $1  }
0x2d: {  	_ =	sdelay $0x3  }
0x2e: {  	_ =	swait.ge [sflag:s6], $0x1C0;
	s13 =	sand.u32 $0x1, s11  }
0x2f: {  	[sflag:s6] =	ssyncset.done $0x0;
	p1 =	seq.s32 s13, $0x1;
	s13 =	simm.s32 $0xE0  }
0x30: {  	[sflag:s6] =	ssyncadd.s32 $0xFFFFFE40;
	s13 =	simm.s32 @!p1 $0x0  }
0x31: {  	v0 =	vld.msk [tilespmem:s13+$0x80 ss:$0x1], $0xffff;
	_ =	sdelay $0x4  }
0x32: {  	v0 =	vmin.u32 v0, $0x800;
	_ =	sdelay $0x3  }
0x33: {  	s14 =	sadd.s32 $0x240, s13  }
0x34: {  	[spmem:s10] =	stream.indirect_vreg.scatter.add.s32 [tilespmem:s14], [sflag:$0x1], $0x1, v0, vm0, $0x4038;
	[tilespmem:$0x400] =	vst v63  }
0x35: {  	v0 =	vld.msk [tilespmem:s13+$0x90 ss:$0x1], $0xffff;
	_ =	sdelay $0x4  }
0x36: {  	v0 =	vmin.u32 v0, $0x800;
	_ =	sdelay $0x3  }
0x37: {  	s17 =	sadd.s32 $0x250, s13  }
0x38: {  	[spmem:s10] =	stream.indirect_vreg.scatter.add.s32 [tilespmem:s17], [sflag:$0x1], $0x1, v0, vm0, $0x4038;
	[tilespmem:$0x400] =	vst v63  }
0x39: {  	v0 =	vld.msk [tilespmem:s13+$0xA0 ss:$0x1], $0xffff;
	_ =	sdelay $0x4  }
0x3a: {  	v0 =	vmin.u32 v0, $0x800;
	_ =	sdelay $0x3  }
0x3b: {  	s18 =	sadd.s32 $0x260, s13  }
0x3c: {  	[spmem:s10] =	stream.indirect_vreg.scatter.add.s32 [tilespmem:s18], [sflag:$0x1], $0x1, v0, vm0, $0x4038;
	[tilespmem:$0x400] =	vst v63  }
0x3d: {  	v0 =	vld.msk [tilespmem:s13+$0xB0 ss:$0x1], $0xffff;
	_ =	sdelay $0x4  }
0x3e: {  	v0 =	vmin.u32 v0, $0x800;
	_ =	sdelay $0x3  }
0x3f: {  	s19 =	sadd.s32 $0x270, s13  }
0x40: {  	[spmem:s10] =	stream.indirect_vreg.scatter.add.s32 [tilespmem:s19], [sflag:$0x1], $0x1, v0, vm0, $0x4038;
	[tilespmem:$0x400] =	vst v63  }
0x41: {  	v0 =	vld.msk [tilespmem:s13+$0xC0 ss:$0x1], $0xffff;
	_ =	sdelay $0x4  }
0x42: {  	v0 =	vmin.u32 v0, $0x800;
	_ =	sdelay $0x3  }
0x43: {  	s20 =	sadd.s32 $0x280, s13  }
0x44: {  	[spmem:s10] =	stream.indirect_vreg.scatter.add.s32 [tilespmem:s20], [sflag:$0x1], $0x1, v0, vm0, $0x4038;
	[tilespmem:$0x400] =	vst v63  }
0x45: {  	v0 =	vld.msk [tilespmem:s13+$0xD0 ss:$0x1], $0xffff;
	_ =	sdelay $0x4  }
0x46: {  	v0 =	vmin.u32 v0, $0x800;
	_ =	sdelay $0x3  }
0x47: {  	s21 =	sadd.s32 $0x290, s13  }
0x48: {  	[spmem:s10] =	stream.indirect_vreg.scatter.add.s32 [tilespmem:s21], [sflag:$0x1], $0x1, v0, vm0, $0x4038;
	[tilespmem:$0x400] =	vst v63  }
0x49: {  	v0 =	vld.msk [tilespmem:s13+$0xE0 ss:$0x1], $0xffff;
	_ =	sdelay $0x4  }
0x4a: {  	v0 =	vmin.u32 v0, $0x800;
	_ =	sdelay $0x3  }
0x4b: {  	s22 =	sadd.s32 $0x2A0, s13  }
0x4c: {  	[spmem:s10] =	stream.indirect_vreg.scatter.add.s32 [tilespmem:s22], [sflag:$0x1], $0x1, v0, vm0, $0x4038;
	[tilespmem:$0x400] =	vst v63  }
0x4d: {  	v0 =	vld.msk [tilespmem:s13+$0xF0 ss:$0x1], $0xffff;
	_ =	sdelay $0x4  }
0x4e: {  	v0 =	vmin.u32 v0, $0x800;
	_ =	sdelay $0x3  }
0x4f: {  	s23 =	sadd.s32 $0x2B0, s13;
	s24 =	sor.u32 $0x100, s13  }
0x50: {  	[spmem:s10] =	stream.indirect_vreg.scatter.add.s32 [tilespmem:s23], [sflag:$0x1], $0x1, v0, vm0, $0x4038;
	[tilespmem:$0x400] =	vst v63  }
0x51: {  	v0 =	vld.msk [tilespmem:s24+$0x0 ss:$0x1], $0xffff;
	_ =	sdelay $0x4  }
0x52: {  	v0 =	vmin.u32 v0, $0x800;
	_ =	sdelay $0x3  }
0x53: {  	s25 =	sadd.s32 $0x2C0, s13;
	s26 =	sor.u32 $0x110, s13  }
0x54: {  	[spmem:s10] =	stream.indirect_vreg.scatter.add.s32 [tilespmem:s25], [sflag:$0x1], $0x1, v0, vm0, $0x4038;
	[tilespmem:$0x400] =	vst v63  }
0x55: {  	v0 =	vld.msk [tilespmem:s26+$0x0 ss:$0x1], $0xffff;
	_ =	sdelay $0x4  }
0x56: {  	v0 =	vmin.u32 v0, $0x800;
	_ =	sdelay $0x3  }
0x57: {  	s28 =	sadd.s32 $0x2D0, s13  }
0x58: {  	[spmem:s10] =	stream.indirect_vreg.scatter.add.s32 [tilespmem:s28], [sflag:$0x1], $0x1, v0, vm0, $0x4038;
	[tilespmem:$0x400] =	vst v63  }
0x59: {  	v0 =	vld.msk [tilespmem:s13+$0x120 ss:$0x1], $0xffff;
	_ =	sdelay $0x4  }
0x5a: {  	v0 =	vmin.u32 v0, $0x800;
	_ =	sdelay $0x3  }
0x5b: {  	s29 =	sadd.s32 $0x2E0, s13  }
0x5c: {  	[spmem:s10] =	stream.indirect_vreg.scatter.add.s32 [tilespmem:s29], [sflag:$0x1], $0x1, v0, vm0, $0x4038;
	[tilespmem:$0x400] =	vst v63  }
0x5d: {  	v0 =	vld.msk [tilespmem:s13+$0x130 ss:$0x1], $0xffff;
	_ =	sdelay $0x4  }
0x5e: {  	v0 =	vmin.u32 v0, $0x800;
	_ =	sdelay $0x3  }
0x5f: {  	s30 =	sadd.s32 $0x2F0, s13  }
0x60: {  	[spmem:s10] =	stream.indirect_vreg.scatter.add.s32 [tilespmem:s30], [sflag:$0x1], $0x1, v0, vm0, $0x4038;
	[tilespmem:$0x400] =	vst v63  }
0x61: {  	v0 =	vld.msk [tilespmem:s13+$0x140 ss:$0x1], $0xffff;
	_ =	sdelay $0x4  }
0x62: {  	v0 =	vmin.u32 v0, $0x800;
	_ =	sdelay $0x3  }
0x63: {  	s31 =	sor.u32 $0x300, s13  }
0x64: {  	[spmem:s10] =	stream.indirect_vreg.scatter.add.s32 [tilespmem:s31], [sflag:$0x1], $0x1, v0, vm0, $0x4038;
	[tilespmem:$0x400] =	vst v63  }
0x65: {  	v0 =	vld.msk [tilespmem:s13+$0x150 ss:$0x1], $0xffff;
	_ =	sdelay $0x4  }
0x66: {  	v0 =	vmin.u32 v0, $0x800;
	_ =	sdelay $0x3  }
.Ltmp3:
0x67: {  	s13 =	sor.u32 $0x310, s13;
	(pc) =	sbr.rel .LBB2_3-.Ltmp3, $4  }
0x68: {  	[spmem:s10] =	stream.indirect_vreg.scatter.add.s32 [tilespmem:s13], [sflag:$0x1], $0x1, v0, vm0, $0x4038;
	[tilespmem:$0x400] =	vst v63  }
0x69: {  	_ =	swait.ge [sflag:s5], $0xE0  }
0x6a: {  	[sflag:s5] =	ssyncset.done $0x0  }
0x6b: {  	[sflag:s5] =	ssyncadd.s32 $0xFFFFFF20  }
.LBB2_4:
0x6c: {  	_ =	sfence.sel $0x180000  }
0x6d: {  	s2 =	simm.s32 $0x2;
	[bflag:$0x0] =	sbarrier.arrive $0xFFFF  }
0x6e: {  	s30 =	simm.s32 $0x1;
	[sflag:s2] =	ssyncpa.u1 $0x1  }
0x6f: {  	[sflag:s30] =	ssyncpa.u1 $0x1  }
0x70: {  	_ =	sfence.stream.spmem  }
0x71: {  	s31 =	simm.s32 $0x3D;
	[bflag:$0x0] =	sbarrier.arrive $0xFFFF  }
0x72: {  	s2 =	simm.s32 @p0 $0x3D;
	[sflag:s31] =	ssyncpa.u1 $0x0  }
0x73: {  	[sflag:s2] =	ssyncpa.u1 @p0 $0x1  }
0x74: {  	[bflag:$0x0] =	sbarrier.arrive @p0 $0xFFFF  }
0x75: {  	_ =	strace @p0 $0x90000047  }
0x76: {  	s3 =	simm.s32 @!p0 $0x1C3D;
	s2 =	simm.s32 @!p0 $0x0;
	[bflag:$0x2] =	sbarrier.arrive @p0 $0xFFFF  }
0x77: {  	[hbm:s1], [sflag:s3] =	dma.local @!p0 [spmem:s2], $0x100  }
0x78: {  	s1 =	simm.s32 @!p0 $0x3D  }
0x79: {  	_ =	swait.ge @!p0 [sflag:s1], $0x100  }
0x7a: {  	[sflag:s1] =	ssyncset.done @!p0 $0x0  }
0x7b: {  	[sflag:s1] =	ssyncadd.s32 @!p0 $0xFFFFFF00  }
0x7c: {  	[sflag:s1] =	ssyncpa.u1 @!p0 $0x1  }
0x7d: {  	[bflag:$0x0] =	sbarrier.arrive @!p0 $0xFFFF  }
0x7e: {  	_ =	strace @!p0 $0x90000047  }
0x7f: {  	s0 =	sadd.s32 @!p0 $0x100000, s0;
	[bflag:$0x2] =	sbarrier.arrive @!p0 $0xFFFF  }
0x80: {  	[sflag:s0] =	ssyncadd.tile.s32 @!p0 $0x1;
	_ =	shalt  }
.Lfunc_end2:
_tile_overlayer_lowered:
.L_overlay_start_2:
0x81: {  	(tag) =	ssettag $0x2  }
0x82: {  	s0 =	rddreg [dreg:$0x0];
	s2 =	stileid.u32  }
0x83: {  	s1 =	rddreg [dreg:$0x1];
	p0 =	sne.s32 s2, $0x0  }
0x84: {  	s3 =	rddreg [dreg:$0x2];
	[bflag:$0x3] =	sbarrier.arrive $0xFFFF;
	s2 =	simm.s32 @!p0 $0x1C01  }
0x85: {  	[timem:s3], [sflag:s2] =	dma.local @!p0 [hbm:s0], s1  }
0x86: {  	s0 =	simm.s32 @!p0 $0x1  }
0x87: {  	_ =	swait.ge @!p0 [sflag:s0], s1  }
0x88: {  	s1 =	ssub.s32 @!p0 $0x0, s1;
	[sflag:s0] =	ssyncset.done @!p0 $0x0  }
0x89: {  	[sflag:s0] =	ssyncadd.s32 @!p0 s1  }
0x8a: {  	[bflag:$0x3] =	sbarrier.arrive $0xFFFF  }
0x8b: {  	_ =	shalt  }

</sc_bundles>
